<compile_context>
chip_gen: v7x
topology: tpu7x:2x2x1
jax: 0.10.2.dev20260603
libtpu: 0.0.44.dev20260713+nightly
codegen_flags: <defaults>
</compile_context>

<pallas_src>
import functools

import jax
import jax.numpy as jnp
from jax import lax
from jax.experimental import pallas as pl
from jax.experimental.pallas import tpu as pltpu
from jax.experimental.pallas import tpu_sc as plsc

NSP = 259200
NSPH = 2883
SPH_PAD = 2944
LATENT = 128
NE = 600000
NW = 32
B_PER_W = 18944
NE_PAD = NW * B_PER_W
CHUNK = 128
STEPS = 3

_f32 = jnp.float32


def _ln(x, scale, offset):
    mu = jnp.mean(x, axis=-1, keepdims=True)
    var = jnp.mean((x - mu) ** 2, axis=-1, keepdims=True)
    return (x - mu) * lax.rsqrt(var + 1e-5) * scale + offset


def _dot(a, b):
    return jnp.dot(a, b, preferred_element_type=_f32)



def _mlp2_body(x_ref, w1, b1, s1, o1, w2, b2, s2, o2, out_ref):
    h = _dot(x_ref[...], w1[...]) + b1[...]
    h = _ln(jnp.maximum(h, 0.0), s1[...], o1[...])
    o = _dot(h, w2[...]) + b2[...]
    out_ref[...] = _ln(jnp.maximum(o, 0.0), s2[...], o2[...])


def _mlp2(x, w1, b1, s1, o1, w2, b2, s2, o2, block):
    M, K = x.shape
    N = w2.shape[1]
    params = [w1, b1[None, :], s1[None, :], o1[None, :],
              w2, b2[None, :], s2[None, :], o2[None, :]]
    in_specs = [pl.BlockSpec((block, K), lambda i: (i, 0))]
    in_specs += [pl.BlockSpec(p.shape, lambda i: (0, 0)) for p in params]
    return pl.pallas_call(
        _mlp2_body,
        grid=(pl.cdiv(M, block),),
        in_specs=in_specs,
        out_specs=pl.BlockSpec((block, N), lambda i: (i, 0)),
        out_shape=jax.ShapeDtypeStruct((M, N), _f32),
    )(x, *params)


def _edge_body(e_ref, snd_ref, rcv_ref, wa, wb, wc, b1, s1, o1,
               w2, b2, s2, o2, out_ref):
    h = (_dot(e_ref[...], wa[...]) + _dot(snd_ref[...], wb[...])
         + _dot(rcv_ref[...], wc[...]) + b1[...])
    h = _ln(jnp.maximum(h, 0.0), s1[...], o1[...])
    o = _dot(h, w2[...]) + b2[...]
    out_ref[...] = _ln(jnp.maximum(o, 0.0), s2[...], o2[...])


def _edge_mlp(e, snd, rcv, wa, wb, wc, b1, s1, o1, w2, b2, s2, o2, block):
    params = [wa, wb, wc, b1[None, :], s1[None, :], o1[None, :],
              w2, b2[None, :], s2[None, :], o2[None, :]]
    in_specs = [pl.BlockSpec((block, LATENT), lambda i: (i, 0))] * 3
    in_specs += [pl.BlockSpec(p.shape, lambda i: (0, 0)) for p in params]
    return pl.pallas_call(
        _edge_body,
        grid=(NE_PAD // block,),
        in_specs=in_specs,
        out_specs=pl.BlockSpec((block, LATENT), lambda i: (i, 0)),
        out_shape=jax.ShapeDtypeStruct((NE_PAD, LATENT), _f32),
    )(e, snd, rcv, *params)


def _sphere_body(s_ref, p_ref, wa, wb, b1, s1, o1, w2, b2, s2, o2, out_ref):
    agg = p_ref[0] + p_ref[1]
    h = _dot(s_ref[...], wa[...]) + _dot(agg, wb[...]) + b1[...]
    h = _ln(jnp.maximum(h, 0.0), s1[...], o1[...])
    o = _dot(h, w2[...]) + b2[...]
    out_ref[...] = _ln(jnp.maximum(o, 0.0), s2[...], o2[...])


def _sphere_step(sph, partials, wa, wb, b1, s1, o1, w2, b2, s2, o2):
    return pl.pallas_call(
        _sphere_body,
        out_shape=jax.ShapeDtypeStruct((SPH_PAD, LATENT), _f32),
    )(sph, partials, wa, wb, b1[None, :], s1[None, :], o1[None, :],
      w2, b2[None, :], s2[None, :], o2[None, :])



def _sc_gather(grid_tbl, sph_tbl, snd_idx, rcv_idx):
    mesh = plsc.VectorSubcoreMesh(core_axis_name="c", subcore_axis_name="s")
    oshape = jax.ShapeDtypeStruct((NE_PAD, LATENT), _f32)

    @functools.partial(
        pl.kernel, mesh=mesh,
        out_type=(oshape, oshape),
        scratch_types=[pltpu.VMEM((CHUNK,), jnp.int32),
                       pltpu.VMEM((CHUNK, LATENT), _f32),
                       pltpu.SemaphoreType.DMA],
    )
    def k(grid_hbm, sph_hbm, sidx_hbm, ridx_hbm, snd_out, rcv_out,
          idx_v, rows_v, sem):
        wid = lax.axis_index("s") * 2 + lax.axis_index("c")
        base = wid * B_PER_W

        def run(tbl, idx_hbm, out_hbm):
            def body(i, carry):
                off = base + i * CHUNK
                pltpu.sync_copy(idx_hbm.at[pl.ds(off, CHUNK)], idx_v)
                pltpu.async_copy(tbl.at[idx_v], rows_v, sem).wait()
                pltpu.sync_copy(rows_v, out_hbm.at[pl.ds(off, CHUNK)])
                return carry
            lax.fori_loop(0, B_PER_W // CHUNK, body, 0)

        run(grid_hbm, sidx_hbm, snd_out)
        run(sph_hbm, ridx_hbm, rcv_out)

    return k(grid_tbl, sph_tbl, snd_idx, rcv_idx)


def _sc_scatter(e, rcv_idx, zeros_tbl):
    mesh = plsc.VectorSubcoreMesh(core_axis_name="c", subcore_axis_name="s")

    @functools.partial(
        pl.kernel, mesh=mesh,
        out_type=jax.ShapeDtypeStruct((2, SPH_PAD, LATENT), _f32),
        scratch_types=[pltpu.VMEM((CHUNK,), jnp.int32),
                       pltpu.VMEM((CHUNK, LATENT), _f32),
                       pltpu.VMEM_SHARED((SPH_PAD, LATENT), _f32),
                       pltpu.SemaphoreType.DMA],
    )
    def k(e_hbm, ridx_hbm, zero_hbm, out_hbm, idx_v, rows_v, acc_sh, sem):
        c = lax.axis_index("c")
        s = lax.axis_index("s")
        wid = s * 2 + c
        base = wid * B_PER_W

        @pl.when(s == 0)
        def _():
            pltpu.sync_copy(zero_hbm, acc_sh)
        plsc.subcore_barrier()

        def body(i, carry):
            off = base + i * CHUNK
            pltpu.sync_copy(ridx_hbm.at[pl.ds(off, CHUNK)], idx_v)
            pltpu.sync_copy(e_hbm.at[pl.ds(off, CHUNK)], rows_v)
            pltpu.sync_copy(rows_v, acc_sh.at[idx_v], add=True)
            return carry
        lax.fori_loop(0, B_PER_W // CHUNK, body, 0)
        plsc.subcore_barrier()

        nout = SPH_PAD // CHUNK
        @pl.when(s < nout)
        def _():
            pltpu.sync_copy(acc_sh.at[pl.ds(s * CHUNK, CHUNK)],
                            out_hbm.at[c, pl.ds(s * CHUNK, CHUNK)])

        @pl.when(s + 16 < nout)
        def _():
            pltpu.sync_copy(acc_sh.at[pl.ds((s + 16) * CHUNK, CHUNK)],
                            out_hbm.at[c, pl.ds((s + 16) * CHUNK, CHUNK)])

    return k(e, rcv_idx, zeros_tbl)



def kernel(grid_nodes, sphere_nodes, edge_feats, senders, receivers, params):
    pad_e = NE_PAD - NE
    snd_idx = jnp.concatenate(
        [senders.astype(jnp.int32), jnp.zeros((pad_e,), jnp.int32)])
    rcv_idx = jnp.concatenate(
        [receivers.astype(jnp.int32), jnp.full((pad_e,), NSPH, jnp.int32)])
    ef = jnp.concatenate([edge_feats, jnp.zeros((pad_e, 3), _f32)], axis=0)
    sph_in = jnp.concatenate(
        [sphere_nodes, jnp.zeros((SPH_PAD - NSPH, LATENT), _f32)], axis=0)
    zeros_tbl = jnp.zeros((SPH_PAD, LATENT), _f32)

    def unpack(p):
        return p['W'], p['b'], p['scale'], p['offset']

    ps1, ps2 = params['sender']
    g = _mlp2(grid_nodes, *unpack(ps1), *unpack(ps2), block=1024)
    pr1, pr2 = params['receiver']
    sph = _mlp2(sph_in, *unpack(pr1), *unpack(pr2), block=SPH_PAD)
    pe1, pe2 = params['edge0']
    e = _mlp2(ef, *unpack(pe1), *unpack(pe2), block=1024)

    for t in range(STEPS):
        pedge1, pedge2 = params['edge'][t]
        pnode1, pnode2 = params['node'][t]
        snd_buf, rcv_buf = _sc_gather(g, sph, snd_idx, rcv_idx)
        w1 = pedge1['W']
        e = _edge_mlp(e, snd_buf, rcv_buf,
                      w1[:LATENT], w1[LATENT:2 * LATENT], w1[2 * LATENT:],
                      pedge1['b'], pedge1['scale'], pedge1['offset'],
                      *unpack(pedge2), block=1024)
        partials = _sc_scatter(e, rcv_idx, zeros_tbl)
        wn = pnode1['W']
        g = _mlp2(g, wn[:LATENT], pnode1['b'], pnode1['scale'],
                  pnode1['offset'], *unpack(pnode2), block=1024)
        sph = _sphere_step(sph, partials, wn[:LATENT], wn[LATENT:],
                           pnode1['b'], pnode1['scale'], pnode1['offset'],
                           *unpack(pnode2))

    return jnp.concatenate([g, sph[:NSPH]], axis=0)

# --- scband reference (transcript-rebuilt; emitter-appended) ---
"""Pipeline reference for scband-weather-prediction-54073638257190 (READ-ONLY COPY).

The authoritative reference and input builder live on the scoring server;
editing this copy changes nothing except your own understanding.
"""

import jax, jax.numpy as jnp
import numpy as np

N_LAT = 360
N_LON = 720
N_SPATIAL = N_LAT * N_LON
N_SPHERE = 2883
N_TOTAL = N_SPATIAL + N_SPHERE
LATENT = 128
N_FEATURES = 6 * 13
N_EDGES = 600000
STEPS = 3


def _mlp_params(key, widths):
    ps = []
    for i in range(len(widths) - 1):
        key, k1 = jax.random.split(key)
        W = jax.random.normal(k1, (widths[i], widths[i + 1]), dtype=jnp.float32) / np.sqrt(widths[i])
        ps.append({
            'W': W,
            'b': jnp.zeros((widths[i + 1],), jnp.float32),
            'scale': jnp.ones((widths[i + 1],), jnp.float32),
            'offset': jnp.zeros((widths[i + 1],), jnp.float32),
        })
    return ps


def _apply_mlp(ps, x):
    # haiku Sequential: [Linear, relu, LayerNorm] per layer
    for p in ps:
        x = x @ p['W'] + p['b']
        x = jax.nn.relu(x)
        mu = jnp.mean(x, axis=-1, keepdims=True)
        var = jnp.var(x, axis=-1, keepdims=True)
        x = (x - mu) / jnp.sqrt(var + 1e-5) * p['scale'] + p['offset']
    return x


def setup_inputs(seed: int = 0) -> dict:
    key = jax.random.key(seed)
    ks = jax.random.split(key, 16)
    grid_nodes = jax.random.normal(ks[0], (N_SPATIAL, N_FEATURES), dtype=jnp.float32)
    sphere_nodes = jax.random.normal(ks[1], (N_SPHERE, LATENT), dtype=jnp.float32)
    edge_feats = jax.random.normal(ks[2], (N_EDGES, 3), dtype=jnp.float32)
    senders = jax.random.randint(ks[3], (N_EDGES,), 0, N_SPATIAL)
    receivers = jax.random.randint(ks[4], (N_EDGES,), 0, N_SPHERE)
    params = {
        'sender': _mlp_params(ks[5], [N_FEATURES, LATENT, LATENT]),
        'receiver': _mlp_params(ks[6], [LATENT, LATENT, LATENT]),
        'edge0': _mlp_params(ks[7], [3, LATENT, LATENT]),
        'edge': [_mlp_params(ks[8 + t], [3 * LATENT, LATENT, LATENT]) for t in range(STEPS)],
        'node': [_mlp_params(ks[11 + t], [2 * LATENT, LATENT, LATENT]) for t in range(STEPS)],
    }
    return {
        'grid_nodes': grid_nodes,
        'sphere_nodes': sphere_nodes,
        'edge_feats': edge_feats,
        'senders': senders,
        'receivers': receivers,
        'params': params,
    }


def reference(grid_nodes, sphere_nodes, edge_feats, senders, receivers, params):
    # EncoderGNN: initial projection of bipartite (grid -> sphere) graph
    s = _apply_mlp(params['sender'], grid_nodes)
    r = _apply_mlp(params['receiver'], sphere_nodes)
    e = _apply_mlp(params['edge0'], edge_feats)
    nodes = jnp.concatenate([s, r], axis=0)
    recv = receivers + N_SPATIAL  # receivers index into the sphere block of the node array
    for t in range(STEPS):
        snd = nodes[senders]
        rcv = nodes[recv]
        e = _apply_mlp(params['edge'][t], jnp.concatenate([e, snd, rcv], axis=1))
        agg = jax.ops.segment_sum(e, recv, num_segments=N_TOTAL)
        nodes = _apply_mlp(params['node'][t], jnp.concatenate([nodes, agg], axis=1))
    return nodes

if __name__ == "__main__":
    import jax
    _d = setup_inputs()
    print(jax.jit(kernel)(*tuple(_d.values())))

</pallas_src>

<mosaic_0001>
#map = affine_map<(d0, d1) -> (0, 0)>
#map1 = affine_map<(d0, d1) -> (0)>
module attributes {stable_mosaic.version = 14 : i64} {
  func.func @k(%arg0: i32, %arg1: i32, %arg2: memref<259200x128xf32, #tpu.memory_space<hbm>>, %arg3: memref<2944x128xf32, #tpu.memory_space<hbm>>, %arg4: memref<606208xi32, #tpu.memory_space<hbm>>, %arg5: memref<606208xi32, #tpu.memory_space<hbm>>, %arg6: memref<606208x128xf32, #tpu.memory_space<hbm>>, %arg7: memref<606208x128xf32, #tpu.memory_space<hbm>>, %arg8: memref<128xi32, #tpu.memory_space<vmem>>, %arg9: memref<128x128xf32, #tpu.memory_space<vmem>>, %arg10: memref<!tpu.dma_semaphore, #tpu.memory_space<semaphore_mem>>) attributes {dimension_semantics = [#tpu.dimension_semantics<core_parallel>, #tpu.dimension_semantics<subcore_parallel>], iteration_bounds = array<i64: 2, 16>, scalar_prefetch = 0 : i64, scratch_operands = 3 : i64, tpu.core_type = #tpu.core_type<sc_vector_subcore>, window_params = [{transform_indices = #map}, {transform_indices = #map}, {transform_indices = #map1}, {transform_indices = #map1}, {transform_indices = #map}, {transform_indices = #map}]} {
    %mul3A = arith.constant 2 : i32
    %mul3A_0 = arith.muli %arg1, %mul3A : i32
    %add3A = arith.addi %mul3A_0, %arg0 : i32
    %mul3A_1 = arith.constant 18944 : i32
    %mul3A_2 = arith.muli %add3A, %mul3A_1 : i32
    %scan3A = arith.constant 0 : i32
    %scan3A_3 = arith.constant 0 : i32
    %scan3A_4 = arith.constant 148 : i32
    %scan3A_5 = arith.addi %scan3A_3, %scan3A_4 : i32
    %scan3A_6 = arith.constant 1 : i32
    scf.for %scan3A_14 = %scan3A_3 to %scan3A_5 step %scan3A_6  : i32 {
      %mul3A_15 = arith.constant 128 : i32
      %mul3A_16 = arith.muli %scan3A_14, %mul3A_15 : i32
      %add3A_17 = arith.addi %mul3A_2, %mul3A_16 : i32
      "tpu.region"() ({
        %run_scoped3A = tpu.sem_alloc : memref<!tpu.dma_semaphore, #tpu.memory_space<semaphore_mem>>
        %dma_start3A_22 = tpu.memref_slice %arg4[%add3A_17] : memref<606208xi32, #tpu.memory_space<hbm>> -> memref<128xi32, #tpu.memory_space<hbm>>
        %dma_start3A_23 = tpu.memref_slice %arg4[%add3A_17] : memref<606208xi32, #tpu.memory_space<hbm>> -> memref<128xi32, #tpu.memory_space<hbm>>
        tpu.enqueue_dma source(%dma_start3A_23 : memref<128xi32, #tpu.memory_space<hbm>>) target(%arg8 : memref<128xi32, #tpu.memory_space<vmem>>) target_semaphore(%run_scoped3A : memref<!tpu.dma_semaphore, #tpu.memory_space<semaphore_mem>>)
        %dma_wait3A_24 = tpu.memref_slice %arg4[%add3A_17] : memref<606208xi32, #tpu.memory_space<hbm>> -> memref<128xi32, #tpu.memory_space<hbm>>
        %dma_wait3A_25 = tpu.memref_slice %arg4[%add3A_17] : memref<606208xi32, #tpu.memory_space<hbm>> -> memref<128xi32, #tpu.memory_space<hbm>>
        tpu.wait_dma2 semaphore(%run_scoped3A : memref<!tpu.dma_semaphore, #tpu.memory_space<semaphore_mem>>) src(%dma_wait3A_25 : memref<128xi32, #tpu.memory_space<hbm>>) dst(%arg8 : memref<128xi32, #tpu.memory_space<vmem>>)
        tpu.yield
      }) : () -> ()
      %dma_start3A = arith.constant 0 : i32
      %dma_start3A_18 = arith.constant 0 : i32
      %dma_start3A_19 = tpu.memref_slice %arg2[%dma_start3A, %dma_start3A_18] : memref<259200x128xf32, #tpu.memory_space<hbm>> -> memref<259200x128xf32, #tpu.memory_space<hbm>>
      tpu.enqueue_indirect_dma source(%dma_start3A_19 : memref<259200x128xf32, #tpu.memory_space<hbm>>) target(%arg9 : memref<128x128xf32, #tpu.memory_space<vmem>>) offsets(%arg8 : memref<128xi32, #tpu.memory_space<vmem>>) semaphore(%arg10 : memref<!tpu.dma_semaphore, #tpu.memory_space<semaphore_mem>>)
      %dma_wait3A = arith.constant 0 : i32
      %dma_wait3A_20 = arith.constant 0 : i32
      %dma_wait3A_21 = tpu.memref_slice %arg2[%dma_wait3A, %dma_wait3A_20] : memref<259200x128xf32, #tpu.memory_space<hbm>> -> memref<259200x128xf32, #tpu.memory_space<hbm>>
      tpu.wait_indirect_dma semaphore(%arg10 : memref<!tpu.dma_semaphore, #tpu.memory_space<semaphore_mem>>) src(%dma_wait3A_21 : memref<259200x128xf32, #tpu.memory_space<hbm>>) dst(%arg9 : memref<128x128xf32, #tpu.memory_space<vmem>>)
      "tpu.region"() ({
        %run_scoped3A = tpu.sem_alloc : memref<!tpu.dma_semaphore, #tpu.memory_space<semaphore_mem>>
        %dma_start3A_22 = arith.constant 0 : i32
        %dma_start3A_23 = tpu.memref_slice %arg6[%add3A_17, %dma_start3A_22] : memref<606208x128xf32, #tpu.memory_space<hbm>> -> memref<128x128xf32, #tpu.memory_space<hbm>>
        %dma_start3A_24 = arith.constant 0 : i32
        %dma_start3A_25 = tpu.memref_slice %arg6[%add3A_17, %dma_start3A_24] : memref<606208x128xf32, #tpu.memory_space<hbm>> -> memref<128x128xf32, #tpu.memory_space<hbm>>
        tpu.enqueue_dma source(%arg9 : memref<128x128xf32, #tpu.memory_space<vmem>>) target(%dma_start3A_25 : memref<128x128xf32, #tpu.memory_space<hbm>>) target_semaphore(%run_scoped3A : memref<!tpu.dma_semaphore, #tpu.memory_space<semaphore_mem>>)
        %dma_wait3A_26 = arith.constant 0 : i32
        %dma_wait3A_27 = tpu.memref_slice %arg6[%add3A_17, %dma_wait3A_26] : memref<606208x128xf32, #tpu.memory_space<hbm>> -> memref<128x128xf32, #tpu.memory_space<hbm>>
        %dma_wait3A_28 = arith.constant 0 : i32
        %dma_wait3A_29 = tpu.memref_slice %arg6[%add3A_17, %dma_wait3A_28] : memref<606208x128xf32, #tpu.memory_space<hbm>> -> memref<128x128xf32, #tpu.memory_space<hbm>>
        tpu.wait_dma2 semaphore(%run_scoped3A : memref<!tpu.dma_semaphore, #tpu.memory_space<semaphore_mem>>) src(%arg9 : memref<128x128xf32, #tpu.memory_space<vmem>>) dst(%dma_wait3A_29 : memref<128x128xf32, #tpu.memory_space<hbm>>)
        tpu.yield
      }) : () -> ()
    }
    %scan3A_7 = arith.constant 148 : i32
    %scan3A_8 = arith.constant 0 : i32
    %scan3A_9 = arith.constant 0 : i32
    %scan3A_10 = arith.constant 148 : i32
    %scan3A_11 = arith.addi %scan3A_9, %scan3A_10 : i32
    %scan3A_12 = arith.constant 1 : i32
    scf.for %scan3A_14 = %scan3A_9 to %scan3A_11 step %scan3A_12  : i32 {
      %mul3A_15 = arith.constant 128 : i32
      %mul3A_16 = arith.muli %scan3A_14, %mul3A_15 : i32
      %add3A_17 = arith.addi %mul3A_2, %mul3A_16 : i32
      "tpu.region"() ({
        %run_scoped3A = tpu.sem_alloc : memref<!tpu.dma_semaphore, #tpu.memory_space<semaphore_mem>>
        %dma_start3A_22 = tpu.memref_slice %arg5[%add3A_17] : memref<606208xi32, #tpu.memory_space<hbm>> -> memref<128xi32, #tpu.memory_space<hbm>>
        %dma_start3A_23 = tpu.memref_slice %arg5[%add3A_17] : memref<606208xi32, #tpu.memory_space<hbm>> -> memref<128xi32, #tpu.memory_space<hbm>>
        tpu.enqueue_dma source(%dma_start3A_23 : memref<128xi32, #tpu.memory_space<hbm>>) target(%arg8 : memref<128xi32, #tpu.memory_space<vmem>>) target_semaphore(%run_scoped3A : memref<!tpu.dma_semaphore, #tpu.memory_space<semaphore_mem>>)
        %dma_wait3A_24 = tpu.memref_slice %arg5[%add3A_17] : memref<606208xi32, #tpu.memory_space<hbm>> -> memref<128xi32, #tpu.memory_space<hbm>>
        %dma_wait3A_25 = tpu.memref_slice %arg5[%add3A_17] : memref<606208xi32, #tpu.memory_space<hbm>> -> memref<128xi32, #tpu.memory_space<hbm>>
        tpu.wait_dma2 semaphore(%run_scoped3A : memref<!tpu.dma_semaphore, #tpu.memory_space<semaphore_mem>>) src(%dma_wait3A_25 : memref<128xi32, #tpu.memory_space<hbm>>) dst(%arg8 : memref<128xi32, #tpu.memory_space<vmem>>)
        tpu.yield
      }) : () -> ()
      %dma_start3A = arith.constant 0 : i32
      %dma_start3A_18 = arith.constant 0 : i32
      %dma_start3A_19 = tpu.memref_slice %arg3[%dma_start3A, %dma_start3A_18] : memref<2944x128xf32, #tpu.memory_space<hbm>> -> memref<2944x128xf32, #tpu.memory_space<hbm>>
      tpu.enqueue_indirect_dma source(%dma_start3A_19 : memref<2944x128xf32, #tpu.memory_space<hbm>>) target(%arg9 : memref<128x128xf32, #tpu.memory_space<vmem>>) offsets(%arg8 : memref<128xi32, #tpu.memory_space<vmem>>) semaphore(%arg10 : memref<!tpu.dma_semaphore, #tpu.memory_space<semaphore_mem>>)
      %dma_wait3A = arith.constant 0 : i32
      %dma_wait3A_20 = arith.constant 0 : i32
      %dma_wait3A_21 = tpu.memref_slice %arg3[%dma_wait3A, %dma_wait3A_20] : memref<2944x128xf32, #tpu.memory_space<hbm>> -> memref<2944x128xf32, #tpu.memory_space<hbm>>
      tpu.wait_indirect_dma semaphore(%arg10 : memref<!tpu.dma_semaphore, #tpu.memory_space<semaphore_mem>>) src(%dma_wait3A_21 : memref<2944x128xf32, #tpu.memory_space<hbm>>) dst(%arg9 : memref<128x128xf32, #tpu.memory_space<vmem>>)
      "tpu.region"() ({
        %run_scoped3A = tpu.sem_alloc : memref<!tpu.dma_semaphore, #tpu.memory_space<semaphore_mem>>
        %dma_start3A_22 = arith.constant 0 : i32
        %dma_start3A_23 = tpu.memref_slice %arg7[%add3A_17, %dma_start3A_22] : memref<606208x128xf32, #tpu.memory_space<hbm>> -> memref<128x128xf32, #tpu.memory_space<hbm>>
        %dma_start3A_24 = arith.constant 0 : i32
        %dma_start3A_25 = tpu.memref_slice %arg7[%add3A_17, %dma_start3A_24] : memref<606208x128xf32, #tpu.memory_space<hbm>> -> memref<128x128xf32, #tpu.memory_space<hbm>>
        tpu.enqueue_dma source(%arg9 : memref<128x128xf32, #tpu.memory_space<vmem>>) target(%dma_start3A_25 : memref<128x128xf32, #tpu.memory_space<hbm>>) target_semaphore(%run_scoped3A : memref<!tpu.dma_semaphore, #tpu.memory_space<semaphore_mem>>)
        %dma_wait3A_26 = arith.constant 0 : i32
        %dma_wait3A_27 = tpu.memref_slice %arg7[%add3A_17, %dma_wait3A_26] : memref<606208x128xf32, #tpu.memory_space<hbm>> -> memref<128x128xf32, #tpu.memory_space<hbm>>
        %dma_wait3A_28 = arith.constant 0 : i32
        %dma_wait3A_29 = tpu.memref_slice %arg7[%add3A_17, %dma_wait3A_28] : memref<606208x128xf32, #tpu.memory_space<hbm>> -> memref<128x128xf32, #tpu.memory_space<hbm>>
        tpu.wait_dma2 semaphore(%run_scoped3A : memref<!tpu.dma_semaphore, #tpu.memory_space<semaphore_mem>>) src(%arg9 : memref<128x128xf32, #tpu.memory_space<vmem>>) dst(%dma_wait3A_29 : memref<128x128xf32, #tpu.memory_space<hbm>>)
        tpu.yield
      }) : () -> ()
    }
    %scan3A_13 = arith.constant 148 : i32
    return
  }
}

#map = affine_map<(d0, d1) -> (0, 0)>
#map1 = affine_map<(d0, d1) -> (0)>
#map2 = affine_map<(d0, d1) -> (0, 0, 0)>
module attributes {stable_mosaic.version = 14 : i64} {
  func.func @k(%arg0: i32, %arg1: i32, %arg2: memref<606208x128xf32, #tpu.memory_space<hbm>>, %arg3: memref<606208xi32, #tpu.memory_space<hbm>>, %arg4: memref<2944x128xf32, #tpu.memory_space<hbm>>, %arg5: memref<2x2944x128xf32, #tpu.memory_space<hbm>>, %arg6: memref<128xi32, #tpu.memory_space<vmem>>, %arg7: memref<128x128xf32, #tpu.memory_space<vmem>>, %arg8: memref<2944x128xf32, #tpu.memory_space<vmem_shared>>, %arg9: memref<!tpu.dma_semaphore, #tpu.memory_space<semaphore_mem>>) attributes {dimension_semantics = [#tpu.dimension_semantics<core_parallel>, #tpu.dimension_semantics<subcore_parallel>], iteration_bounds = array<i64: 2, 16>, scalar_prefetch = 0 : i64, scratch_operands = 4 : i64, tpu.core_type = #tpu.core_type<sc_vector_subcore>, window_params = [{transform_indices = #map}, {transform_indices = #map1}, {transform_indices = #map}, {transform_indices = #map2}]} {
    %mul3A = arith.constant 2 : i32
    %mul3A_0 = arith.muli %arg1, %mul3A : i32
    %add3A = arith.addi %mul3A_0, %arg0 : i32
    %mul3A_1 = arith.constant 18944 : i32
    %mul3A_2 = arith.muli %add3A, %mul3A_1 : i32
    %eq3A = arith.constant 0 : i32
    %eq3A_3 = arith.cmpi eq, %arg1, %eq3A : i32
    %convert_element_type3A = arith.extui %eq3A_3 : i1 to i32
    %cond3A = arith.constant 0 : i32
    %cond3A_4 = arith.cmpi ne, %convert_element_type3A, %cond3A : i32
    scf.if %cond3A_4 {
      "tpu.region"() ({
        %run_scoped3A = tpu.sem_alloc : memref<!tpu.dma_semaphore, #tpu.memory_space<semaphore_mem>>
        tpu.enqueue_dma source(%arg4 : memref<2944x128xf32, #tpu.memory_space<hbm>>) target(%arg8 : memref<2944x128xf32, #tpu.memory_space<vmem_shared>>) target_semaphore(%run_scoped3A : memref<!tpu.dma_semaphore, #tpu.memory_space<semaphore_mem>>)
        tpu.wait_dma2 semaphore(%run_scoped3A : memref<!tpu.dma_semaphore, #tpu.memory_space<semaphore_mem>>) src(%arg4 : memref<2944x128xf32, #tpu.memory_space<hbm>>) dst(%arg8 : memref<2944x128xf32, #tpu.memory_space<vmem_shared>>)
        tpu.yield
      }) : () -> ()
    } else {
    }
    %barrier3A = arith.constant 0 : index
    tpu.barrier barrier_id(%barrier3A)
    %scan3A = arith.constant 0 : i32
    %scan3A_5 = arith.constant 0 : i32
    %scan3A_6 = arith.constant 148 : i32
    %scan3A_7 = arith.addi %scan3A_5, %scan3A_6 : i32
    %scan3A_8 = arith.constant 1 : i32
    scf.for %scan3A_22 = %scan3A_5 to %scan3A_7 step %scan3A_8  : i32 {
      %mul3A_23 = arith.constant 128 : i32
      %mul3A_24 = arith.muli %scan3A_22, %mul3A_23 : i32
      %add3A_25 = arith.addi %mul3A_2, %mul3A_24 : i32
      "tpu.region"() ({
        %run_scoped3A = tpu.sem_alloc : memref<!tpu.dma_semaphore, #tpu.memory_space<semaphore_mem>>
        %dma_start3A = tpu.memref_slice %arg3[%add3A_25] : memref<606208xi32, #tpu.memory_space<hbm>> -> memref<128xi32, #tpu.memory_space<hbm>>
        %dma_start3A_26 = tpu.memref_slice %arg3[%add3A_25] : memref<606208xi32, #tpu.memory_space<hbm>> -> memref<128xi32, #tpu.memory_space<hbm>>
        tpu.enqueue_dma source(%dma_start3A_26 : memref<128xi32, #tpu.memory_space<hbm>>) target(%arg6 : memref<128xi32, #tpu.memory_space<vmem>>) target_semaphore(%run_scoped3A : memref<!tpu.dma_semaphore, #tpu.memory_space<semaphore_mem>>)
        %dma_wait3A = tpu.memref_slice %arg3[%add3A_25] : memref<606208xi32, #tpu.memory_space<hbm>> -> memref<128xi32, #tpu.memory_space<hbm>>
        %dma_wait3A_27 = tpu.memref_slice %arg3[%add3A_25] : memref<606208xi32, #tpu.memory_space<hbm>> -> memref<128xi32, #tpu.memory_space<hbm>>
        tpu.wait_dma2 semaphore(%run_scoped3A : memref<!tpu.dma_semaphore, #tpu.memory_space<semaphore_mem>>) src(%dma_wait3A_27 : memref<128xi32, #tpu.memory_space<hbm>>) dst(%arg6 : memref<128xi32, #tpu.memory_space<vmem>>)
        tpu.yield
      }) : () -> ()
      "tpu.region"() ({
        %run_scoped3A = tpu.sem_alloc : memref<!tpu.dma_semaphore, #tpu.memory_space<semaphore_mem>>
        %dma_start3A = arith.constant 0 : i32
        %dma_start3A_26 = tpu.memref_slice %arg2[%add3A_25, %dma_start3A] : memref<606208x128xf32, #tpu.memory_space<hbm>> -> memref<128x128xf32, #tpu.memory_space<hbm>>
        %dma_start3A_27 = arith.constant 0 : i32
        %dma_start3A_28 = tpu.memref_slice %arg2[%add3A_25, %dma_start3A_27] : memref<606208x128xf32, #tpu.memory_space<hbm>> -> memref<128x128xf32, #tpu.memory_space<hbm>>
        tpu.enqueue_dma source(%dma_start3A_28 : memref<128x128xf32, #tpu.memory_space<hbm>>) target(%arg7 : memref<128x128xf32, #tpu.memory_space<vmem>>) target_semaphore(%run_scoped3A : memref<!tpu.dma_semaphore, #tpu.memory_space<semaphore_mem>>)
        %dma_wait3A = arith.constant 0 : i32
        %dma_wait3A_29 = tpu.memref_slice %arg2[%add3A_25, %dma_wait3A] : memref<606208x128xf32, #tpu.memory_space<hbm>> -> memref<128x128xf32, #tpu.memory_space<hbm>>
        %dma_wait3A_30 = arith.constant 0 : i32
        %dma_wait3A_31 = tpu.memref_slice %arg2[%add3A_25, %dma_wait3A_30] : memref<606208x128xf32, #tpu.memory_space<hbm>> -> memref<128x128xf32, #tpu.memory_space<hbm>>
        tpu.wait_dma2 semaphore(%run_scoped3A : memref<!tpu.dma_semaphore, #tpu.memory_space<semaphore_mem>>) src(%dma_wait3A_31 : memref<128x128xf32, #tpu.memory_space<hbm>>) dst(%arg7 : memref<128x128xf32, #tpu.memory_space<vmem>>)
        tpu.yield
      }) : () -> ()
      "tpu.region"() ({
        %run_scoped3A = tpu.sem_alloc : memref<!tpu.dma_semaphore, #tpu.memory_space<semaphore_mem>>
        %dma_start3A = arith.constant 0 : i32
        %dma_start3A_26 = arith.constant 0 : i32
        %dma_start3A_27 = tpu.memref_slice %arg8[%dma_start3A, %dma_start3A_26] : memref<2944x128xf32, #tpu.memory_space<vmem_shared>> -> memref<2944x128xf32, #tpu.memory_space<vmem_shared>>
        tpu.enqueue_indirect_dma source(%arg7 : memref<128x128xf32, #tpu.memory_space<vmem>>) target(%dma_start3A_27 : memref<2944x128xf32, #tpu.memory_space<vmem_shared>>) offsets(%arg6 : memref<128xi32, #tpu.memory_space<vmem>>) semaphore(%run_scoped3A : memref<!tpu.dma_semaphore, #tpu.memory_space<semaphore_mem>>) {add = true}
        %dma_wait3A = arith.constant 0 : i32
        %dma_wait3A_28 = arith.constant 0 : i32
        %dma_wait3A_29 = tpu.memref_slice %arg8[%dma_wait3A, %dma_wait3A_28] : memref<2944x128xf32, #tpu.memory_space<vmem_shared>> -> memref<2944x128xf32, #tpu.memory_space<vmem_shared>>
        tpu.wait_indirect_dma semaphore(%run_scoped3A : memref<!tpu.dma_semaphore, #tpu.memory_space<semaphore_mem>>) src(%arg7 : memref<128x128xf32, #tpu.memory_space<vmem>>) dst(%dma_wait3A_29 : memref<2944x128xf32, #tpu.memory_space<vmem_shared>>)
        tpu.yield
      }) : () -> ()
    }
    %scan3A_9 = arith.constant 148 : i32
    %barrier3A_10 = arith.constant 0 : index
    tpu.barrier barrier_id(%barrier3A_10)
    %lt3A = arith.constant 23 : i32
    %lt3A_11 = arith.cmpi slt, %arg1, %lt3A : i32
    %convert_element_type3A_12 = arith.extui %lt3A_11 : i1 to i32
    %cond3A_13 = arith.constant 0 : i32
    %cond3A_14 = arith.cmpi ne, %convert_element_type3A_12, %cond3A_13 : i32
    scf.if %cond3A_14 {
      %mul3A_22 = arith.constant 128 : i32
      %mul3A_23 = arith.muli %arg1, %mul3A_22 : i32
      %mul3A_24 = arith.constant 128 : i32
      %mul3A_25 = arith.muli %arg1, %mul3A_24 : i32
      "tpu.region"() ({
        %run_scoped3A = tpu.sem_alloc : memref<!tpu.dma_semaphore, #tpu.memory_space<semaphore_mem>>
        %dma_start3A = arith.constant 0 : i32
        %dma_start3A_26 = tpu.memref_slice %arg5[%arg0, %mul3A_25, %dma_start3A] : memref<2x2944x128xf32, #tpu.memory_space<hbm>> -> memref<1x128x128xf32, #tpu.memory_space<hbm>>
        %dma_start3A_27 = tpu.memref_squeeze %dma_start3A_26 : memref<1x128x128xf32, #tpu.memory_space<hbm>> -> memref<128x128xf32, #tpu.memory_space<hbm>>
        %dma_start3A_28 = arith.constant 0 : i32
        %dma_start3A_29 = tpu.memref_slice %arg8[%mul3A_23, %dma_start3A_28] : memref<2944x128xf32, #tpu.memory_space<vmem_shared>> -> memref<128x128xf32, #tpu.memory_space<vmem_shared>>
        tpu.enqueue_dma source(%dma_start3A_29 : memref<128x128xf32, #tpu.memory_space<vmem_shared>>) target(%dma_start3A_27 : memref<128x128xf32, #tpu.memory_space<hbm>>) target_semaphore(%run_scoped3A : memref<!tpu.dma_semaphore, #tpu.memory_space<semaphore_mem>>)
        %dma_wait3A = arith.constant 0 : i32
        %dma_wait3A_30 = tpu.memref_slice %arg5[%arg0, %mul3A_25, %dma_wait3A] : memref<2x2944x128xf32, #tpu.memory_space<hbm>> -> memref<1x128x128xf32, #tpu.memory_space<hbm>>
        %dma_wait3A_31 = tpu.memref_squeeze %dma_wait3A_30 : memref<1x128x128xf32, #tpu.memory_space<hbm>> -> memref<128x128xf32, #tpu.memory_space<hbm>>
        %dma_wait3A_32 = arith.constant 0 : i32
        %dma_wait3A_33 = tpu.memref_slice %arg8[%mul3A_23, %dma_wait3A_32] : memref<2944x128xf32, #tpu.memory_space<vmem_shared>> -> memref<128x128xf32, #tpu.memory_space<vmem_shared>>
        tpu.wait_dma2 semaphore(%run_scoped3A : memref<!tpu.dma_semaphore, #tpu.memory_space<semaphore_mem>>) src(%dma_wait3A_33 : memref<128x128xf32, #tpu.memory_space<vmem_shared>>) dst(%dma_wait3A_31 : memref<128x128xf32, #tpu.memory_space<hbm>>)
        tpu.yield
      }) : () -> ()
    } else {
    }
    %add3A_15 = arith.constant 16 : i32
    %add3A_16 = arith.addi %arg1, %add3A_15 : i32
    %lt3A_17 = arith.constant 23 : i32
    %lt3A_18 = arith.cmpi slt, %add3A_16, %lt3A_17 : i32
    %convert_element_type3A_19 = arith.extui %lt3A_18 : i1 to i32
    %cond3A_20 = arith.constant 0 : i32
    %cond3A_21 = arith.cmpi ne, %convert_element_type3A_19, %cond3A_20 : i32
    scf.if %cond3A_21 {
      %add3A_22 = arith.constant 16 : i32
      %add3A_23 = arith.addi %arg1, %add3A_22 : i32
      %mul3A_24 = arith.constant 128 : i32
      %mul3A_25 = arith.muli %add3A_23, %mul3A_24 : i32
      %add3A_26 = arith.constant 16 : i32
      %add3A_27 = arith.addi %arg1, %add3A_26 : i32
      %mul3A_28 = arith.constant 128 : i32
      %mul3A_29 = arith.muli %add3A_27, %mul3A_28 : i32
      "tpu.region"() ({
        %run_scoped3A = tpu.sem_alloc : memref<!tpu.dma_semaphore, #tpu.memory_space<semaphore_mem>>
        %dma_start3A = arith.constant 0 : i32
        %dma_start3A_30 = tpu.memref_slice %arg5[%arg0, %mul3A_29, %dma_start3A] : memref<2x2944x128xf32, #tpu.memory_space<hbm>> -> memref<1x128x128xf32, #tpu.memory_space<hbm>>
        %dma_start3A_31 = tpu.memref_squeeze %dma_start3A_30 : memref<1x128x128xf32, #tpu.memory_space<hbm>> -> memref<128x128xf32, #tpu.memory_space<hbm>>
        %dma_start3A_32 = arith.constant 0 : i32
        %dma_start3A_33 = tpu.memref_slice %arg8[%mul3A_25, %dma_start3A_32] : memref<2944x128xf32, #tpu.memory_space<vmem_shared>> -> memref<128x128xf32, #tpu.memory_space<vmem_shared>>
        tpu.enqueue_dma source(%dma_start3A_33 : memref<128x128xf32, #tpu.memory_space<vmem_shared>>) target(%dma_start3A_31 : memref<128x128xf32, #tpu.memory_space<hbm>>) target_semaphore(%run_scoped3A : memref<!tpu.dma_semaphore, #tpu.memory_space<semaphore_mem>>)
        %dma_wait3A = arith.constant 0 : i32
        %dma_wait3A_34 = tpu.memref_slice %arg5[%arg0, %mul3A_29, %dma_wait3A] : memref<2x2944x128xf32, #tpu.memory_space<hbm>> -> memref<1x128x128xf32, #tpu.memory_space<hbm>>
        %dma_wait3A_35 = tpu.memref_squeeze %dma_wait3A_34 : memref<1x128x128xf32, #tpu.memory_space<hbm>> -> memref<128x128xf32, #tpu.memory_space<hbm>>
        %dma_wait3A_36 = arith.constant 0 : i32
        %dma_wait3A_37 = tpu.memref_slice %arg8[%mul3A_25, %dma_wait3A_36] : memref<2944x128xf32, #tpu.memory_space<vmem_shared>> -> memref<128x128xf32, #tpu.memory_space<vmem_shared>>
        tpu.wait_dma2 semaphore(%run_scoped3A : memref<!tpu.dma_semaphore, #tpu.memory_space<semaphore_mem>>) src(%dma_wait3A_37 : memref<128x128xf32, #tpu.memory_space<vmem_shared>>) dst(%dma_wait3A_35 : memref<128x128xf32, #tpu.memory_space<hbm>>)
        tpu.yield
      }) : () -> ()
    } else {
    }
    return
  }
}

#map = affine_map<(d0, d1) -> (0, 0)>
#map1 = affine_map<(d0, d1) -> (0)>
module attributes {stable_mosaic.version = 14 : i64} {
  func.func @k(%arg0: i32, %arg1: i32, %arg2: memref<259200x128xf32, #tpu.memory_space<hbm>>, %arg3: memref<2944x128xf32, #tpu.memory_space<hbm>>, %arg4: memref<606208xi32, #tpu.memory_space<hbm>>, %arg5: memref<606208xi32, #tpu.memory_space<hbm>>, %arg6: memref<606208x128xf32, #tpu.memory_space<hbm>>, %arg7: memref<606208x128xf32, #tpu.memory_space<hbm>>, %arg8: memref<128xi32, #tpu.memory_space<vmem>>, %arg9: memref<128x128xf32, #tpu.memory_space<vmem>>, %arg10: memref<!tpu.dma_semaphore, #tpu.memory_space<semaphore_mem>>) attributes {dimension_semantics = [#tpu.dimension_semantics<core_parallel>, #tpu.dimension_semantics<subcore_parallel>], iteration_bounds = array<i64: 2, 16>, scalar_prefetch = 0 : i64, scratch_operands = 3 : i64, tpu.core_type = #tpu.core_type<sc_vector_subcore>, window_params = [{transform_indices = #map}, {transform_indices = #map}, {transform_indices = #map1}, {transform_indices = #map1}, {transform_indices = #map}, {transform_indices = #map}]} {
    %mul3A = arith.constant 2 : i32
    %mul3A_0 = arith.muli %arg1, %mul3A : i32
    %add3A = arith.addi %mul3A_0, %arg0 : i32
    %mul3A_1 = arith.constant 18944 : i32
    %mul3A_2 = arith.muli %add3A, %mul3A_1 : i32
    %scan3A = arith.constant 0 : i32
    %scan3A_3 = arith.constant 0 : i32
    %scan3A_4 = arith.constant 148 : i32
    %scan3A_5 = arith.addi %scan3A_3, %scan3A_4 : i32
    %scan3A_6 = arith.constant 1 : i32
    scf.for %scan3A_14 = %scan3A_3 to %scan3A_5 step %scan3A_6  : i32 {
      %mul3A_15 = arith.constant 128 : i32
      %mul3A_16 = arith.muli %scan3A_14, %mul3A_15 : i32
      %add3A_17 = arith.addi %mul3A_2, %mul3A_16 : i32
      "tpu.region"() ({
        %run_scoped3A = tpu.sem_alloc : memref<!tpu.dma_semaphore, #tpu.memory_space<semaphore_mem>>
        %dma_start3A_22 = tpu.memref_slice %arg4[%add3A_17] : memref<606208xi32, #tpu.memory_space<hbm>> -> memref<128xi32, #tpu.memory_space<hbm>>
        %dma_start3A_23 = tpu.memref_slice %arg4[%add3A_17] : memref<606208xi32, #tpu.memory_space<hbm>> -> memref<128xi32, #tpu.memory_space<hbm>>
        tpu.enqueue_dma source(%dma_start3A_23 : memref<128xi32, #tpu.memory_space<hbm>>) target(%arg8 : memref<128xi32, #tpu.memory_space<vmem>>) target_semaphore(%run_scoped3A : memref<!tpu.dma_semaphore, #tpu.memory_space<semaphore_mem>>)
        %dma_wait3A_24 = tpu.memref_slice %arg4[%add3A_17] : memref<606208xi32, #tpu.memory_space<hbm>> -> memref<128xi32, #tpu.memory_space<hbm>>
        %dma_wait3A_25 = tpu.memref_slice %arg4[%add3A_17] : memref<606208xi32, #tpu.memory_space<hbm>> -> memref<128xi32, #tpu.memory_space<hbm>>
        tpu.wait_dma2 semaphore(%run_scoped3A : memref<!tpu.dma_semaphore, #tpu.memory_space<semaphore_mem>>) src(%dma_wait3A_25 : memref<128xi32, #tpu.memory_space<hbm>>) dst(%arg8 : memref<128xi32, #tpu.memory_space<vmem>>)
        tpu.yield
      }) : () -> ()
      %dma_start3A = arith.constant 0 : i32
      %dma_start3A_18 = arith.constant 0 : i32
      %dma_start3A_19 = tpu.memref_slice %arg2[%dma_start3A, %dma_start3A_18] : memref<259200x128xf32, #tpu.memory_space<hbm>> -> memref<259200x128xf32, #tpu.memory_space<hbm>>
      tpu.enqueue_indirect_dma source(%dma_start3A_19 : memref<259200x128xf32, #tpu.memory_space<hbm>>) target(%arg9 : memref<128x128xf32, #tpu.memory_space<vmem>>) offsets(%arg8 : memref<128xi32, #tpu.memory_space<vmem>>) semaphore(%arg10 : memref<!tpu.dma_semaphore, #tpu.memory_space<semaphore_mem>>)
      %dma_wait3A = arith.constant 0 : i32
      %dma_wait3A_20 = arith.constant 0 : i32
      %dma_wait3A_21 = tpu.memref_slice %arg2[%dma_wait3A, %dma_wait3A_20] : memref<259200x128xf32, #tpu.memory_space<hbm>> -> memref<259200x128xf32, #tpu.memory_space<hbm>>
      tpu.wait_indirect_dma semaphore(%arg10 : memref<!tpu.dma_semaphore, #tpu.memory_space<semaphore_mem>>) src(%dma_wait3A_21 : memref<259200x128xf32, #tpu.memory_space<hbm>>) dst(%arg9 : memref<128x128xf32, #tpu.memory_space<vmem>>)
      "tpu.region"() ({
        %run_scoped3A = tpu.sem_alloc : memref<!tpu.dma_semaphore, #tpu.memory_space<semaphore_mem>>
        %dma_start3A_22 = arith.constant 0 : i32
        %dma_start3A_23 = tpu.memref_slice %arg6[%add3A_17, %dma_start3A_22] : memref<606208x128xf32, #tpu.memory_space<hbm>> -> memref<128x128xf32, #tpu.memory_space<hbm>>
        %dma_start3A_24 = arith.constant 0 : i32
        %dma_start3A_25 = tpu.memref_slice %arg6[%add3A_17, %dma_start3A_24] : memref<606208x128xf32, #tpu.memory_space<hbm>> -> memref<128x128xf32, #tpu.memory_space<hbm>>
        tpu.enqueue_dma source(%arg9 : memref<128x128xf32, #tpu.memory_space<vmem>>) target(%dma_start3A_25 : memref<128x128xf32, #tpu.memory_space<hbm>>) target_semaphore(%run_scoped3A : memref<!tpu.dma_semaphore, #tpu.memory_space<semaphore_mem>>)
        %dma_wait3A_26 = arith.constant 0 : i32
        %dma_wait3A_27 = tpu.memref_slice %arg6[%add3A_17, %dma_wait3A_26] : memref<606208x128xf32, #tpu.memory_space<hbm>> -> memref<128x128xf32, #tpu.memory_space<hbm>>
        %dma_wait3A_28 = arith.constant 0 : i32
        %dma_wait3A_29 = tpu.memref_slice %arg6[%add3A_17, %dma_wait3A_28] : memref<606208x128xf32, #tpu.memory_space<hbm>> -> memref<128x128xf32, #tpu.memory_space<hbm>>
        tpu.wait_dma2 semaphore(%run_scoped3A : memref<!tpu.dma_semaphore, #tpu.memory_space<semaphore_mem>>) src(%arg9 : memref<128x128xf32, #tpu.memory_space<vmem>>) dst(%dma_wait3A_29 : memref<128x128xf32, #tpu.memory_space<hbm>>)
        tpu.yield
      }) : () -> ()
    }
    %scan3A_7 = arith.constant 148 : i32
    %scan3A_8 = arith.constant 0 : i32
    %scan3A_9 = arith.constant 0 : i32
    %scan3A_10 = arith.constant 148 : i32
    %scan3A_11 = arith.addi %scan3A_9, %scan3A_10 : i32
    %scan3A_12 = arith.constant 1 : i32
    scf.for %scan3A_14 = %scan3A_9 to %scan3A_11 step %scan3A_12  : i32 {
      %mul3A_15 = arith.constant 128 : i32
      %mul3A_16 = arith.muli %scan3A_14, %mul3A_15 : i32
      %add3A_17 = arith.addi %mul3A_2, %mul3A_16 : i32
      "tpu.region"() ({
        %run_scoped3A = tpu.sem_alloc : memref<!tpu.dma_semaphore, #tpu.memory_space<semaphore_mem>>
        %dma_start3A_22 = tpu.memref_slice %arg5[%add3A_17] : memref<606208xi32, #tpu.memory_space<hbm>> -> memref<128xi32, #tpu.memory_space<hbm>>
        %dma_start3A_23 = tpu.memref_slice %arg5[%add3A_17] : memref<606208xi32, #tpu.memory_space<hbm>> -> memref<128xi32, #tpu.memory_space<hbm>>
        tpu.enqueue_dma source(%dma_start3A_23 : memref<128xi32, #tpu.memory_space<hbm>>) target(%arg8 : memref<128xi32, #tpu.memory_space<vmem>>) target_semaphore(%run_scoped3A : memref<!tpu.dma_semaphore, #tpu.memory_space<semaphore_mem>>)
        %dma_wait3A_24 = tpu.memref_slice %arg5[%add3A_17] : memref<606208xi32, #tpu.memory_space<hbm>> -> memref<128xi32, #tpu.memory_space<hbm>>
        %dma_wait3A_25 = tpu.memref_slice %arg5[%add3A_17] : memref<606208xi32, #tpu.memory_space<hbm>> -> memref<128xi32, #tpu.memory_space<hbm>>
        tpu.wait_dma2 semaphore(%run_scoped3A : memref<!tpu.dma_semaphore, #tpu.memory_space<semaphore_mem>>) src(%dma_wait3A_25 : memref<128xi32, #tpu.memory_space<hbm>>) dst(%arg8 : memref<128xi32, #tpu.memory_space<vmem>>)
        tpu.yield
      }) : () -> ()
      %dma_start3A = arith.constant 0 : i32
      %dma_start3A_18 = arith.constant 0 : i32
      %dma_start3A_19 = tpu.memref_slice %arg3[%dma_start3A, %dma_start3A_18] : memref<2944x128xf32, #tpu.memory_space<hbm>> -> memref<2944x128xf32, #tpu.memory_space<hbm>>
      tpu.enqueue_indirect_dma source(%dma_start3A_19 : memref<2944x128xf32, #tpu.memory_space<hbm>>) target(%arg9 : memref<128x128xf32, #tpu.memory_space<vmem>>) offsets(%arg8 : memref<128xi32, #tpu.memory_space<vmem>>) semaphore(%arg10 : memref<!tpu.dma_semaphore, #tpu.memory_space<semaphore_mem>>)
      %dma_wait3A = arith.constant 0 : i32
      %dma_wait3A_20 = arith.constant 0 : i32
      %dma_wait3A_21 = tpu.memref_slice %arg3[%dma_wait3A, %dma_wait3A_20] : memref<2944x128xf32, #tpu.memory_space<hbm>> -> memref<2944x128xf32, #tpu.memory_space<hbm>>
      tpu.wait_indirect_dma semaphore(%arg10 : memref<!tpu.dma_semaphore, #tpu.memory_space<semaphore_mem>>) src(%dma_wait3A_21 : memref<2944x128xf32, #tpu.memory_space<hbm>>) dst(%arg9 : memref<128x128xf32, #tpu.memory_space<vmem>>)
      "tpu.region"() ({
        %run_scoped3A = tpu.sem_alloc : memref<!tpu.dma_semaphore, #tpu.memory_space<semaphore_mem>>
        %dma_start3A_22 = arith.constant 0 : i32
        %dma_start3A_23 = tpu.memref_slice %arg7[%add3A_17, %dma_start3A_22] : memref<606208x128xf32, #tpu.memory_space<hbm>> -> memref<128x128xf32, #tpu.memory_space<hbm>>
        %dma_start3A_24 = arith.constant 0 : i32
        %dma_start3A_25 = tpu.memref_slice %arg7[%add3A_17, %dma_start3A_24] : memref<606208x128xf32, #tpu.memory_space<hbm>> -> memref<128x128xf32, #tpu.memory_space<hbm>>
        tpu.enqueue_dma source(%arg9 : memref<128x128xf32, #tpu.memory_space<vmem>>) target(%dma_start3A_25 : memref<128x128xf32, #tpu.memory_space<hbm>>) target_semaphore(%run_scoped3A : memref<!tpu.dma_semaphore, #tpu.memory_space<semaphore_mem>>)
        %dma_wait3A_26 = arith.constant 0 : i32
        %dma_wait3A_27 = tpu.memref_slice %arg7[%add3A_17, %dma_wait3A_26] : memref<606208x128xf32, #tpu.memory_space<hbm>> -> memref<128x128xf32, #tpu.memory_space<hbm>>
        %dma_wait3A_28 = arith.constant 0 : i32
        %dma_wait3A_29 = tpu.memref_slice %arg7[%add3A_17, %dma_wait3A_28] : memref<606208x128xf32, #tpu.memory_space<hbm>> -> memref<128x128xf32, #tpu.memory_space<hbm>>
        tpu.wait_dma2 semaphore(%run_scoped3A : memref<!tpu.dma_semaphore, #tpu.memory_space<semaphore_mem>>) src(%arg9 : memref<128x128xf32, #tpu.memory_space<vmem>>) dst(%dma_wait3A_29 : memref<128x128xf32, #tpu.memory_space<hbm>>)
        tpu.yield
      }) : () -> ()
    }
    %scan3A_13 = arith.constant 148 : i32
    return
  }
}

#map = affine_map<(d0, d1) -> (0, 0)>
#map1 = affine_map<(d0, d1) -> (0)>
#map2 = affine_map<(d0, d1) -> (0, 0, 0)>
module attributes {stable_mosaic.version = 14 : i64} {
  func.func @k(%arg0: i32, %arg1: i32, %arg2: memref<606208x128xf32, #tpu.memory_space<hbm>>, %arg3: memref<606208xi32, #tpu.memory_space<hbm>>, %arg4: memref<2944x128xf32, #tpu.memory_space<hbm>>, %arg5: memref<2x2944x128xf32, #tpu.memory_space<hbm>>, %arg6: memref<128xi32, #tpu.memory_space<vmem>>, %arg7: memref<128x128xf32, #tpu.memory_space<vmem>>, %arg8: memref<2944x128xf32, #tpu.memory_space<vmem_shared>>, %arg9: memref<!tpu.dma_semaphore, #tpu.memory_space<semaphore_mem>>) attributes {dimension_semantics = [#tpu.dimension_semantics<core_parallel>, #tpu.dimension_semantics<subcore_parallel>], iteration_bounds = array<i64: 2, 16>, scalar_prefetch = 0 : i64, scratch_operands = 4 : i64, tpu.core_type = #tpu.core_type<sc_vector_subcore>, window_params = [{transform_indices = #map}, {transform_indices = #map1}, {transform_indices = #map}, {transform_indices = #map2}]} {
    %mul3A = arith.constant 2 : i32
    %mul3A_0 = arith.muli %arg1, %mul3A : i32
    %add3A = arith.addi %mul3A_0, %arg0 : i32
    %mul3A_1 = arith.constant 18944 : i32
    %mul3A_2 = arith.muli %add3A, %mul3A_1 : i32
    %eq3A = arith.constant 0 : i32
    %eq3A_3 = arith.cmpi eq, %arg1, %eq3A : i32
    %convert_element_type3A = arith.extui %eq3A_3 : i1 to i32
    %cond3A = arith.constant 0 : i32
    %cond3A_4 = arith.cmpi ne, %convert_element_type3A, %cond3A : i32
    scf.if %cond3A_4 {
      "tpu.region"() ({
        %run_scoped3A = tpu.sem_alloc : memref<!tpu.dma_semaphore, #tpu.memory_space<semaphore_mem>>
        tpu.enqueue_dma source(%arg4 : memref<2944x128xf32, #tpu.memory_space<hbm>>) target(%arg8 : memref<2944x128xf32, #tpu.memory_space<vmem_shared>>) target_semaphore(%run_scoped3A : memref<!tpu.dma_semaphore, #tpu.memory_space<semaphore_mem>>)
        tpu.wait_dma2 semaphore(%run_scoped3A : memref<!tpu.dma_semaphore, #tpu.memory_space<semaphore_mem>>) src(%arg4 : memref<2944x128xf32, #tpu.memory_space<hbm>>) dst(%arg8 : memref<2944x128xf32, #tpu.memory_space<vmem_shared>>)
        tpu.yield
      }) : () -> ()
    } else {
    }
    %barrier3A = arith.constant 0 : index
    tpu.barrier barrier_id(%barrier3A)
    %scan3A = arith.constant 0 : i32
    %scan3A_5 = arith.constant 0 : i32
    %scan3A_6 = arith.constant 148 : i32
    %scan3A_7 = arith.addi %scan3A_5, %scan3A_6 : i32
    %scan3A_8 = arith.constant 1 : i32
    scf.for %scan3A_22 = %scan3A_5 to %scan3A_7 step %scan3A_8  : i32 {
      %mul3A_23 = arith.constant 128 : i32
      %mul3A_24 = arith.muli %scan3A_22, %mul3A_23 : i32
      %add3A_25 = arith.addi %mul3A_2, %mul3A_24 : i32
      "tpu.region"() ({
        %run_scoped3A = tpu.sem_alloc : memref<!tpu.dma_semaphore, #tpu.memory_space<semaphore_mem>>
        %dma_start3A = tpu.memref_slice %arg3[%add3A_25] : memref<606208xi32, #tpu.memory_space<hbm>> -> memref<128xi32, #tpu.memory_space<hbm>>
        %dma_start3A_26 = tpu.memref_slice %arg3[%add3A_25] : memref<606208xi32, #tpu.memory_space<hbm>> -> memref<128xi32, #tpu.memory_space<hbm>>
        tpu.enqueue_dma source(%dma_start3A_26 : memref<128xi32, #tpu.memory_space<hbm>>) target(%arg6 : memref<128xi32, #tpu.memory_space<vmem>>) target_semaphore(%run_scoped3A : memref<!tpu.dma_semaphore, #tpu.memory_space<semaphore_mem>>)
        %dma_wait3A = tpu.memref_slice %arg3[%add3A_25] : memref<606208xi32, #tpu.memory_space<hbm>> -> memref<128xi32, #tpu.memory_space<hbm>>
        %dma_wait3A_27 = tpu.memref_slice %arg3[%add3A_25] : memref<606208xi32, #tpu.memory_space<hbm>> -> memref<128xi32, #tpu.memory_space<hbm>>
        tpu.wait_dma2 semaphore(%run_scoped3A : memref<!tpu.dma_semaphore, #tpu.memory_space<semaphore_mem>>) src(%dma_wait3A_27 : memref<128xi32, #tpu.memory_space<hbm>>) dst(%arg6 : memref<128xi32, #tpu.memory_space<vmem>>)
        tpu.yield
      }) : () -> ()
      "tpu.region"() ({
        %run_scoped3A = tpu.sem_alloc : memref<!tpu.dma_semaphore, #tpu.memory_space<semaphore_mem>>
        %dma_start3A = arith.constant 0 : i32
        %dma_start3A_26 = tpu.memref_slice %arg2[%add3A_25, %dma_start3A] : memref<606208x128xf32, #tpu.memory_space<hbm>> -> memref<128x128xf32, #tpu.memory_space<hbm>>
        %dma_start3A_27 = arith.constant 0 : i32
        %dma_start3A_28 = tpu.memref_slice %arg2[%add3A_25, %dma_start3A_27] : memref<606208x128xf32, #tpu.memory_space<hbm>> -> memref<128x128xf32, #tpu.memory_space<hbm>>
        tpu.enqueue_dma source(%dma_start3A_28 : memref<128x128xf32, #tpu.memory_space<hbm>>) target(%arg7 : memref<128x128xf32, #tpu.memory_space<vmem>>) target_semaphore(%run_scoped3A : memref<!tpu.dma_semaphore, #tpu.memory_space<semaphore_mem>>)
        %dma_wait3A = arith.constant 0 : i32
        %dma_wait3A_29 = tpu.memref_slice %arg2[%add3A_25, %dma_wait3A] : memref<606208x128xf32, #tpu.memory_space<hbm>> -> memref<128x128xf32, #tpu.memory_space<hbm>>
        %dma_wait3A_30 = arith.constant 0 : i32
        %dma_wait3A_31 = tpu.memref_slice %arg2[%add3A_25, %dma_wait3A_30] : memref<606208x128xf32, #tpu.memory_space<hbm>> -> memref<128x128xf32, #tpu.memory_space<hbm>>
        tpu.wait_dma2 semaphore(%run_scoped3A : memref<!tpu.dma_semaphore, #tpu.memory_space<semaphore_mem>>) src(%dma_wait3A_31 : memref<128x128xf32, #tpu.memory_space<hbm>>) dst(%arg7 : memref<128x128xf32, #tpu.memory_space<vmem>>)
        tpu.yield
      }) : () -> ()
      "tpu.region"() ({
        %run_scoped3A = tpu.sem_alloc : memref<!tpu.dma_semaphore, #tpu.memory_space<semaphore_mem>>
        %dma_start3A = arith.constant 0 : i32
        %dma_start3A_26 = arith.constant 0 : i32
        %dma_start3A_27 = tpu.memref_slice %arg8[%dma_start3A, %dma_start3A_26] : memref<2944x128xf32, #tpu.memory_space<vmem_shared>> -> memref<2944x128xf32, #tpu.memory_space<vmem_shared>>
        tpu.enqueue_indirect_dma source(%arg7 : memref<128x128xf32, #tpu.memory_space<vmem>>) target(%dma_start3A_27 : memref<2944x128xf32, #tpu.memory_space<vmem_shared>>) offsets(%arg6 : memref<128xi32, #tpu.memory_space<vmem>>) semaphore(%run_scoped3A : memref<!tpu.dma_semaphore, #tpu.memory_space<semaphore_mem>>) {add = true}
        %dma_wait3A = arith.constant 0 : i32
        %dma_wait3A_28 = arith.constant 0 : i32
        %dma_wait3A_29 = tpu.memref_slice %arg8[%dma_wait3A, %dma_wait3A_28] : memref<2944x128xf32, #tpu.memory_space<vmem_shared>> -> memref<2944x128xf32, #tpu.memory_space<vmem_shared>>
        tpu.wait_indirect_dma semaphore(%run_scoped3A : memref<!tpu.dma_semaphore, #tpu.memory_space<semaphore_mem>>) src(%arg7 : memref<128x128xf32, #tpu.memory_space<vmem>>) dst(%dma_wait3A_29 : memref<2944x128xf32, #tpu.memory_space<vmem_shared>>)
        tpu.yield
      }) : () -> ()
    }
    %scan3A_9 = arith.constant 148 : i32
    %barrier3A_10 = arith.constant 0 : index
    tpu.barrier barrier_id(%barrier3A_10)
    %lt3A = arith.constant 23 : i32
    %lt3A_11 = arith.cmpi slt, %arg1, %lt3A : i32
    %convert_element_type3A_12 = arith.extui %lt3A_11 : i1 to i32
    %cond3A_13 = arith.constant 0 : i32
    %cond3A_14 = arith.cmpi ne, %convert_element_type3A_12, %cond3A_13 : i32
    scf.if %cond3A_14 {
      %mul3A_22 = arith.constant 128 : i32
      %mul3A_23 = arith.muli %arg1, %mul3A_22 : i32
      %mul3A_24 = arith.constant 128 : i32
      %mul3A_25 = arith.muli %arg1, %mul3A_24 : i32
      "tpu.region"() ({
        %run_scoped3A = tpu.sem_alloc : memref<!tpu.dma_semaphore, #tpu.memory_space<semaphore_mem>>
        %dma_start3A = arith.constant 0 : i32
        %dma_start3A_26 = tpu.memref_slice %arg5[%arg0, %mul3A_25, %dma_start3A] : memref<2x2944x128xf32, #tpu.memory_space<hbm>> -> memref<1x128x128xf32, #tpu.memory_space<hbm>>
        %dma_start3A_27 = tpu.memref_squeeze %dma_start3A_26 : memref<1x128x128xf32, #tpu.memory_space<hbm>> -> memref<128x128xf32, #tpu.memory_space<hbm>>
        %dma_start3A_28 = arith.constant 0 : i32
        %dma_start3A_29 = tpu.memref_slice %arg8[%mul3A_23, %dma_start3A_28] : memref<2944x128xf32, #tpu.memory_space<vmem_shared>> -> memref<128x128xf32, #tpu.memory_space<vmem_shared>>
        tpu.enqueue_dma source(%dma_start3A_29 : memref<128x128xf32, #tpu.memory_space<vmem_shared>>) target(%dma_start3A_27 : memref<128x128xf32, #tpu.memory_space<hbm>>) target_semaphore(%run_scoped3A : memref<!tpu.dma_semaphore, #tpu.memory_space<semaphore_mem>>)
        %dma_wait3A = arith.constant 0 : i32
        %dma_wait3A_30 = tpu.memref_slice %arg5[%arg0, %mul3A_25, %dma_wait3A] : memref<2x2944x128xf32, #tpu.memory_space<hbm>> -> memref<1x128x128xf32, #tpu.memory_space<hbm>>
        %dma_wait3A_31 = tpu.memref_squeeze %dma_wait3A_30 : memref<1x128x128xf32, #tpu.memory_space<hbm>> -> memref<128x128xf32, #tpu.memory_space<hbm>>
        %dma_wait3A_32 = arith.constant 0 : i32
        %dma_wait3A_33 = tpu.memref_slice %arg8[%mul3A_23, %dma_wait3A_32] : memref<2944x128xf32, #tpu.memory_space<vmem_shared>> -> memref<128x128xf32, #tpu.memory_space<vmem_shared>>
        tpu.wait_dma2 semaphore(%run_scoped3A : memref<!tpu.dma_semaphore, #tpu.memory_space<semaphore_mem>>) src(%dma_wait3A_33 : memref<128x128xf32, #tpu.memory_space<vmem_shared>>) dst(%dma_wait3A_31 : memref<128x128xf32, #tpu.memory_space<hbm>>)
        tpu.yield
      }) : () -> ()
    } else {
    }
    %add3A_15 = arith.constant 16 : i32
    %add3A_16 = arith.addi %arg1, %add3A_15 : i32
    %lt3A_17 = arith.constant 23 : i32
    %lt3A_18 = arith.cmpi slt, %add3A_16, %lt3A_17 : i32
    %convert_element_type3A_19 = arith.extui %lt3A_18 : i1 to i32
    %cond3A_20 = arith.constant 0 : i32
    %cond3A_21 = arith.cmpi ne, %convert_element_type3A_19, %cond3A_20 : i32
    scf.if %cond3A_21 {
      %add3A_22 = arith.constant 16 : i32
      %add3A_23 = arith.addi %arg1, %add3A_22 : i32
      %mul3A_24 = arith.constant 128 : i32
      %mul3A_25 = arith.muli %add3A_23, %mul3A_24 : i32
      %add3A_26 = arith.constant 16 : i32
      %add3A_27 = arith.addi %arg1, %add3A_26 : i32
      %mul3A_28 = arith.constant 128 : i32
      %mul3A_29 = arith.muli %add3A_27, %mul3A_28 : i32
      "tpu.region"() ({
        %run_scoped3A = tpu.sem_alloc : memref<!tpu.dma_semaphore, #tpu.memory_space<semaphore_mem>>
        %dma_start3A = arith.constant 0 : i32
        %dma_start3A_30 = tpu.memref_slice %arg5[%arg0, %mul3A_29, %dma_start3A] : memref<2x2944x128xf32, #tpu.memory_space<hbm>> -> memref<1x128x128xf32, #tpu.memory_space<hbm>>
        %dma_start3A_31 = tpu.memref_squeeze %dma_start3A_30 : memref<1x128x128xf32, #tpu.memory_space<hbm>> -> memref<128x128xf32, #tpu.memory_space<hbm>>
        %dma_start3A_32 = arith.constant 0 : i32
        %dma_start3A_33 = tpu.memref_slice %arg8[%mul3A_25, %dma_start3A_32] : memref<2944x128xf32, #tpu.memory_space<vmem_shared>> -> memref<128x128xf32, #tpu.memory_space<vmem_shared>>
        tpu.enqueue_dma source(%dma_start3A_33 : memref<128x128xf32, #tpu.memory_space<vmem_shared>>) target(%dma_start3A_31 : memref<128x128xf32, #tpu.memory_space<hbm>>) target_semaphore(%run_scoped3A : memref<!tpu.dma_semaphore, #tpu.memory_space<semaphore_mem>>)
        %dma_wait3A = arith.constant 0 : i32
        %dma_wait3A_34 = tpu.memref_slice %arg5[%arg0, %mul3A_29, %dma_wait3A] : memref<2x2944x128xf32, #tpu.memory_space<hbm>> -> memref<1x128x128xf32, #tpu.memory_space<hbm>>
        %dma_wait3A_35 = tpu.memref_squeeze %dma_wait3A_34 : memref<1x128x128xf32, #tpu.memory_space<hbm>> -> memref<128x128xf32, #tpu.memory_space<hbm>>
        %dma_wait3A_36 = arith.constant 0 : i32
        %dma_wait3A_37 = tpu.memref_slice %arg8[%mul3A_25, %dma_wait3A_36] : memref<2944x128xf32, #tpu.memory_space<vmem_shared>> -> memref<128x128xf32, #tpu.memory_space<vmem_shared>>
        tpu.wait_dma2 semaphore(%run_scoped3A : memref<!tpu.dma_semaphore, #tpu.memory_space<semaphore_mem>>) src(%dma_wait3A_37 : memref<128x128xf32, #tpu.memory_space<vmem_shared>>) dst(%dma_wait3A_35 : memref<128x128xf32, #tpu.memory_space<hbm>>)
        tpu.yield
      }) : () -> ()
    } else {
    }
    return
  }
}

#map = affine_map<(d0, d1) -> (0, 0)>
#map1 = affine_map<(d0, d1) -> (0)>
module attributes {stable_mosaic.version = 14 : i64} {
  func.func @k(%arg0: i32, %arg1: i32, %arg2: memref<259200x128xf32, #tpu.memory_space<hbm>>, %arg3: memref<2944x128xf32, #tpu.memory_space<hbm>>, %arg4: memref<606208xi32, #tpu.memory_space<hbm>>, %arg5: memref<606208xi32, #tpu.memory_space<hbm>>, %arg6: memref<606208x128xf32, #tpu.memory_space<hbm>>, %arg7: memref<606208x128xf32, #tpu.memory_space<hbm>>, %arg8: memref<128xi32, #tpu.memory_space<vmem>>, %arg9: memref<128x128xf32, #tpu.memory_space<vmem>>, %arg10: memref<!tpu.dma_semaphore, #tpu.memory_space<semaphore_mem>>) attributes {dimension_semantics = [#tpu.dimension_semantics<core_parallel>, #tpu.dimension_semantics<subcore_parallel>], iteration_bounds = array<i64: 2, 16>, scalar_prefetch = 0 : i64, scratch_operands = 3 : i64, tpu.core_type = #tpu.core_type<sc_vector_subcore>, window_params = [{transform_indices = #map}, {transform_indices = #map}, {transform_indices = #map1}, {transform_indices = #map1}, {transform_indices = #map}, {transform_indices = #map}]} {
    %mul3A = arith.constant 2 : i32
    %mul3A_0 = arith.muli %arg1, %mul3A : i32
    %add3A = arith.addi %mul3A_0, %arg0 : i32
    %mul3A_1 = arith.constant 18944 : i32
    %mul3A_2 = arith.muli %add3A, %mul3A_1 : i32
    %scan3A = arith.constant 0 : i32
    %scan3A_3 = arith.constant 0 : i32
    %scan3A_4 = arith.constant 148 : i32
    %scan3A_5 = arith.addi %scan3A_3, %scan3A_4 : i32
    %scan3A_6 = arith.constant 1 : i32
    scf.for %scan3A_14 = %scan3A_3 to %scan3A_5 step %scan3A_6  : i32 {
      %mul3A_15 = arith.constant 128 : i32
      %mul3A_16 = arith.muli %scan3A_14, %mul3A_15 : i32
      %add3A_17 = arith.addi %mul3A_2, %mul3A_16 : i32
      "tpu.region"() ({
        %run_scoped3A = tpu.sem_alloc : memref<!tpu.dma_semaphore, #tpu.memory_space<semaphore_mem>>
        %dma_start3A_22 = tpu.memref_slice %arg4[%add3A_17] : memref<606208xi32, #tpu.memory_space<hbm>> -> memref<128xi32, #tpu.memory_space<hbm>>
        %dma_start3A_23 = tpu.memref_slice %arg4[%add3A_17] : memref<606208xi32, #tpu.memory_space<hbm>> -> memref<128xi32, #tpu.memory_space<hbm>>
        tpu.enqueue_dma source(%dma_start3A_23 : memref<128xi32, #tpu.memory_space<hbm>>) target(%arg8 : memref<128xi32, #tpu.memory_space<vmem>>) target_semaphore(%run_scoped3A : memref<!tpu.dma_semaphore, #tpu.memory_space<semaphore_mem>>)
        %dma_wait3A_24 = tpu.memref_slice %arg4[%add3A_17] : memref<606208xi32, #tpu.memory_space<hbm>> -> memref<128xi32, #tpu.memory_space<hbm>>
        %dma_wait3A_25 = tpu.memref_slice %arg4[%add3A_17] : memref<606208xi32, #tpu.memory_space<hbm>> -> memref<128xi32, #tpu.memory_space<hbm>>
        tpu.wait_dma2 semaphore(%run_scoped3A : memref<!tpu.dma_semaphore, #tpu.memory_space<semaphore_mem>>) src(%dma_wait3A_25 : memref<128xi32, #tpu.memory_space<hbm>>) dst(%arg8 : memref<128xi32, #tpu.memory_space<vmem>>)
        tpu.yield
      }) : () -> ()
      %dma_start3A = arith.constant 0 : i32
      %dma_start3A_18 = arith.constant 0 : i32
      %dma_start3A_19 = tpu.memref_slice %arg2[%dma_start3A, %dma_start3A_18] : memref<259200x128xf32, #tpu.memory_space<hbm>> -> memref<259200x128xf32, #tpu.memory_space<hbm>>
      tpu.enqueue_indirect_dma source(%dma_start3A_19 : memref<259200x128xf32, #tpu.memory_space<hbm>>) target(%arg9 : memref<128x128xf32, #tpu.memory_space<vmem>>) offsets(%arg8 : memref<128xi32, #tpu.memory_space<vmem>>) semaphore(%arg10 : memref<!tpu.dma_semaphore, #tpu.memory_space<semaphore_mem>>)
      %dma_wait3A = arith.constant 0 : i32
      %dma_wait3A_20 = arith.constant 0 : i32
      %dma_wait3A_21 = tpu.memref_slice %arg2[%dma_wait3A, %dma_wait3A_20] : memref<259200x128xf32, #tpu.memory_space<hbm>> -> memref<259200x128xf32, #tpu.memory_space<hbm>>
      tpu.wait_indirect_dma semaphore(%arg10 : memref<!tpu.dma_semaphore, #tpu.memory_space<semaphore_mem>>) src(%dma_wait3A_21 : memref<259200x128xf32, #tpu.memory_space<hbm>>) dst(%arg9 : memref<128x128xf32, #tpu.memory_space<vmem>>)
      "tpu.region"() ({
        %run_scoped3A = tpu.sem_alloc : memref<!tpu.dma_semaphore, #tpu.memory_space<semaphore_mem>>
        %dma_start3A_22 = arith.constant 0 : i32
        %dma_start3A_23 = tpu.memref_slice %arg6[%add3A_17, %dma_start3A_22] : memref<606208x128xf32, #tpu.memory_space<hbm>> -> memref<128x128xf32, #tpu.memory_space<hbm>>
        %dma_start3A_24 = arith.constant 0 : i32
        %dma_start3A_25 = tpu.memref_slice %arg6[%add3A_17, %dma_start3A_24] : memref<606208x128xf32, #tpu.memory_space<hbm>> -> memref<128x128xf32, #tpu.memory_space<hbm>>
        tpu.enqueue_dma source(%arg9 : memref<128x128xf32, #tpu.memory_space<vmem>>) target(%dma_start3A_25 : memref<128x128xf32, #tpu.memory_space<hbm>>) target_semaphore(%run_scoped3A : memref<!tpu.dma_semaphore, #tpu.memory_space<semaphore_mem>>)
        %dma_wait3A_26 = arith.constant 0 : i32
        %dma_wait3A_27 = tpu.memref_slice %arg6[%add3A_17, %dma_wait3A_26] : memref<606208x128xf32, #tpu.memory_space<hbm>> -> memref<128x128xf32, #tpu.memory_space<hbm>>
        %dma_wait3A_28 = arith.constant 0 : i32
        %dma_wait3A_29 = tpu.memref_slice %arg6[%add3A_17, %dma_wait3A_28] : memref<606208x128xf32, #tpu.memory_space<hbm>> -> memref<128x128xf32, #tpu.memory_space<hbm>>
        tpu.wait_dma2 semaphore(%run_scoped3A : memref<!tpu.dma_semaphore, #tpu.memory_space<semaphore_mem>>) src(%arg9 : memref<128x128xf32, #tpu.memory_space<vmem>>) dst(%dma_wait3A_29 : memref<128x128xf32, #tpu.memory_space<hbm>>)
        tpu.yield
      }) : () -> ()
    }
    %scan3A_7 = arith.constant 148 : i32
    %scan3A_8 = arith.constant 0 : i32
    %scan3A_9 = arith.constant 0 : i32
    %scan3A_10 = arith.constant 148 : i32
    %scan3A_11 = arith.addi %scan3A_9, %scan3A_10 : i32
    %scan3A_12 = arith.constant 1 : i32
    scf.for %scan3A_14 = %scan3A_9 to %scan3A_11 step %scan3A_12  : i32 {
      %mul3A_15 = arith.constant 128 : i32
      %mul3A_16 = arith.muli %scan3A_14, %mul3A_15 : i32
      %add3A_17 = arith.addi %mul3A_2, %mul3A_16 : i32
      "tpu.region"() ({
        %run_scoped3A = tpu.sem_alloc : memref<!tpu.dma_semaphore, #tpu.memory_space<semaphore_mem>>
        %dma_start3A_22 = tpu.memref_slice %arg5[%add3A_17] : memref<606208xi32, #tpu.memory_space<hbm>> -> memref<128xi32, #tpu.memory_space<hbm>>
        %dma_start3A_23 = tpu.memref_slice %arg5[%add3A_17] : memref<606208xi32, #tpu.memory_space<hbm>> -> memref<128xi32, #tpu.memory_space<hbm>>
        tpu.enqueue_dma source(%dma_start3A_23 : memref<128xi32, #tpu.memory_space<hbm>>) target(%arg8 : memref<128xi32, #tpu.memory_space<vmem>>) target_semaphore(%run_scoped3A : memref<!tpu.dma_semaphore, #tpu.memory_space<semaphore_mem>>)
        %dma_wait3A_24 = tpu.memref_slice %arg5[%add3A_17] : memref<606208xi32, #tpu.memory_space<hbm>> -> memref<128xi32, #tpu.memory_space<hbm>>
        %dma_wait3A_25 = tpu.memref_slice %arg5[%add3A_17] : memref<606208xi32, #tpu.memory_space<hbm>> -> memref<128xi32, #tpu.memory_space<hbm>>
        tpu.wait_dma2 semaphore(%run_scoped3A : memref<!tpu.dma_semaphore, #tpu.memory_space<semaphore_mem>>) src(%dma_wait3A_25 : memref<128xi32, #tpu.memory_space<hbm>>) dst(%arg8 : memref<128xi32, #tpu.memory_space<vmem>>)
        tpu.yield
      }) : () -> ()
      %dma_start3A = arith.constant 0 : i32
      %dma_start3A_18 = arith.constant 0 : i32
      %dma_start3A_19 = tpu.memref_slice %arg3[%dma_start3A, %dma_start3A_18] : memref<2944x128xf32, #tpu.memory_space<hbm>> -> memref<2944x128xf32, #tpu.memory_space<hbm>>
      tpu.enqueue_indirect_dma source(%dma_start3A_19 : memref<2944x128xf32, #tpu.memory_space<hbm>>) target(%arg9 : memref<128x128xf32, #tpu.memory_space<vmem>>) offsets(%arg8 : memref<128xi32, #tpu.memory_space<vmem>>) semaphore(%arg10 : memref<!tpu.dma_semaphore, #tpu.memory_space<semaphore_mem>>)
      %dma_wait3A = arith.constant 0 : i32
      %dma_wait3A_20 = arith.constant 0 : i32
      %dma_wait3A_21 = tpu.memref_slice %arg3[%dma_wait3A, %dma_wait3A_20] : memref<2944x128xf32, #tpu.memory_space<hbm>> -> memref<2944x128xf32, #tpu.memory_space<hbm>>
      tpu.wait_indirect_dma semaphore(%arg10 : memref<!tpu.dma_semaphore, #tpu.memory_space<semaphore_mem>>) src(%dma_wait3A_21 : memref<2944x128xf32, #tpu.memory_space<hbm>>) dst(%arg9 : memref<128x128xf32, #tpu.memory_space<vmem>>)
      "tpu.region"() ({
        %run_scoped3A = tpu.sem_alloc : memref<!tpu.dma_semaphore, #tpu.memory_space<semaphore_mem>>
        %dma_start3A_22 = arith.constant 0 : i32
        %dma_start3A_23 = tpu.memref_slice %arg7[%add3A_17, %dma_start3A_22] : memref<606208x128xf32, #tpu.memory_space<hbm>> -> memref<128x128xf32, #tpu.memory_space<hbm>>
        %dma_start3A_24 = arith.constant 0 : i32
        %dma_start3A_25 = tpu.memref_slice %arg7[%add3A_17, %dma_start3A_24] : memref<606208x128xf32, #tpu.memory_space<hbm>> -> memref<128x128xf32, #tpu.memory_space<hbm>>
        tpu.enqueue_dma source(%arg9 : memref<128x128xf32, #tpu.memory_space<vmem>>) target(%dma_start3A_25 : memref<128x128xf32, #tpu.memory_space<hbm>>) target_semaphore(%run_scoped3A : memref<!tpu.dma_semaphore, #tpu.memory_space<semaphore_mem>>)
        %dma_wait3A_26 = arith.constant 0 : i32
        %dma_wait3A_27 = tpu.memref_slice %arg7[%add3A_17, %dma_wait3A_26] : memref<606208x128xf32, #tpu.memory_space<hbm>> -> memref<128x128xf32, #tpu.memory_space<hbm>>
        %dma_wait3A_28 = arith.constant 0 : i32
        %dma_wait3A_29 = tpu.memref_slice %arg7[%add3A_17, %dma_wait3A_28] : memref<606208x128xf32, #tpu.memory_space<hbm>> -> memref<128x128xf32, #tpu.memory_space<hbm>>
        tpu.wait_dma2 semaphore(%run_scoped3A : memref<!tpu.dma_semaphore, #tpu.memory_space<semaphore_mem>>) src(%arg9 : memref<128x128xf32, #tpu.memory_space<vmem>>) dst(%dma_wait3A_29 : memref<128x128xf32, #tpu.memory_space<hbm>>)
        tpu.yield
      }) : () -> ()
    }
    %scan3A_13 = arith.constant 148 : i32
    return
  }
}

#map = affine_map<(d0, d1) -> (0, 0)>
#map1 = affine_map<(d0, d1) -> (0)>
#map2 = affine_map<(d0, d1) -> (0, 0, 0)>
module attributes {stable_mosaic.version = 14 : i64} {
  func.func @k(%arg0: i32, %arg1: i32, %arg2: memref<606208x128xf32, #tpu.memory_space<hbm>>, %arg3: memref<606208xi32, #tpu.memory_space<hbm>>, %arg4: memref<2944x128xf32, #tpu.memory_space<hbm>>, %arg5: memref<2x2944x128xf32, #tpu.memory_space<hbm>>, %arg6: memref<128xi32, #tpu.memory_space<vmem>>, %arg7: memref<128x128xf32, #tpu.memory_space<vmem>>, %arg8: memref<2944x128xf32, #tpu.memory_space<vmem_shared>>, %arg9: memref<!tpu.dma_semaphore, #tpu.memory_space<semaphore_mem>>) attributes {dimension_semantics = [#tpu.dimension_semantics<core_parallel>, #tpu.dimension_semantics<subcore_parallel>], iteration_bounds = array<i64: 2, 16>, scalar_prefetch = 0 : i64, scratch_operands = 4 : i64, tpu.core_type = #tpu.core_type<sc_vector_subcore>, window_params = [{transform_indices = #map}, {transform_indices = #map1}, {transform_indices = #map}, {transform_indices = #map2}]} {
    %mul3A = arith.constant 2 : i32
    %mul3A_0 = arith.muli %arg1, %mul3A : i32
    %add3A = arith.addi %mul3A_0, %arg0 : i32
    %mul3A_1 = arith.constant 18944 : i32
    %mul3A_2 = arith.muli %add3A, %mul3A_1 : i32
    %eq3A = arith.constant 0 : i32
    %eq3A_3 = arith.cmpi eq, %arg1, %eq3A : i32
    %convert_element_type3A = arith.extui %eq3A_3 : i1 to i32
    %cond3A = arith.constant 0 : i32
    %cond3A_4 = arith.cmpi ne, %convert_element_type3A, %cond3A : i32
    scf.if %cond3A_4 {
      "tpu.region"() ({
        %run_scoped3A = tpu.sem_alloc : memref<!tpu.dma_semaphore, #tpu.memory_space<semaphore_mem>>
        tpu.enqueue_dma source(%arg4 : memref<2944x128xf32, #tpu.memory_space<hbm>>) target(%arg8 : memref<2944x128xf32, #tpu.memory_space<vmem_shared>>) target_semaphore(%run_scoped3A : memref<!tpu.dma_semaphore, #tpu.memory_space<semaphore_mem>>)
        tpu.wait_dma2 semaphore(%run_scoped3A : memref<!tpu.dma_semaphore, #tpu.memory_space<semaphore_mem>>) src(%arg4 : memref<2944x128xf32, #tpu.memory_space<hbm>>) dst(%arg8 : memref<2944x128xf32, #tpu.memory_space<vmem_shared>>)
        tpu.yield
      }) : () -> ()
    } else {
    }
    %barrier3A = arith.constant 0 : index
    tpu.barrier barrier_id(%barrier3A)
    %scan3A = arith.constant 0 : i32
    %scan3A_5 = arith.constant 0 : i32
    %scan3A_6 = arith.constant 148 : i32
    %scan3A_7 = arith.addi %scan3A_5, %scan3A_6 : i32
    %scan3A_8 = arith.constant 1 : i32
    scf.for %scan3A_22 = %scan3A_5 to %scan3A_7 step %scan3A_8  : i32 {
      %mul3A_23 = arith.constant 128 : i32
      %mul3A_24 = arith.muli %scan3A_22, %mul3A_23 : i32
      %add3A_25 = arith.addi %mul3A_2, %mul3A_24 : i32
      "tpu.region"() ({
        %run_scoped3A = tpu.sem_alloc : memref<!tpu.dma_semaphore, #tpu.memory_space<semaphore_mem>>
        %dma_start3A = tpu.memref_slice %arg3[%add3A_25] : memref<606208xi32, #tpu.memory_space<hbm>> -> memref<128xi32, #tpu.memory_space<hbm>>
        %dma_start3A_26 = tpu.memref_slice %arg3[%add3A_25] : memref<606208xi32, #tpu.memory_space<hbm>> -> memref<128xi32, #tpu.memory_space<hbm>>
        tpu.enqueue_dma source(%dma_start3A_26 : memref<128xi32, #tpu.memory_space<hbm>>) target(%arg6 : memref<128xi32, #tpu.memory_space<vmem>>) target_semaphore(%run_scoped3A : memref<!tpu.dma_semaphore, #tpu.memory_space<semaphore_mem>>)
        %dma_wait3A = tpu.memref_slice %arg3[%add3A_25] : memref<606208xi32, #tpu.memory_space<hbm>> -> memref<128xi32, #tpu.memory_space<hbm>>
        %dma_wait3A_27 = tpu.memref_slice %arg3[%add3A_25] : memref<606208xi32, #tpu.memory_space<hbm>> -> memref<128xi32, #tpu.memory_space<hbm>>
        tpu.wait_dma2 semaphore(%run_scoped3A : memref<!tpu.dma_semaphore, #tpu.memory_space<semaphore_mem>>) src(%dma_wait3A_27 : memref<128xi32, #tpu.memory_space<hbm>>) dst(%arg6 : memref<128xi32, #tpu.memory_space<vmem>>)
        tpu.yield
      }) : () -> ()
      "tpu.region"() ({
        %run_scoped3A = tpu.sem_alloc : memref<!tpu.dma_semaphore, #tpu.memory_space<semaphore_mem>>
        %dma_start3A = arith.constant 0 : i32
        %dma_start3A_26 = tpu.memref_slice %arg2[%add3A_25, %dma_start3A] : memref<606208x128xf32, #tpu.memory_space<hbm>> -> memref<128x128xf32, #tpu.memory_space<hbm>>
        %dma_start3A_27 = arith.constant 0 : i32
        %dma_start3A_28 = tpu.memref_slice %arg2[%add3A_25, %dma_start3A_27] : memref<606208x128xf32, #tpu.memory_space<hbm>> -> memref<128x128xf32, #tpu.memory_space<hbm>>
        tpu.enqueue_dma source(%dma_start3A_28 : memref<128x128xf32, #tpu.memory_space<hbm>>) target(%arg7 : memref<128x128xf32, #tpu.memory_space<vmem>>) target_semaphore(%run_scoped3A : memref<!tpu.dma_semaphore, #tpu.memory_space<semaphore_mem>>)
        %dma_wait3A = arith.constant 0 : i32
        %dma_wait3A_29 = tpu.memref_slice %arg2[%add3A_25, %dma_wait3A] : memref<606208x128xf32, #tpu.memory_space<hbm>> -> memref<128x128xf32, #tpu.memory_space<hbm>>
        %dma_wait3A_30 = arith.constant 0 : i32
        %dma_wait3A_31 = tpu.memref_slice %arg2[%add3A_25, %dma_wait3A_30] : memref<606208x128xf32, #tpu.memory_space<hbm>> -> memref<128x128xf32, #tpu.memory_space<hbm>>
        tpu.wait_dma2 semaphore(%run_scoped3A : memref<!tpu.dma_semaphore, #tpu.memory_space<semaphore_mem>>) src(%dma_wait3A_31 : memref<128x128xf32, #tpu.memory_space<hbm>>) dst(%arg7 : memref<128x128xf32, #tpu.memory_space<vmem>>)
        tpu.yield
      }) : () -> ()
      "tpu.region"() ({
        %run_scoped3A = tpu.sem_alloc : memref<!tpu.dma_semaphore, #tpu.memory_space<semaphore_mem>>
        %dma_start3A = arith.constant 0 : i32
        %dma_start3A_26 = arith.constant 0 : i32
        %dma_start3A_27 = tpu.memref_slice %arg8[%dma_start3A, %dma_start3A_26] : memref<2944x128xf32, #tpu.memory_space<vmem_shared>> -> memref<2944x128xf32, #tpu.memory_space<vmem_shared>>
        tpu.enqueue_indirect_dma source(%arg7 : memref<128x128xf32, #tpu.memory_space<vmem>>) target(%dma_start3A_27 : memref<2944x128xf32, #tpu.memory_space<vmem_shared>>) offsets(%arg6 : memref<128xi32, #tpu.memory_space<vmem>>) semaphore(%run_scoped3A : memref<!tpu.dma_semaphore, #tpu.memory_space<semaphore_mem>>) {add = true}
        %dma_wait3A = arith.constant 0 : i32
        %dma_wait3A_28 = arith.constant 0 : i32
        %dma_wait3A_29 = tpu.memref_slice %arg8[%dma_wait3A, %dma_wait3A_28] : memref<2944x128xf32, #tpu.memory_space<vmem_shared>> -> memref<2944x128xf32, #tpu.memory_space<vmem_shared>>
        tpu.wait_indirect_dma semaphore(%run_scoped3A : memref<!tpu.dma_semaphore, #tpu.memory_space<semaphore_mem>>) src(%arg7 : memref<128x128xf32, #tpu.memory_space<vmem>>) dst(%dma_wait3A_29 : memref<2944x128xf32, #tpu.memory_space<vmem_shared>>)
        tpu.yield
      }) : () -> ()
    }
    %scan3A_9 = arith.constant 148 : i32
    %barrier3A_10 = arith.constant 0 : index
    tpu.barrier barrier_id(%barrier3A_10)
    %lt3A = arith.constant 23 : i32
    %lt3A_11 = arith.cmpi slt, %arg1, %lt3A : i32
    %convert_element_type3A_12 = arith.extui %lt3A_11 : i1 to i32
    %cond3A_13 = arith.constant 0 : i32
    %cond3A_14 = arith.cmpi ne, %convert_element_type3A_12, %cond3A_13 : i32
    scf.if %cond3A_14 {
      %mul3A_22 = arith.constant 128 : i32
      %mul3A_23 = arith.muli %arg1, %mul3A_22 : i32
      %mul3A_24 = arith.constant 128 : i32
      %mul3A_25 = arith.muli %arg1, %mul3A_24 : i32
      "tpu.region"() ({
        %run_scoped3A = tpu.sem_alloc : memref<!tpu.dma_semaphore, #tpu.memory_space<semaphore_mem>>
        %dma_start3A = arith.constant 0 : i32
        %dma_start3A_26 = tpu.memref_slice %arg5[%arg0, %mul3A_25, %dma_start3A] : memref<2x2944x128xf32, #tpu.memory_space<hbm>> -> memref<1x128x128xf32, #tpu.memory_space<hbm>>
        %dma_start3A_27 = tpu.memref_squeeze %dma_start3A_26 : memref<1x128x128xf32, #tpu.memory_space<hbm>> -> memref<128x128xf32, #tpu.memory_space<hbm>>
        %dma_start3A_28 = arith.constant 0 : i32
        %dma_start3A_29 = tpu.memref_slice %arg8[%mul3A_23, %dma_start3A_28] : memref<2944x128xf32, #tpu.memory_space<vmem_shared>> -> memref<128x128xf32, #tpu.memory_space<vmem_shared>>
        tpu.enqueue_dma source(%dma_start3A_29 : memref<128x128xf32, #tpu.memory_space<vmem_shared>>) target(%dma_start3A_27 : memref<128x128xf32, #tpu.memory_space<hbm>>) target_semaphore(%run_scoped3A : memref<!tpu.dma_semaphore, #tpu.memory_space<semaphore_mem>>)
        %dma_wait3A = arith.constant 0 : i32
        %dma_wait3A_30 = tpu.memref_slice %arg5[%arg0, %mul3A_25, %dma_wait3A] : memref<2x2944x128xf32, #tpu.memory_space<hbm>> -> memref<1x128x128xf32, #tpu.memory_space<hbm>>
        %dma_wait3A_31 = tpu.memref_squeeze %dma_wait3A_30 : memref<1x128x128xf32, #tpu.memory_space<hbm>> -> memref<128x128xf32, #tpu.memory_space<hbm>>
        %dma_wait3A_32 = arith.constant 0 : i32
        %dma_wait3A_33 = tpu.memref_slice %arg8[%mul3A_23, %dma_wait3A_32] : memref<2944x128xf32, #tpu.memory_space<vmem_shared>> -> memref<128x128xf32, #tpu.memory_space<vmem_shared>>
        tpu.wait_dma2 semaphore(%run_scoped3A : memref<!tpu.dma_semaphore, #tpu.memory_space<semaphore_mem>>) src(%dma_wait3A_33 : memref<128x128xf32, #tpu.memory_space<vmem_shared>>) dst(%dma_wait3A_31 : memref<128x128xf32, #tpu.memory_space<hbm>>)
        tpu.yield
      }) : () -> ()
    } else {
    }
    %add3A_15 = arith.constant 16 : i32
    %add3A_16 = arith.addi %arg1, %add3A_15 : i32
    %lt3A_17 = arith.constant 23 : i32
    %lt3A_18 = arith.cmpi slt, %add3A_16, %lt3A_17 : i32
    %convert_element_type3A_19 = arith.extui %lt3A_18 : i1 to i32
    %cond3A_20 = arith.constant 0 : i32
    %cond3A_21 = arith.cmpi ne, %convert_element_type3A_19, %cond3A_20 : i32
    scf.if %cond3A_21 {
      %add3A_22 = arith.constant 16 : i32
      %add3A_23 = arith.addi %arg1, %add3A_22 : i32
      %mul3A_24 = arith.constant 128 : i32
      %mul3A_25 = arith.muli %add3A_23, %mul3A_24 : i32
      %add3A_26 = arith.constant 16 : i32
      %add3A_27 = arith.addi %arg1, %add3A_26 : i32
      %mul3A_28 = arith.constant 128 : i32
      %mul3A_29 = arith.muli %add3A_27, %mul3A_28 : i32
      "tpu.region"() ({
        %run_scoped3A = tpu.sem_alloc : memref<!tpu.dma_semaphore, #tpu.memory_space<semaphore_mem>>
        %dma_start3A = arith.constant 0 : i32
        %dma_start3A_30 = tpu.memref_slice %arg5[%arg0, %mul3A_29, %dma_start3A] : memref<2x2944x128xf32, #tpu.memory_space<hbm>> -> memref<1x128x128xf32, #tpu.memory_space<hbm>>
        %dma_start3A_31 = tpu.memref_squeeze %dma_start3A_30 : memref<1x128x128xf32, #tpu.memory_space<hbm>> -> memref<128x128xf32, #tpu.memory_space<hbm>>
        %dma_start3A_32 = arith.constant 0 : i32
        %dma_start3A_33 = tpu.memref_slice %arg8[%mul3A_25, %dma_start3A_32] : memref<2944x128xf32, #tpu.memory_space<vmem_shared>> -> memref<128x128xf32, #tpu.memory_space<vmem_shared>>
        tpu.enqueue_dma source(%dma_start3A_33 : memref<128x128xf32, #tpu.memory_space<vmem_shared>>) target(%dma_start3A_31 : memref<128x128xf32, #tpu.memory_space<hbm>>) target_semaphore(%run_scoped3A : memref<!tpu.dma_semaphore, #tpu.memory_space<semaphore_mem>>)
        %dma_wait3A = arith.constant 0 : i32
        %dma_wait3A_34 = tpu.memref_slice %arg5[%arg0, %mul3A_29, %dma_wait3A] : memref<2x2944x128xf32, #tpu.memory_space<hbm>> -> memref<1x128x128xf32, #tpu.memory_space<hbm>>
        %dma_wait3A_35 = tpu.memref_squeeze %dma_wait3A_34 : memref<1x128x128xf32, #tpu.memory_space<hbm>> -> memref<128x128xf32, #tpu.memory_space<hbm>>
        %dma_wait3A_36 = arith.constant 0 : i32
        %dma_wait3A_37 = tpu.memref_slice %arg8[%mul3A_25, %dma_wait3A_36] : memref<2944x128xf32, #tpu.memory_space<vmem_shared>> -> memref<128x128xf32, #tpu.memory_space<vmem_shared>>
        tpu.wait_dma2 semaphore(%run_scoped3A : memref<!tpu.dma_semaphore, #tpu.memory_space<semaphore_mem>>) src(%dma_wait3A_37 : memref<128x128xf32, #tpu.memory_space<vmem_shared>>) dst(%dma_wait3A_35 : memref<128x128xf32, #tpu.memory_space<hbm>>)
        tpu.yield
      }) : () -> ()
    } else {
    }
    return
  }
}

module attributes {stable_mosaic.version = 14 : i64} {
  func.func @_mlp2_body(%arg0: i32, %arg1: memref<1024x78xf32, #tpu.memory_space<vmem>>, %arg2: memref<78x128xf32, #tpu.memory_space<vmem>>, %arg3: memref<1x128xf32, #tpu.memory_space<vmem>>, %arg4: memref<1x128xf32, #tpu.memory_space<vmem>>, %arg5: memref<1x128xf32, #tpu.memory_space<vmem>>, %arg6: memref<128x128xf32, #tpu.memory_space<vmem>>, %arg7: memref<1x128xf32, #tpu.memory_space<vmem>>, %arg8: memref<1x128xf32, #tpu.memory_space<vmem>>, %arg9: memref<1x128xf32, #tpu.memory_space<vmem>>, %arg10: memref<1024x128xf32, #tpu.memory_space<vmem>>) attributes {dimension_semantics = [#tpu.dimension_semantics<arbitrary>], iteration_bounds = array<i64: 254>, scalar_prefetch = 0 : i64, scratch_operands = 0 : i64, tpu.core_type = #tpu.core_type<tc>, window_params = [{transform_indices = @transform_0, window_bounds = array<i64: 1024, 78>}, {pipeline_mode = #tpu.pipeline_mode<synchronous>, transform_indices = @transform_1, window_bounds = array<i64: 78, 128>}, {pipeline_mode = #tpu.pipeline_mode<synchronous>, transform_indices = @transform_2, window_bounds = array<i64: 1, 128>}, {pipeline_mode = #tpu.pipeline_mode<synchronous>, transform_indices = @transform_3, window_bounds = array<i64: 1, 128>}, {pipeline_mode = #tpu.pipeline_mode<synchronous>, transform_indices = @transform_4, window_bounds = array<i64: 1, 128>}, {pipeline_mode = #tpu.pipeline_mode<synchronous>, transform_indices = @transform_5, window_bounds = array<i64: 128, 128>}, {pipeline_mode = #tpu.pipeline_mode<synchronous>, transform_indices = @transform_6, window_bounds = array<i64: 1, 128>}, {pipeline_mode = #tpu.pipeline_mode<synchronous>, transform_indices = @transform_7, window_bounds = array<i64: 1, 128>}, {pipeline_mode = #tpu.pipeline_mode<synchronous>, transform_indices = @transform_8, window_bounds = array<i64: 1, 128>}, {transform_indices = @transform_9, window_bounds = array<i64: 1024, 128>}]} {
    %get3A = arith.constant 0 : index
    %get3A_0 = arith.constant 0 : index
    %get3A_1 = vector.load %arg1[%get3A, %get3A_0] : memref<1024x78xf32, #tpu.memory_space<vmem>>, vector<1024x78xf32>
    %get3A_2 = arith.constant 0 : index
    %get3A_3 = arith.constant 0 : index
    %get3A_4 = vector.load %arg2[%get3A_2, %get3A_3] : memref<78x128xf32, #tpu.memory_space<vmem>>, vector<78x128xf32>
    %dot_general3A = arith.constant dense<0.000000e+00> : vector<1024x128xf32>
    %dot_general3A_5 = tpu.matmul %get3A_1, %get3A_4, %dot_general3A {dimension_numbers = #tpu.dot_dimension_numbers<[1], [0], [0], [1], [0, 0, 1, 1], [], []>, transpose_lhs_hint = false} : vector<1024x78xf32>, vector<78x128xf32>, vector<1024x128xf32> -> vector<1024x128xf32>
    %get3A_6 = arith.constant 0 : index
    %get3A_7 = arith.constant 0 : index
    %get3A_8 = vector.load %arg3[%get3A_6, %get3A_7] : memref<1x128xf32, #tpu.memory_space<vmem>>, vector<1x128xf32>
    %add3A = vector.broadcast %get3A_8 : vector<1x128xf32> to vector<1024x128xf32>
    %add3A_9 = arith.addf %dot_general3A_5, %add3A : vector<1024x128xf32>
    %max3A = arith.constant 0.000000e+00 : f32
    %max3A_10 = vector.broadcast %max3A : f32 to vector<1024x128xf32>
    %max3A_11 = arith.maximumf %add3A_9, %max3A_10 : vector<1024x128xf32>
    %get3A_12 = arith.constant 0 : index
    %get3A_13 = arith.constant 0 : index
    %get3A_14 = vector.load %arg4[%get3A_12, %get3A_13] : memref<1x128xf32, #tpu.memory_space<vmem>>, vector<1x128xf32>
    %get3A_15 = arith.constant 0 : index
    %get3A_16 = arith.constant 0 : index
    %get3A_17 = vector.load %arg5[%get3A_15, %get3A_16] : memref<1x128xf32, #tpu.memory_space<vmem>>, vector<1x128xf32>
    %reduce_sum3A = arith.constant dense<0.000000e+00> : vector<1024xf32>
    %reduce_sum3A_18 = vector.multi_reduction <add>, %max3A_11, %reduce_sum3A [1] : vector<1024x128xf32> to vector<1024xf32>
    %broadcast_in_dim3A = vector.shape_cast %reduce_sum3A_18 : vector<1024xf32> to vector<1024x1xf32>
    %div3A = arith.constant 1.280000e+02 : f32
    %div3A_19 = vector.broadcast %div3A : f32 to vector<1024x1xf32>
    %div3A_20 = arith.divf %broadcast_in_dim3A, %div3A_19 : vector<1024x1xf32>
    %sub3A = vector.broadcast %div3A_20 : vector<1024x1xf32> to vector<1024x128xf32>
    %sub3A_21 = arith.subf %max3A_11, %sub3A : vector<1024x128xf32>
    %integer_pow3A = arith.mulf %sub3A_21, %sub3A_21 : vector<1024x128xf32>
    %reduce_sum3A_22 = arith.constant dense<0.000000e+00> : vector<1024xf32>
    %reduce_sum3A_23 = vector.multi_reduction <add>, %integer_pow3A, %reduce_sum3A_22 [1] : vector<1024x128xf32> to vector<1024xf32>
    %broadcast_in_dim3A_24 = vector.shape_cast %reduce_sum3A_23 : vector<1024xf32> to vector<1024x1xf32>
    %div3A_25 = arith.constant 1.280000e+02 : f32
    %div3A_26 = vector.broadcast %div3A_25 : f32 to vector<1024x1xf32>
    %div3A_27 = arith.divf %broadcast_in_dim3A_24, %div3A_26 : vector<1024x1xf32>
    %sub3A_28 = vector.broadcast %div3A_20 : vector<1024x1xf32> to vector<1024x128xf32>
    %sub3A_29 = arith.subf %max3A_11, %sub3A_28 : vector<1024x128xf32>
    %add3A_30 = arith.constant 9.99999974E-6 : f32
    %add3A_31 = vector.broadcast %add3A_30 : f32 to vector<1024x1xf32>
    %add3A_32 = arith.addf %div3A_27, %add3A_31 : vector<1024x1xf32>
    %rsqrt3A = math.rsqrt %add3A_32 : vector<1024x1xf32>
    %mul3A = vector.broadcast %rsqrt3A : vector<1024x1xf32> to vector<1024x128xf32>
    %mul3A_33 = arith.mulf %sub3A_29, %mul3A : vector<1024x128xf32>
    %mul3A_34 = vector.broadcast %get3A_14 : vector<1x128xf32> to vector<1024x128xf32>
    %mul3A_35 = arith.mulf %mul3A_33, %mul3A_34 : vector<1024x128xf32>
    %add3A_36 = vector.broadcast %get3A_17 : vector<1x128xf32> to vector<1024x128xf32>
    %add3A_37 = arith.addf %mul3A_35, %add3A_36 : vector<1024x128xf32>
    %get3A_38 = arith.constant 0 : index
    %get3A_39 = arith.constant 0 : index
    %get3A_40 = vector.load %arg6[%get3A_38, %get3A_39] : memref<128x128xf32, #tpu.memory_space<vmem>>, vector<128x128xf32>
    %dot_general3A_41 = arith.constant dense<0.000000e+00> : vector<1024x128xf32>
    %dot_general3A_42 = tpu.matmul %add3A_37, %get3A_40, %dot_general3A_41 {dimension_numbers = #tpu.dot_dimension_numbers<[1], [0], [0], [1], [0, 0, 1, 1], [], []>, transpose_lhs_hint = false} : vector<1024x128xf32>, vector<128x128xf32>, vector<1024x128xf32> -> vector<1024x128xf32>
    %get3A_43 = arith.constant 0 : index
    %get3A_44 = arith.constant 0 : index
    %get3A_45 = vector.load %arg7[%get3A_43, %get3A_44] : memref<1x128xf32, #tpu.memory_space<vmem>>, vector<1x128xf32>
    %add3A_46 = vector.broadcast %get3A_45 : vector<1x128xf32> to vector<1024x128xf32>
    %add3A_47 = arith.addf %dot_general3A_42, %add3A_46 : vector<1024x128xf32>
    %max3A_48 = arith.constant 0.000000e+00 : f32
    %max3A_49 = vector.broadcast %max3A_48 : f32 to vector<1024x128xf32>
    %max3A_50 = arith.maximumf %add3A_47, %max3A_49 : vector<1024x128xf32>
    %get3A_51 = arith.constant 0 : index
    %get3A_52 = arith.constant 0 : index
    %get3A_53 = vector.load %arg8[%get3A_51, %get3A_52] : memref<1x128xf32, #tpu.memory_space<vmem>>, vector<1x128xf32>
    %get3A_54 = arith.constant 0 : index
    %get3A_55 = arith.constant 0 : index
    %get3A_56 = vector.load %arg9[%get3A_54, %get3A_55] : memref<1x128xf32, #tpu.memory_space<vmem>>, vector<1x128xf32>
    %reduce_sum3A_57 = arith.constant dense<0.000000e+00> : vector<1024xf32>
    %reduce_sum3A_58 = vector.multi_reduction <add>, %max3A_50, %reduce_sum3A_57 [1] : vector<1024x128xf32> to vector<1024xf32>
    %broadcast_in_dim3A_59 = vector.shape_cast %reduce_sum3A_58 : vector<1024xf32> to vector<1024x1xf32>
    %div3A_60 = arith.constant 1.280000e+02 : f32
    %div3A_61 = vector.broadcast %div3A_60 : f32 to vector<1024x1xf32>
    %div3A_62 = arith.divf %broadcast_in_dim3A_59, %div3A_61 : vector<1024x1xf32>
    %sub3A_63 = vector.broadcast %div3A_62 : vector<1024x1xf32> to vector<1024x128xf32>
    %sub3A_64 = arith.subf %max3A_50, %sub3A_63 : vector<1024x128xf32>
    %integer_pow3A_65 = arith.mulf %sub3A_64, %sub3A_64 : vector<1024x128xf32>
    %reduce_sum3A_66 = arith.constant dense<0.000000e+00> : vector<1024xf32>
    %reduce_sum3A_67 = vector.multi_reduction <add>, %integer_pow3A_65, %reduce_sum3A_66 [1] : vector<1024x128xf32> to vector<1024xf32>
    %broadcast_in_dim3A_68 = vector.shape_cast %reduce_sum3A_67 : vector<1024xf32> to vector<1024x1xf32>
    %div3A_69 = arith.constant 1.280000e+02 : f32
    %div3A_70 = vector.broadcast %div3A_69 : f32 to vector<1024x1xf32>
    %div3A_71 = arith.divf %broadcast_in_dim3A_68, %div3A_70 : vector<1024x1xf32>
    %sub3A_72 = vector.broadcast %div3A_62 : vector<1024x1xf32> to vector<1024x128xf32>
    %sub3A_73 = arith.subf %max3A_50, %sub3A_72 : vector<1024x128xf32>
    %add3A_74 = arith.constant 9.99999974E-6 : f32
    %add3A_75 = vector.broadcast %add3A_74 : f32 to vector<1024x1xf32>
    %add3A_76 = arith.addf %div3A_71, %add3A_75 : vector<1024x1xf32>
    %rsqrt3A_77 = math.rsqrt %add3A_76 : vector<1024x1xf32>
    %mul3A_78 = vector.broadcast %rsqrt3A_77 : vector<1024x1xf32> to vector<1024x128xf32>
    %mul3A_79 = arith.mulf %sub3A_73, %mul3A_78 : vector<1024x128xf32>
    %mul3A_80 = vector.broadcast %get3A_53 : vector<1x128xf32> to vector<1024x128xf32>
    %mul3A_81 = arith.mulf %mul3A_79, %mul3A_80 : vector<1024x128xf32>
    %add3A_82 = vector.broadcast %get3A_56 : vector<1x128xf32> to vector<1024x128xf32>
    %add3A_83 = arith.addf %mul3A_81, %add3A_82 : vector<1024x128xf32>
    %swap3A = arith.constant 0 : index
    %swap3A_84 = arith.constant 0 : index
    %swap3A_85 = vector.load %arg10[%swap3A, %swap3A_84] : memref<1024x128xf32, #tpu.memory_space<vmem>>, vector<1024x128xf32>
    tpu.vector_store %arg10[%swap3A, %swap3A_84], %add3A_83 {strides = array<i32>} : memref<1024x128xf32, #tpu.memory_space<vmem>>, vector<1024x128xf32>,
    return
  }
  func.func @transform_0(%arg0: i32) -> (i32, i32) {
    %c0_i32 = arith.constant 0 : i32
    %c0_i32_0 = arith.constant 0 : i32
    return %arg0, %c0_i32 : i32, i32
  }
  func.func @transform_1(%arg0: i32) -> (i32, i32) {
    %c0_i32 = arith.constant 0 : i32
    %c0_i32_0 = arith.constant 0 : i32
    %c0_i32_1 = arith.constant 0 : i32
    return %c0_i32, %c0_i32_0 : i32, i32
  }
  func.func @transform_2(%arg0: i32) -> (i32, i32) {
    %c0_i32 = arith.constant 0 : i32
    %c0_i32_0 = arith.constant 0 : i32
    %c0_i32_1 = arith.constant 0 : i32
    return %c0_i32, %c0_i32_0 : i32, i32
  }
  func.func @transform_3(%arg0: i32) -> (i32, i32) {
    %c0_i32 = arith.constant 0 : i32
    %c0_i32_0 = arith.constant 0 : i32
    %c0_i32_1 = arith.constant 0 : i32
    return %c0_i32, %c0_i32_0 : i32, i32
  }
  func.func @transform_4(%arg0: i32) -> (i32, i32) {
    %c0_i32 = arith.constant 0 : i32
    %c0_i32_0 = arith.constant 0 : i32
    %c0_i32_1 = arith.constant 0 : i32
    return %c0_i32, %c0_i32_0 : i32, i32
  }
  func.func @transform_5(%arg0: i32) -> (i32, i32) {
    %c0_i32 = arith.constant 0 : i32
    %c0_i32_0 = arith.constant 0 : i32
    %c0_i32_1 = arith.constant 0 : i32
    return %c0_i32, %c0_i32_0 : i32, i32
  }
  func.func @transform_6(%arg0: i32) -> (i32, i32) {
    %c0_i32 = arith.constant 0 : i32
    %c0_i32_0 = arith.constant 0 : i32
    %c0_i32_1 = arith.constant 0 : i32
    return %c0_i32, %c0_i32_0 : i32, i32
  }
  func.func @transform_7(%arg0: i32) -> (i32, i32) {
    %c0_i32 = arith.constant 0 : i32
    %c0_i32_0 = arith.constant 0 : i32
    %c0_i32_1 = arith.constant 0 : i32
    return %c0_i32, %c0_i32_0 : i32, i32
  }
  func.func @transform_8(%arg0: i32) -> (i32, i32) {
    %c0_i32 = arith.constant 0 : i32
    %c0_i32_0 = arith.constant 0 : i32
    %c0_i32_1 = arith.constant 0 : i32
    return %c0_i32, %c0_i32_0 : i32, i32
  }
  func.func @transform_9(%arg0: i32) -> (i32, i32) {
    %c0_i32 = arith.constant 0 : i32
    %c0_i32_0 = arith.constant 0 : i32
    return %arg0, %c0_i32 : i32, i32
  }
}

module attributes {stable_mosaic.version = 14 : i64} {
  func.func @_mlp2_body(%arg0: i32, %arg1: memref<2944x128xf32, #tpu.memory_space<vmem>>, %arg2: memref<128x128xf32, #tpu.memory_space<vmem>>, %arg3: memref<1x128xf32, #tpu.memory_space<vmem>>, %arg4: memref<1x128xf32, #tpu.memory_space<vmem>>, %arg5: memref<1x128xf32, #tpu.memory_space<vmem>>, %arg6: memref<128x128xf32, #tpu.memory_space<vmem>>, %arg7: memref<1x128xf32, #tpu.memory_space<vmem>>, %arg8: memref<1x128xf32, #tpu.memory_space<vmem>>, %arg9: memref<1x128xf32, #tpu.memory_space<vmem>>, %arg10: memref<2944x128xf32, #tpu.memory_space<vmem>>) attributes {dimension_semantics = [#tpu.dimension_semantics<arbitrary>], iteration_bounds = array<i64: 1>, scalar_prefetch = 0 : i64, scratch_operands = 0 : i64, tpu.core_type = #tpu.core_type<tc>, window_params = [{transform_indices = @transform_0, window_bounds = array<i64: 2944, 128>}, {pipeline_mode = #tpu.pipeline_mode<synchronous>, transform_indices = @transform_1, window_bounds = array<i64: 128, 128>}, {pipeline_mode = #tpu.pipeline_mode<synchronous>, transform_indices = @transform_2, window_bounds = array<i64: 1, 128>}, {pipeline_mode = #tpu.pipeline_mode<synchronous>, transform_indices = @transform_3, window_bounds = array<i64: 1, 128>}, {pipeline_mode = #tpu.pipeline_mode<synchronous>, transform_indices = @transform_4, window_bounds = array<i64: 1, 128>}, {pipeline_mode = #tpu.pipeline_mode<synchronous>, transform_indices = @transform_5, window_bounds = array<i64: 128, 128>}, {pipeline_mode = #tpu.pipeline_mode<synchronous>, transform_indices = @transform_6, window_bounds = array<i64: 1, 128>}, {pipeline_mode = #tpu.pipeline_mode<synchronous>, transform_indices = @transform_7, window_bounds = array<i64: 1, 128>}, {pipeline_mode = #tpu.pipeline_mode<synchronous>, transform_indices = @transform_8, window_bounds = array<i64: 1, 128>}, {transform_indices = @transform_9, window_bounds = array<i64: 2944, 128>}]} {
    %get3A = arith.constant 0 : index
    %get3A_0 = arith.constant 0 : index
    %get3A_1 = vector.load %arg1[%get3A, %get3A_0] : memref<2944x128xf32, #tpu.memory_space<vmem>>, vector<2944x128xf32>
    %get3A_2 = arith.constant 0 : index
    %get3A_3 = arith.constant 0 : index
    %get3A_4 = vector.load %arg2[%get3A_2, %get3A_3] : memref<128x128xf32, #tpu.memory_space<vmem>>, vector<128x128xf32>
    %dot_general3A = arith.constant dense<0.000000e+00> : vector<2944x128xf32>
    %dot_general3A_5 = tpu.matmul %get3A_1, %get3A_4, %dot_general3A {dimension_numbers = #tpu.dot_dimension_numbers<[1], [0], [0], [1], [0, 0, 1, 1], [], []>, transpose_lhs_hint = false} : vector<2944x128xf32>, vector<128x128xf32>, vector<2944x128xf32> -> vector<2944x128xf32>
    %get3A_6 = arith.constant 0 : index
    %get3A_7 = arith.constant 0 : index
    %get3A_8 = vector.load %arg3[%get3A_6, %get3A_7] : memref<1x128xf32, #tpu.memory_space<vmem>>, vector<1x128xf32>
    %add3A = vector.broadcast %get3A_8 : vector<1x128xf32> to vector<2944x128xf32>
    %add3A_9 = arith.addf %dot_general3A_5, %add3A : vector<2944x128xf32>
    %max3A = arith.constant 0.000000e+00 : f32
    %max3A_10 = vector.broadcast %max3A : f32 to vector<2944x128xf32>
    %max3A_11 = arith.maximumf %add3A_9, %max3A_10 : vector<2944x128xf32>
    %get3A_12 = arith.constant 0 : index
    %get3A_13 = arith.constant 0 : index
    %get3A_14 = vector.load %arg4[%get3A_12, %get3A_13] : memref<1x128xf32, #tpu.memory_space<vmem>>, vector<1x128xf32>
    %get3A_15 = arith.constant 0 : index
    %get3A_16 = arith.constant 0 : index
    %get3A_17 = vector.load %arg5[%get3A_15, %get3A_16] : memref<1x128xf32, #tpu.memory_space<vmem>>, vector<1x128xf32>
    %reduce_sum3A = arith.constant dense<0.000000e+00> : vector<2944xf32>
    %reduce_sum3A_18 = vector.multi_reduction <add>, %max3A_11, %reduce_sum3A [1] : vector<2944x128xf32> to vector<2944xf32>
    %broadcast_in_dim3A = vector.shape_cast %reduce_sum3A_18 : vector<2944xf32> to vector<2944x1xf32>
    %div3A = arith.constant 1.280000e+02 : f32
    %div3A_19 = vector.broadcast %div3A : f32 to vector<2944x1xf32>
    %div3A_20 = arith.divf %broadcast_in_dim3A, %div3A_19 : vector<2944x1xf32>
    %sub3A = vector.broadcast %div3A_20 : vector<2944x1xf32> to vector<2944x128xf32>
    %sub3A_21 = arith.subf %max3A_11, %sub3A : vector<2944x128xf32>
    %integer_pow3A = arith.mulf %sub3A_21, %sub3A_21 : vector<2944x128xf32>
    %reduce_sum3A_22 = arith.constant dense<0.000000e+00> : vector<2944xf32>
    %reduce_sum3A_23 = vector.multi_reduction <add>, %integer_pow3A, %reduce_sum3A_22 [1] : vector<2944x128xf32> to vector<2944xf32>
    %broadcast_in_dim3A_24 = vector.shape_cast %reduce_sum3A_23 : vector<2944xf32> to vector<2944x1xf32>
    %div3A_25 = arith.constant 1.280000e+02 : f32
    %div3A_26 = vector.broadcast %div3A_25 : f32 to vector<2944x1xf32>
    %div3A_27 = arith.divf %broadcast_in_dim3A_24, %div3A_26 : vector<2944x1xf32>
    %sub3A_28 = vector.broadcast %div3A_20 : vector<2944x1xf32> to vector<2944x128xf32>
    %sub3A_29 = arith.subf %max3A_11, %sub3A_28 : vector<2944x128xf32>
    %add3A_30 = arith.constant 9.99999974E-6 : f32
    %add3A_31 = vector.broadcast %add3A_30 : f32 to vector<2944x1xf32>
    %add3A_32 = arith.addf %div3A_27, %add3A_31 : vector<2944x1xf32>
    %rsqrt3A = math.rsqrt %add3A_32 : vector<2944x1xf32>
    %mul3A = vector.broadcast %rsqrt3A : vector<2944x1xf32> to vector<2944x128xf32>
    %mul3A_33 = arith.mulf %sub3A_29, %mul3A : vector<2944x128xf32>
    %mul3A_34 = vector.broadcast %get3A_14 : vector<1x128xf32> to vector<2944x128xf32>
    %mul3A_35 = arith.mulf %mul3A_33, %mul3A_34 : vector<2944x128xf32>
    %add3A_36 = vector.broadcast %get3A_17 : vector<1x128xf32> to vector<2944x128xf32>
    %add3A_37 = arith.addf %mul3A_35, %add3A_36 : vector<2944x128xf32>
    %get3A_38 = arith.constant 0 : index
    %get3A_39 = arith.constant 0 : index
    %get3A_40 = vector.load %arg6[%get3A_38, %get3A_39] : memref<128x128xf32, #tpu.memory_space<vmem>>, vector<128x128xf32>
    %dot_general3A_41 = arith.constant dense<0.000000e+00> : vector<2944x128xf32>
    %dot_general3A_42 = tpu.matmul %add3A_37, %get3A_40, %dot_general3A_41 {dimension_numbers = #tpu.dot_dimension_numbers<[1], [0], [0], [1], [0, 0, 1, 1], [], []>, transpose_lhs_hint = false} : vector<2944x128xf32>, vector<128x128xf32>, vector<2944x128xf32> -> vector<2944x128xf32>
    %get3A_43 = arith.constant 0 : index
    %get3A_44 = arith.constant 0 : index
    %get3A_45 = vector.load %arg7[%get3A_43, %get3A_44] : memref<1x128xf32, #tpu.memory_space<vmem>>, vector<1x128xf32>
    %add3A_46 = vector.broadcast %get3A_45 : vector<1x128xf32> to vector<2944x128xf32>
    %add3A_47 = arith.addf %dot_general3A_42, %add3A_46 : vector<2944x128xf32>
    %max3A_48 = arith.constant 0.000000e+00 : f32
    %max3A_49 = vector.broadcast %max3A_48 : f32 to vector<2944x128xf32>
    %max3A_50 = arith.maximumf %add3A_47, %max3A_49 : vector<2944x128xf32>
    %get3A_51 = arith.constant 0 : index
    %get3A_52 = arith.constant 0 : index
    %get3A_53 = vector.load %arg8[%get3A_51, %get3A_52] : memref<1x128xf32, #tpu.memory_space<vmem>>, vector<1x128xf32>
    %get3A_54 = arith.constant 0 : index
    %get3A_55 = arith.constant 0 : index
    %get3A_56 = vector.load %arg9[%get3A_54, %get3A_55] : memref<1x128xf32, #tpu.memory_space<vmem>>, vector<1x128xf32>
    %reduce_sum3A_57 = arith.constant dense<0.000000e+00> : vector<2944xf32>
    %reduce_sum3A_58 = vector.multi_reduction <add>, %max3A_50, %reduce_sum3A_57 [1] : vector<2944x128xf32> to vector<2944xf32>
    %broadcast_in_dim3A_59 = vector.shape_cast %reduce_sum3A_58 : vector<2944xf32> to vector<2944x1xf32>
    %div3A_60 = arith.constant 1.280000e+02 : f32
    %div3A_61 = vector.broadcast %div3A_60 : f32 to vector<2944x1xf32>
    %div3A_62 = arith.divf %broadcast_in_dim3A_59, %div3A_61 : vector<2944x1xf32>
    %sub3A_63 = vector.broadcast %div3A_62 : vector<2944x1xf32> to vector<2944x128xf32>
    %sub3A_64 = arith.subf %max3A_50, %sub3A_63 : vector<2944x128xf32>
    %integer_pow3A_65 = arith.mulf %sub3A_64, %sub3A_64 : vector<2944x128xf32>
    %reduce_sum3A_66 = arith.constant dense<0.000000e+00> : vector<2944xf32>
    %reduce_sum3A_67 = vector.multi_reduction <add>, %integer_pow3A_65, %reduce_sum3A_66 [1] : vector<2944x128xf32> to vector<2944xf32>
    %broadcast_in_dim3A_68 = vector.shape_cast %reduce_sum3A_67 : vector<2944xf32> to vector<2944x1xf32>
    %div3A_69 = arith.constant 1.280000e+02 : f32
    %div3A_70 = vector.broadcast %div3A_69 : f32 to vector<2944x1xf32>
    %div3A_71 = arith.divf %broadcast_in_dim3A_68, %div3A_70 : vector<2944x1xf32>
    %sub3A_72 = vector.broadcast %div3A_62 : vector<2944x1xf32> to vector<2944x128xf32>
    %sub3A_73 = arith.subf %max3A_50, %sub3A_72 : vector<2944x128xf32>
    %add3A_74 = arith.constant 9.99999974E-6 : f32
    %add3A_75 = vector.broadcast %add3A_74 : f32 to vector<2944x1xf32>
    %add3A_76 = arith.addf %div3A_71, %add3A_75 : vector<2944x1xf32>
    %rsqrt3A_77 = math.rsqrt %add3A_76 : vector<2944x1xf32>
    %mul3A_78 = vector.broadcast %rsqrt3A_77 : vector<2944x1xf32> to vector<2944x128xf32>
    %mul3A_79 = arith.mulf %sub3A_73, %mul3A_78 : vector<2944x128xf32>
    %mul3A_80 = vector.broadcast %get3A_53 : vector<1x128xf32> to vector<2944x128xf32>
    %mul3A_81 = arith.mulf %mul3A_79, %mul3A_80 : vector<2944x128xf32>
    %add3A_82 = vector.broadcast %get3A_56 : vector<1x128xf32> to vector<2944x128xf32>
    %add3A_83 = arith.addf %mul3A_81, %add3A_82 : vector<2944x128xf32>
    %swap3A = arith.constant 0 : index
    %swap3A_84 = arith.constant 0 : index
    %swap3A_85 = vector.load %arg10[%swap3A, %swap3A_84] : memref<2944x128xf32, #tpu.memory_space<vmem>>, vector<2944x128xf32>
    tpu.vector_store %arg10[%swap3A, %swap3A_84], %add3A_83 {strides = array<i32>} : memref<2944x128xf32, #tpu.memory_space<vmem>>, vector<2944x128xf32>,
    return
  }
  func.func @transform_0(%arg0: i32) -> (i32, i32) {
    %c0_i32 = arith.constant 0 : i32
    %c0_i32_0 = arith.constant 0 : i32
    return %arg0, %c0_i32 : i32, i32
  }
  func.func @transform_1(%arg0: i32) -> (i32, i32) {
    %c0_i32 = arith.constant 0 : i32
    %c0_i32_0 = arith.constant 0 : i32
    %c0_i32_1 = arith.constant 0 : i32
    return %c0_i32, %c0_i32_0 : i32, i32
  }
  func.func @transform_2(%arg0: i32) -> (i32, i32) {
    %c0_i32 = arith.constant 0 : i32
    %c0_i32_0 = arith.constant 0 : i32
    %c0_i32_1 = arith.constant 0 : i32
    return %c0_i32, %c0_i32_0 : i32, i32
  }
  func.func @transform_3(%arg0: i32) -> (i32, i32) {
    %c0_i32 = arith.constant 0 : i32
    %c0_i32_0 = arith.constant 0 : i32
    %c0_i32_1 = arith.constant 0 : i32
    return %c0_i32, %c0_i32_0 : i32, i32
  }
  func.func @transform_4(%arg0: i32) -> (i32, i32) {
    %c0_i32 = arith.constant 0 : i32
    %c0_i32_0 = arith.constant 0 : i32
    %c0_i32_1 = arith.constant 0 : i32
    return %c0_i32, %c0_i32_0 : i32, i32
  }
  func.func @transform_5(%arg0: i32) -> (i32, i32) {
    %c0_i32 = arith.constant 0 : i32
    %c0_i32_0 = arith.constant 0 : i32
    %c0_i32_1 = arith.constant 0 : i32
    return %c0_i32, %c0_i32_0 : i32, i32
  }
  func.func @transform_6(%arg0: i32) -> (i32, i32) {
    %c0_i32 = arith.constant 0 : i32
    %c0_i32_0 = arith.constant 0 : i32
    %c0_i32_1 = arith.constant 0 : i32
    return %c0_i32, %c0_i32_0 : i32, i32
  }
  func.func @transform_7(%arg0: i32) -> (i32, i32) {
    %c0_i32 = arith.constant 0 : i32
    %c0_i32_0 = arith.constant 0 : i32
    %c0_i32_1 = arith.constant 0 : i32
    return %c0_i32, %c0_i32_0 : i32, i32
  }
  func.func @transform_8(%arg0: i32) -> (i32, i32) {
    %c0_i32 = arith.constant 0 : i32
    %c0_i32_0 = arith.constant 0 : i32
    %c0_i32_1 = arith.constant 0 : i32
    return %c0_i32, %c0_i32_0 : i32, i32
  }
  func.func @transform_9(%arg0: i32) -> (i32, i32) {
    %c0_i32 = arith.constant 0 : i32
    %c0_i32_0 = arith.constant 0 : i32
    return %arg0, %c0_i32 : i32, i32
  }
}

module attributes {stable_mosaic.version = 14 : i64} {
  func.func @_mlp2_body(%arg0: i32, %arg1: memref<1024x3xf32, #tpu.memory_space<vmem>>, %arg2: memref<3x128xf32, #tpu.memory_space<vmem>>, %arg3: memref<1x128xf32, #tpu.memory_space<vmem>>, %arg4: memref<1x128xf32, #tpu.memory_space<vmem>>, %arg5: memref<1x128xf32, #tpu.memory_space<vmem>>, %arg6: memref<128x128xf32, #tpu.memory_space<vmem>>, %arg7: memref<1x128xf32, #tpu.memory_space<vmem>>, %arg8: memref<1x128xf32, #tpu.memory_space<vmem>>, %arg9: memref<1x128xf32, #tpu.memory_space<vmem>>, %arg10: memref<1024x128xf32, #tpu.memory_space<vmem>>) attributes {dimension_semantics = [#tpu.dimension_semantics<arbitrary>], iteration_bounds = array<i64: 592>, scalar_prefetch = 0 : i64, scratch_operands = 0 : i64, tpu.core_type = #tpu.core_type<tc>, window_params = [{transform_indices = @transform_0, window_bounds = array<i64: 1024, 3>}, {pipeline_mode = #tpu.pipeline_mode<synchronous>, transform_indices = @transform_1, window_bounds = array<i64: 3, 128>}, {pipeline_mode = #tpu.pipeline_mode<synchronous>, transform_indices = @transform_2, window_bounds = array<i64: 1, 128>}, {pipeline_mode = #tpu.pipeline_mode<synchronous>, transform_indices = @transform_3, window_bounds = array<i64: 1, 128>}, {pipeline_mode = #tpu.pipeline_mode<synchronous>, transform_indices = @transform_4, window_bounds = array<i64: 1, 128>}, {pipeline_mode = #tpu.pipeline_mode<synchronous>, transform_indices = @transform_5, window_bounds = array<i64: 128, 128>}, {pipeline_mode = #tpu.pipeline_mode<synchronous>, transform_indices = @transform_6, window_bounds = array<i64: 1, 128>}, {pipeline_mode = #tpu.pipeline_mode<synchronous>, transform_indices = @transform_7, window_bounds = array<i64: 1, 128>}, {pipeline_mode = #tpu.pipeline_mode<synchronous>, transform_indices = @transform_8, window_bounds = array<i64: 1, 128>}, {transform_indices = @transform_9, window_bounds = array<i64: 1024, 128>}]} {
    %get3A = arith.constant 0 : index
    %get3A_0 = arith.constant 0 : index
    %get3A_1 = vector.load %arg1[%get3A, %get3A_0] : memref<1024x3xf32, #tpu.memory_space<vmem>>, vector<1024x3xf32>
    %get3A_2 = arith.constant 0 : index
    %get3A_3 = arith.constant 0 : index
    %get3A_4 = vector.load %arg2[%get3A_2, %get3A_3] : memref<3x128xf32, #tpu.memory_space<vmem>>, vector<3x128xf32>
    %dot_general3A = arith.constant dense<0.000000e+00> : vector<1024x128xf32>
    %dot_general3A_5 = tpu.matmul %get3A_1, %get3A_4, %dot_general3A {dimension_numbers = #tpu.dot_dimension_numbers<[1], [0], [0], [1], [0, 0, 1, 1], [], []>, transpose_lhs_hint = false} : vector<1024x3xf32>, vector<3x128xf32>, vector<1024x128xf32> -> vector<1024x128xf32>
    %get3A_6 = arith.constant 0 : index
    %get3A_7 = arith.constant 0 : index
    %get3A_8 = vector.load %arg3[%get3A_6, %get3A_7] : memref<1x128xf32, #tpu.memory_space<vmem>>, vector<1x128xf32>
    %add3A = vector.broadcast %get3A_8 : vector<1x128xf32> to vector<1024x128xf32>
    %add3A_9 = arith.addf %dot_general3A_5, %add3A : vector<1024x128xf32>
    %max3A = arith.constant 0.000000e+00 : f32
    %max3A_10 = vector.broadcast %max3A : f32 to vector<1024x128xf32>
    %max3A_11 = arith.maximumf %add3A_9, %max3A_10 : vector<1024x128xf32>
    %get3A_12 = arith.constant 0 : index
    %get3A_13 = arith.constant 0 : index
    %get3A_14 = vector.load %arg4[%get3A_12, %get3A_13] : memref<1x128xf32, #tpu.memory_space<vmem>>, vector<1x128xf32>
    %get3A_15 = arith.constant 0 : index
    %get3A_16 = arith.constant 0 : index
    %get3A_17 = vector.load %arg5[%get3A_15, %get3A_16] : memref<1x128xf32, #tpu.memory_space<vmem>>, vector<1x128xf32>
    %reduce_sum3A = arith.constant dense<0.000000e+00> : vector<1024xf32>
    %reduce_sum3A_18 = vector.multi_reduction <add>, %max3A_11, %reduce_sum3A [1] : vector<1024x128xf32> to vector<1024xf32>
    %broadcast_in_dim3A = vector.shape_cast %reduce_sum3A_18 : vector<1024xf32> to vector<1024x1xf32>
    %div3A = arith.constant 1.280000e+02 : f32
    %div3A_19 = vector.broadcast %div3A : f32 to vector<1024x1xf32>
    %div3A_20 = arith.divf %broadcast_in_dim3A, %div3A_19 : vector<1024x1xf32>
    %sub3A = vector.broadcast %div3A_20 : vector<1024x1xf32> to vector<1024x128xf32>
    %sub3A_21 = arith.subf %max3A_11, %sub3A : vector<1024x128xf32>
    %integer_pow3A = arith.mulf %sub3A_21, %sub3A_21 : vector<1024x128xf32>
    %reduce_sum3A_22 = arith.constant dense<0.000000e+00> : vector<1024xf32>
    %reduce_sum3A_23 = vector.multi_reduction <add>, %integer_pow3A, %reduce_sum3A_22 [1] : vector<1024x128xf32> to vector<1024xf32>
    %broadcast_in_dim3A_24 = vector.shape_cast %reduce_sum3A_23 : vector<1024xf32> to vector<1024x1xf32>
    %div3A_25 = arith.constant 1.280000e+02 : f32
    %div3A_26 = vector.broadcast %div3A_25 : f32 to vector<1024x1xf32>
    %div3A_27 = arith.divf %broadcast_in_dim3A_24, %div3A_26 : vector<1024x1xf32>
    %sub3A_28 = vector.broadcast %div3A_20 : vector<1024x1xf32> to vector<1024x128xf32>
    %sub3A_29 = arith.subf %max3A_11, %sub3A_28 : vector<1024x128xf32>
    %add3A_30 = arith.constant 9.99999974E-6 : f32
    %add3A_31 = vector.broadcast %add3A_30 : f32 to vector<1024x1xf32>
    %add3A_32 = arith.addf %div3A_27, %add3A_31 : vector<1024x1xf32>
    %rsqrt3A = math.rsqrt %add3A_32 : vector<1024x1xf32>
    %mul3A = vector.broadcast %rsqrt3A : vector<1024x1xf32> to vector<1024x128xf32>
    %mul3A_33 = arith.mulf %sub3A_29, %mul3A : vector<1024x128xf32>
    %mul3A_34 = vector.broadcast %get3A_14 : vector<1x128xf32> to vector<1024x128xf32>
    %mul3A_35 = arith.mulf %mul3A_33, %mul3A_34 : vector<1024x128xf32>
    %add3A_36 = vector.broadcast %get3A_17 : vector<1x128xf32> to vector<1024x128xf32>
    %add3A_37 = arith.addf %mul3A_35, %add3A_36 : vector<1024x128xf32>
    %get3A_38 = arith.constant 0 : index
    %get3A_39 = arith.constant 0 : index
    %get3A_40 = vector.load %arg6[%get3A_38, %get3A_39] : memref<128x128xf32, #tpu.memory_space<vmem>>, vector<128x128xf32>
    %dot_general3A_41 = arith.constant dense<0.000000e+00> : vector<1024x128xf32>
    %dot_general3A_42 = tpu.matmul %add3A_37, %get3A_40, %dot_general3A_41 {dimension_numbers = #tpu.dot_dimension_numbers<[1], [0], [0], [1], [0, 0, 1, 1], [], []>, transpose_lhs_hint = false} : vector<1024x128xf32>, vector<128x128xf32>, vector<1024x128xf32> -> vector<1024x128xf32>
    %get3A_43 = arith.constant 0 : index
    %get3A_44 = arith.constant 0 : index
    %get3A_45 = vector.load %arg7[%get3A_43, %get3A_44] : memref<1x128xf32, #tpu.memory_space<vmem>>, vector<1x128xf32>
    %add3A_46 = vector.broadcast %get3A_45 : vector<1x128xf32> to vector<1024x128xf32>
    %add3A_47 = arith.addf %dot_general3A_42, %add3A_46 : vector<1024x128xf32>
    %max3A_48 = arith.constant 0.000000e+00 : f32
    %max3A_49 = vector.broadcast %max3A_48 : f32 to vector<1024x128xf32>
    %max3A_50 = arith.maximumf %add3A_47, %max3A_49 : vector<1024x128xf32>
    %get3A_51 = arith.constant 0 : index
    %get3A_52 = arith.constant 0 : index
    %get3A_53 = vector.load %arg8[%get3A_51, %get3A_52] : memref<1x128xf32, #tpu.memory_space<vmem>>, vector<1x128xf32>
    %get3A_54 = arith.constant 0 : index
    %get3A_55 = arith.constant 0 : index
    %get3A_56 = vector.load %arg9[%get3A_54, %get3A_55] : memref<1x128xf32, #tpu.memory_space<vmem>>, vector<1x128xf32>
    %reduce_sum3A_57 = arith.constant dense<0.000000e+00> : vector<1024xf32>
    %reduce_sum3A_58 = vector.multi_reduction <add>, %max3A_50, %reduce_sum3A_57 [1] : vector<1024x128xf32> to vector<1024xf32>
    %broadcast_in_dim3A_59 = vector.shape_cast %reduce_sum3A_58 : vector<1024xf32> to vector<1024x1xf32>
    %div3A_60 = arith.constant 1.280000e+02 : f32
    %div3A_61 = vector.broadcast %div3A_60 : f32 to vector<1024x1xf32>
    %div3A_62 = arith.divf %broadcast_in_dim3A_59, %div3A_61 : vector<1024x1xf32>
    %sub3A_63 = vector.broadcast %div3A_62 : vector<1024x1xf32> to vector<1024x128xf32>
    %sub3A_64 = arith.subf %max3A_50, %sub3A_63 : vector<1024x128xf32>
    %integer_pow3A_65 = arith.mulf %sub3A_64, %sub3A_64 : vector<1024x128xf32>
    %reduce_sum3A_66 = arith.constant dense<0.000000e+00> : vector<1024xf32>
    %reduce_sum3A_67 = vector.multi_reduction <add>, %integer_pow3A_65, %reduce_sum3A_66 [1] : vector<1024x128xf32> to vector<1024xf32>
    %broadcast_in_dim3A_68 = vector.shape_cast %reduce_sum3A_67 : vector<1024xf32> to vector<1024x1xf32>
    %div3A_69 = arith.constant 1.280000e+02 : f32
    %div3A_70 = vector.broadcast %div3A_69 : f32 to vector<1024x1xf32>
    %div3A_71 = arith.divf %broadcast_in_dim3A_68, %div3A_70 : vector<1024x1xf32>
    %sub3A_72 = vector.broadcast %div3A_62 : vector<1024x1xf32> to vector<1024x128xf32>
    %sub3A_73 = arith.subf %max3A_50, %sub3A_72 : vector<1024x128xf32>
    %add3A_74 = arith.constant 9.99999974E-6 : f32
    %add3A_75 = vector.broadcast %add3A_74 : f32 to vector<1024x1xf32>
    %add3A_76 = arith.addf %div3A_71, %add3A_75 : vector<1024x1xf32>
    %rsqrt3A_77 = math.rsqrt %add3A_76 : vector<1024x1xf32>
    %mul3A_78 = vector.broadcast %rsqrt3A_77 : vector<1024x1xf32> to vector<1024x128xf32>
    %mul3A_79 = arith.mulf %sub3A_73, %mul3A_78 : vector<1024x128xf32>
    %mul3A_80 = vector.broadcast %get3A_53 : vector<1x128xf32> to vector<1024x128xf32>
    %mul3A_81 = arith.mulf %mul3A_79, %mul3A_80 : vector<1024x128xf32>
    %add3A_82 = vector.broadcast %get3A_56 : vector<1x128xf32> to vector<1024x128xf32>
    %add3A_83 = arith.addf %mul3A_81, %add3A_82 : vector<1024x128xf32>
    %swap3A = arith.constant 0 : index
    %swap3A_84 = arith.constant 0 : index
    %swap3A_85 = vector.load %arg10[%swap3A, %swap3A_84] : memref<1024x128xf32, #tpu.memory_space<vmem>>, vector<1024x128xf32>
    tpu.vector_store %arg10[%swap3A, %swap3A_84], %add3A_83 {strides = array<i32>} : memref<1024x128xf32, #tpu.memory_space<vmem>>, vector<1024x128xf32>,
    return
  }
  func.func @transform_0(%arg0: i32) -> (i32, i32) {
    %c0_i32 = arith.constant 0 : i32
    %c0_i32_0 = arith.constant 0 : i32
    return %arg0, %c0_i32 : i32, i32
  }
  func.func @transform_1(%arg0: i32) -> (i32, i32) {
    %c0_i32 = arith.constant 0 : i32
    %c0_i32_0 = arith.constant 0 : i32
    %c0_i32_1 = arith.constant 0 : i32
    return %c0_i32, %c0_i32_0 : i32, i32
  }
  func.func @transform_2(%arg0: i32) -> (i32, i32) {
    %c0_i32 = arith.constant 0 : i32
    %c0_i32_0 = arith.constant 0 : i32
    %c0_i32_1 = arith.constant 0 : i32
    return %c0_i32, %c0_i32_0 : i32, i32
  }
  func.func @transform_3(%arg0: i32) -> (i32, i32) {
    %c0_i32 = arith.constant 0 : i32
    %c0_i32_0 = arith.constant 0 : i32
    %c0_i32_1 = arith.constant 0 : i32
    return %c0_i32, %c0_i32_0 : i32, i32
  }
  func.func @transform_4(%arg0: i32) -> (i32, i32) {
    %c0_i32 = arith.constant 0 : i32
    %c0_i32_0 = arith.constant 0 : i32
    %c0_i32_1 = arith.constant 0 : i32
    return %c0_i32, %c0_i32_0 : i32, i32
  }
  func.func @transform_5(%arg0: i32) -> (i32, i32) {
    %c0_i32 = arith.constant 0 : i32
    %c0_i32_0 = arith.constant 0 : i32
    %c0_i32_1 = arith.constant 0 : i32
    return %c0_i32, %c0_i32_0 : i32, i32
  }
  func.func @transform_6(%arg0: i32) -> (i32, i32) {
    %c0_i32 = arith.constant 0 : i32
    %c0_i32_0 = arith.constant 0 : i32
    %c0_i32_1 = arith.constant 0 : i32
    return %c0_i32, %c0_i32_0 : i32, i32
  }
  func.func @transform_7(%arg0: i32) -> (i32, i32) {
    %c0_i32 = arith.constant 0 : i32
    %c0_i32_0 = arith.constant 0 : i32
    %c0_i32_1 = arith.constant 0 : i32
    return %c0_i32, %c0_i32_0 : i32, i32
  }
  func.func @transform_8(%arg0: i32) -> (i32, i32) {
    %c0_i32 = arith.constant 0 : i32
    %c0_i32_0 = arith.constant 0 : i32
    %c0_i32_1 = arith.constant 0 : i32
    return %c0_i32, %c0_i32_0 : i32, i32
  }
  func.func @transform_9(%arg0: i32) -> (i32, i32) {
    %c0_i32 = arith.constant 0 : i32
    %c0_i32_0 = arith.constant 0 : i32
    return %arg0, %c0_i32 : i32, i32
  }
}

module attributes {stable_mosaic.version = 14 : i64} {
  func.func @_edge_body(%arg0: i32, %arg1: memref<1024x128xf32, #tpu.memory_space<vmem>>, %arg2: memref<1024x128xf32, #tpu.memory_space<vmem>>, %arg3: memref<1024x128xf32, #tpu.memory_space<vmem>>, %arg4: memref<128x128xf32, #tpu.memory_space<vmem>>, %arg5: memref<128x128xf32, #tpu.memory_space<vmem>>, %arg6: memref<128x128xf32, #tpu.memory_space<vmem>>, %arg7: memref<1x128xf32, #tpu.memory_space<vmem>>, %arg8: memref<1x128xf32, #tpu.memory_space<vmem>>, %arg9: memref<1x128xf32, #tpu.memory_space<vmem>>, %arg10: memref<128x128xf32, #tpu.memory_space<vmem>>, %arg11: memref<1x128xf32, #tpu.memory_space<vmem>>, %arg12: memref<1x128xf32, #tpu.memory_space<vmem>>, %arg13: memref<1x128xf32, #tpu.memory_space<vmem>>, %arg14: memref<1024x128xf32, #tpu.memory_space<vmem>>) attributes {dimension_semantics = [#tpu.dimension_semantics<arbitrary>], iteration_bounds = array<i64: 592>, scalar_prefetch = 0 : i64, scratch_operands = 0 : i64, tpu.core_type = #tpu.core_type<tc>, window_params = [{transform_indices = @transform_0, window_bounds = array<i64: 1024, 128>}, {transform_indices = @transform_1, window_bounds = array<i64: 1024, 128>}, {transform_indices = @transform_2, window_bounds = array<i64: 1024, 128>}, {pipeline_mode = #tpu.pipeline_mode<synchronous>, transform_indices = @transform_3, window_bounds = array<i64: 128, 128>}, {pipeline_mode = #tpu.pipeline_mode<synchronous>, transform_indices = @transform_4, window_bounds = array<i64: 128, 128>}, {pipeline_mode = #tpu.pipeline_mode<synchronous>, transform_indices = @transform_5, window_bounds = array<i64: 128, 128>}, {pipeline_mode = #tpu.pipeline_mode<synchronous>, transform_indices = @transform_6, window_bounds = array<i64: 1, 128>}, {pipeline_mode = #tpu.pipeline_mode<synchronous>, transform_indices = @transform_7, window_bounds = array<i64: 1, 128>}, {pipeline_mode = #tpu.pipeline_mode<synchronous>, transform_indices = @transform_8, window_bounds = array<i64: 1, 128>}, {pipeline_mode = #tpu.pipeline_mode<synchronous>, transform_indices = @transform_9, window_bounds = array<i64: 128, 128>}, {pipeline_mode = #tpu.pipeline_mode<synchronous>, transform_indices = @transform_10, window_bounds = array<i64: 1, 128>}, {pipeline_mode = #tpu.pipeline_mode<synchronous>, transform_indices = @transform_11, window_bounds = array<i64: 1, 128>}, {pipeline_mode = #tpu.pipeline_mode<synchronous>, transform_indices = @transform_12, window_bounds = array<i64: 1, 128>}, {transform_indices = @transform_13, window_bounds = array<i64: 1024, 128>}]} {
    %get3A = arith.constant 0 : index
    %get3A_0 = arith.constant 0 : index
    %get3A_1 = vector.load %arg1[%get3A, %get3A_0] : memref<1024x128xf32, #tpu.memory_space<vmem>>, vector<1024x128xf32>
    %get3A_2 = arith.constant 0 : index
    %get3A_3 = arith.constant 0 : index
    %get3A_4 = vector.load %arg4[%get3A_2, %get3A_3] : memref<128x128xf32, #tpu.memory_space<vmem>>, vector<128x128xf32>
    %dot_general3A = arith.constant dense<0.000000e+00> : vector<1024x128xf32>
    %dot_general3A_5 = tpu.matmul %get3A_1, %get3A_4, %dot_general3A {dimension_numbers = #tpu.dot_dimension_numbers<[1], [0], [0], [1], [0, 0, 1, 1], [], []>, transpose_lhs_hint = false} : vector<1024x128xf32>, vector<128x128xf32>, vector<1024x128xf32> -> vector<1024x128xf32>
    %get3A_6 = arith.constant 0 : index
    %get3A_7 = arith.constant 0 : index
    %get3A_8 = vector.load %arg2[%get3A_6, %get3A_7] : memref<1024x128xf32, #tpu.memory_space<vmem>>, vector<1024x128xf32>
    %get3A_9 = arith.constant 0 : index
    %get3A_10 = arith.constant 0 : index
    %get3A_11 = vector.load %arg5[%get3A_9, %get3A_10] : memref<128x128xf32, #tpu.memory_space<vmem>>, vector<128x128xf32>
    %dot_general3A_12 = arith.constant dense<0.000000e+00> : vector<1024x128xf32>
    %dot_general3A_13 = tpu.matmul %get3A_8, %get3A_11, %dot_general3A_12 {dimension_numbers = #tpu.dot_dimension_numbers<[1], [0], [0], [1], [0, 0, 1, 1], [], []>, transpose_lhs_hint = false} : vector<1024x128xf32>, vector<128x128xf32>, vector<1024x128xf32> -> vector<1024x128xf32>
    %add3A = arith.addf %dot_general3A_5, %dot_general3A_13 : vector<1024x128xf32>
    %get3A_14 = arith.constant 0 : index
    %get3A_15 = arith.constant 0 : index
    %get3A_16 = vector.load %arg3[%get3A_14, %get3A_15] : memref<1024x128xf32, #tpu.memory_space<vmem>>, vector<1024x128xf32>
    %get3A_17 = arith.constant 0 : index
    %get3A_18 = arith.constant 0 : index
    %get3A_19 = vector.load %arg6[%get3A_17, %get3A_18] : memref<128x128xf32, #tpu.memory_space<vmem>>, vector<128x128xf32>
    %dot_general3A_20 = arith.constant dense<0.000000e+00> : vector<1024x128xf32>
    %dot_general3A_21 = tpu.matmul %get3A_16, %get3A_19, %dot_general3A_20 {dimension_numbers = #tpu.dot_dimension_numbers<[1], [0], [0], [1], [0, 0, 1, 1], [], []>, transpose_lhs_hint = false} : vector<1024x128xf32>, vector<128x128xf32>, vector<1024x128xf32> -> vector<1024x128xf32>
    %add3A_22 = arith.addf %add3A, %dot_general3A_21 : vector<1024x128xf32>
    %get3A_23 = arith.constant 0 : index
    %get3A_24 = arith.constant 0 : index
    %get3A_25 = vector.load %arg7[%get3A_23, %get3A_24] : memref<1x128xf32, #tpu.memory_space<vmem>>, vector<1x128xf32>
    %add3A_26 = vector.broadcast %get3A_25 : vector<1x128xf32> to vector<1024x128xf32>
    %add3A_27 = arith.addf %add3A_22, %add3A_26 : vector<1024x128xf32>
    %max3A = arith.constant 0.000000e+00 : f32
    %max3A_28 = vector.broadcast %max3A : f32 to vector<1024x128xf32>
    %max3A_29 = arith.maximumf %add3A_27, %max3A_28 : vector<1024x128xf32>
    %get3A_30 = arith.constant 0 : index
    %get3A_31 = arith.constant 0 : index
    %get3A_32 = vector.load %arg8[%get3A_30, %get3A_31] : memref<1x128xf32, #tpu.memory_space<vmem>>, vector<1x128xf32>
    %get3A_33 = arith.constant 0 : index
    %get3A_34 = arith.constant 0 : index
    %get3A_35 = vector.load %arg9[%get3A_33, %get3A_34] : memref<1x128xf32, #tpu.memory_space<vmem>>, vector<1x128xf32>
    %reduce_sum3A = arith.constant dense<0.000000e+00> : vector<1024xf32>
    %reduce_sum3A_36 = vector.multi_reduction <add>, %max3A_29, %reduce_sum3A [1] : vector<1024x128xf32> to vector<1024xf32>
    %broadcast_in_dim3A = vector.shape_cast %reduce_sum3A_36 : vector<1024xf32> to vector<1024x1xf32>
    %div3A = arith.constant 1.280000e+02 : f32
    %div3A_37 = vector.broadcast %div3A : f32 to vector<1024x1xf32>
    %div3A_38 = arith.divf %broadcast_in_dim3A, %div3A_37 : vector<1024x1xf32>
    %sub3A = vector.broadcast %div3A_38 : vector<1024x1xf32> to vector<1024x128xf32>
    %sub3A_39 = arith.subf %max3A_29, %sub3A : vector<1024x128xf32>
    %integer_pow3A = arith.mulf %sub3A_39, %sub3A_39 : vector<1024x128xf32>
    %reduce_sum3A_40 = arith.constant dense<0.000000e+00> : vector<1024xf32>
    %reduce_sum3A_41 = vector.multi_reduction <add>, %integer_pow3A, %reduce_sum3A_40 [1] : vector<1024x128xf32> to vector<1024xf32>
    %broadcast_in_dim3A_42 = vector.shape_cast %reduce_sum3A_41 : vector<1024xf32> to vector<1024x1xf32>
    %div3A_43 = arith.constant 1.280000e+02 : f32
    %div3A_44 = vector.broadcast %div3A_43 : f32 to vector<1024x1xf32>
    %div3A_45 = arith.divf %broadcast_in_dim3A_42, %div3A_44 : vector<1024x1xf32>
    %sub3A_46 = vector.broadcast %div3A_38 : vector<1024x1xf32> to vector<1024x128xf32>
    %sub3A_47 = arith.subf %max3A_29, %sub3A_46 : vector<1024x128xf32>
    %add3A_48 = arith.constant 9.99999974E-6 : f32
    %add3A_49 = vector.broadcast %add3A_48 : f32 to vector<1024x1xf32>
    %add3A_50 = arith.addf %div3A_45, %add3A_49 : vector<1024x1xf32>
    %rsqrt3A = math.rsqrt %add3A_50 : vector<1024x1xf32>
    %mul3A = vector.broadcast %rsqrt3A : vector<1024x1xf32> to vector<1024x128xf32>
    %mul3A_51 = arith.mulf %sub3A_47, %mul3A : vector<1024x128xf32>
    %mul3A_52 = vector.broadcast %get3A_32 : vector<1x128xf32> to vector<1024x128xf32>
    %mul3A_53 = arith.mulf %mul3A_51, %mul3A_52 : vector<1024x128xf32>
    %add3A_54 = vector.broadcast %get3A_35 : vector<1x128xf32> to vector<1024x128xf32>
    %add3A_55 = arith.addf %mul3A_53, %add3A_54 : vector<1024x128xf32>
    %get3A_56 = arith.constant 0 : index
    %get3A_57 = arith.constant 0 : index
    %get3A_58 = vector.load %arg10[%get3A_56, %get3A_57] : memref<128x128xf32, #tpu.memory_space<vmem>>, vector<128x128xf32>
    %dot_general3A_59 = arith.constant dense<0.000000e+00> : vector<1024x128xf32>
    %dot_general3A_60 = tpu.matmul %add3A_55, %get3A_58, %dot_general3A_59 {dimension_numbers = #tpu.dot_dimension_numbers<[1], [0], [0], [1], [0, 0, 1, 1], [], []>, transpose_lhs_hint = false} : vector<1024x128xf32>, vector<128x128xf32>, vector<1024x128xf32> -> vector<1024x128xf32>
    %get3A_61 = arith.constant 0 : index
    %get3A_62 = arith.constant 0 : index
    %get3A_63 = vector.load %arg11[%get3A_61, %get3A_62] : memref<1x128xf32, #tpu.memory_space<vmem>>, vector<1x128xf32>
    %add3A_64 = vector.broadcast %get3A_63 : vector<1x128xf32> to vector<1024x128xf32>
    %add3A_65 = arith.addf %dot_general3A_60, %add3A_64 : vector<1024x128xf32>
    %max3A_66 = arith.constant 0.000000e+00 : f32
    %max3A_67 = vector.broadcast %max3A_66 : f32 to vector<1024x128xf32>
    %max3A_68 = arith.maximumf %add3A_65, %max3A_67 : vector<1024x128xf32>
    %get3A_69 = arith.constant 0 : index
    %get3A_70 = arith.constant 0 : index
    %get3A_71 = vector.load %arg12[%get3A_69, %get3A_70] : memref<1x128xf32, #tpu.memory_space<vmem>>, vector<1x128xf32>
    %get3A_72 = arith.constant 0 : index
    %get3A_73 = arith.constant 0 : index
    %get3A_74 = vector.load %arg13[%get3A_72, %get3A_73] : memref<1x128xf32, #tpu.memory_space<vmem>>, vector<1x128xf32>
    %reduce_sum3A_75 = arith.constant dense<0.000000e+00> : vector<1024xf32>
    %reduce_sum3A_76 = vector.multi_reduction <add>, %max3A_68, %reduce_sum3A_75 [1] : vector<1024x128xf32> to vector<1024xf32>
    %broadcast_in_dim3A_77 = vector.shape_cast %reduce_sum3A_76 : vector<1024xf32> to vector<1024x1xf32>
    %div3A_78 = arith.constant 1.280000e+02 : f32
    %div3A_79 = vector.broadcast %div3A_78 : f32 to vector<1024x1xf32>
    %div3A_80 = arith.divf %broadcast_in_dim3A_77, %div3A_79 : vector<1024x1xf32>
    %sub3A_81 = vector.broadcast %div3A_80 : vector<1024x1xf32> to vector<1024x128xf32>
    %sub3A_82 = arith.subf %max3A_68, %sub3A_81 : vector<1024x128xf32>
    %integer_pow3A_83 = arith.mulf %sub3A_82, %sub3A_82 : vector<1024x128xf32>
    %reduce_sum3A_84 = arith.constant dense<0.000000e+00> : vector<1024xf32>
    %reduce_sum3A_85 = vector.multi_reduction <add>, %integer_pow3A_83, %reduce_sum3A_84 [1] : vector<1024x128xf32> to vector<1024xf32>
    %broadcast_in_dim3A_86 = vector.shape_cast %reduce_sum3A_85 : vector<1024xf32> to vector<1024x1xf32>
    %div3A_87 = arith.constant 1.280000e+02 : f32
    %div3A_88 = vector.broadcast %div3A_87 : f32 to vector<1024x1xf32>
    %div3A_89 = arith.divf %broadcast_in_dim3A_86, %div3A_88 : vector<1024x1xf32>
    %sub3A_90 = vector.broadcast %div3A_80 : vector<1024x1xf32> to vector<1024x128xf32>
    %sub3A_91 = arith.subf %max3A_68, %sub3A_90 : vector<1024x128xf32>
    %add3A_92 = arith.constant 9.99999974E-6 : f32
    %add3A_93 = vector.broadcast %add3A_92 : f32 to vector<1024x1xf32>
    %add3A_94 = arith.addf %div3A_89, %add3A_93 : vector<1024x1xf32>
    %rsqrt3A_95 = math.rsqrt %add3A_94 : vector<1024x1xf32>
    %mul3A_96 = vector.broadcast %rsqrt3A_95 : vector<1024x1xf32> to vector<1024x128xf32>
    %mul3A_97 = arith.mulf %sub3A_91, %mul3A_96 : vector<1024x128xf32>
    %mul3A_98 = vector.broadcast %get3A_71 : vector<1x128xf32> to vector<1024x128xf32>
    %mul3A_99 = arith.mulf %mul3A_97, %mul3A_98 : vector<1024x128xf32>
    %add3A_100 = vector.broadcast %get3A_74 : vector<1x128xf32> to vector<1024x128xf32>
    %add3A_101 = arith.addf %mul3A_99, %add3A_100 : vector<1024x128xf32>
    %swap3A = arith.constant 0 : index
    %swap3A_102 = arith.constant 0 : index
    %swap3A_103 = vector.load %arg14[%swap3A, %swap3A_102] : memref<1024x128xf32, #tpu.memory_space<vmem>>, vector<1024x128xf32>
    tpu.vector_store %arg14[%swap3A, %swap3A_102], %add3A_101 {strides = array<i32>} : memref<1024x128xf32, #tpu.memory_space<vmem>>, vector<1024x128xf32>,
    return
  }
  func.func @transform_0(%arg0: i32) -> (i32, i32) {
    %c0_i32 = arith.constant 0 : i32
    %c0_i32_0 = arith.constant 0 : i32
    return %arg0, %c0_i32 : i32, i32
  }
  func.func @transform_1(%arg0: i32) -> (i32, i32) {
    %c0_i32 = arith.constant 0 : i32
    %c0_i32_0 = arith.constant 0 : i32
    return %arg0, %c0_i32 : i32, i32
  }
  func.func @transform_2(%arg0: i32) -> (i32, i32) {
    %c0_i32 = arith.constant 0 : i32
    %c0_i32_0 = arith.constant 0 : i32
    return %arg0, %c0_i32 : i32, i32
  }
  func.func @transform_3(%arg0: i32) -> (i32, i32) {
    %c0_i32 = arith.constant 0 : i32
    %c0_i32_0 = arith.constant 0 : i32
    %c0_i32_1 = arith.constant 0 : i32
    return %c0_i32, %c0_i32_0 : i32, i32
  }
  func.func @transform_4(%arg0: i32) -> (i32, i32) {
    %c0_i32 = arith.constant 0 : i32
    %c0_i32_0 = arith.constant 0 : i32
    %c0_i32_1 = arith.constant 0 : i32
    return %c0_i32, %c0_i32_0 : i32, i32
  }
  func.func @transform_5(%arg0: i32) -> (i32, i32) {
    %c0_i32 = arith.constant 0 : i32
    %c0_i32_0 = arith.constant 0 : i32
    %c0_i32_1 = arith.constant 0 : i32
    return %c0_i32, %c0_i32_0 : i32, i32
  }
  func.func @transform_6(%arg0: i32) -> (i32, i32) {
    %c0_i32 = arith.constant 0 : i32
    %c0_i32_0 = arith.constant 0 : i32
    %c0_i32_1 = arith.constant 0 : i32
    return %c0_i32, %c0_i32_0 : i32, i32
  }
  func.func @transform_7(%arg0: i32) -> (i32, i32) {
    %c0_i32 = arith.constant 0 : i32
    %c0_i32_0 = arith.constant 0 : i32
    %c0_i32_1 = arith.constant 0 : i32
    return %c0_i32, %c0_i32_0 : i32, i32
  }
  func.func @transform_8(%arg0: i32) -> (i32, i32) {
    %c0_i32 = arith.constant 0 : i32
    %c0_i32_0 = arith.constant 0 : i32
    %c0_i32_1 = arith.constant 0 : i32
    return %c0_i32, %c0_i32_0 : i32, i32
  }
  func.func @transform_9(%arg0: i32) -> (i32, i32) {
    %c0_i32 = arith.constant 0 : i32
    %c0_i32_0 = arith.constant 0 : i32
    %c0_i32_1 = arith.constant 0 : i32
    return %c0_i32, %c0_i32_0 : i32, i32
  }
  func.func @transform_10(%arg0: i32) -> (i32, i32) {
    %c0_i32 = arith.constant 0 : i32
    %c0_i32_0 = arith.constant 0 : i32
    %c0_i32_1 = arith.constant 0 : i32
    return %c0_i32, %c0_i32_0 : i32, i32
  }
  func.func @transform_11(%arg0: i32) -> (i32, i32) {
    %c0_i32 = arith.constant 0 : i32
    %c0_i32_0 = arith.constant 0 : i32
    %c0_i32_1 = arith.constant 0 : i32
    return %c0_i32, %c0_i32_0 : i32, i32
  }
  func.func @transform_12(%arg0: i32) -> (i32, i32) {
    %c0_i32 = arith.constant 0 : i32
    %c0_i32_0 = arith.constant 0 : i32
    %c0_i32_1 = arith.constant 0 : i32
    return %c0_i32, %c0_i32_0 : i32, i32
  }
  func.func @transform_13(%arg0: i32) -> (i32, i32) {
    %c0_i32 = arith.constant 0 : i32
    %c0_i32_0 = arith.constant 0 : i32
    return %arg0, %c0_i32 : i32, i32
  }
}

module attributes {stable_mosaic.version = 14 : i64} {
  func.func @_mlp2_body(%arg0: i32, %arg1: memref<1024x128xf32, #tpu.memory_space<vmem>>, %arg2: memref<128x128xf32, #tpu.memory_space<vmem>>, %arg3: memref<1x128xf32, #tpu.memory_space<vmem>>, %arg4: memref<1x128xf32, #tpu.memory_space<vmem>>, %arg5: memref<1x128xf32, #tpu.memory_space<vmem>>, %arg6: memref<128x128xf32, #tpu.memory_space<vmem>>, %arg7: memref<1x128xf32, #tpu.memory_space<vmem>>, %arg8: memref<1x128xf32, #tpu.memory_space<vmem>>, %arg9: memref<1x128xf32, #tpu.memory_space<vmem>>, %arg10: memref<1024x128xf32, #tpu.memory_space<vmem>>) attributes {dimension_semantics = [#tpu.dimension_semantics<arbitrary>], iteration_bounds = array<i64: 254>, scalar_prefetch = 0 : i64, scratch_operands = 0 : i64, tpu.core_type = #tpu.core_type<tc>, window_params = [{transform_indices = @transform_0, window_bounds = array<i64: 1024, 128>}, {pipeline_mode = #tpu.pipeline_mode<synchronous>, transform_indices = @transform_1, window_bounds = array<i64: 128, 128>}, {pipeline_mode = #tpu.pipeline_mode<synchronous>, transform_indices = @transform_2, window_bounds = array<i64: 1, 128>}, {pipeline_mode = #tpu.pipeline_mode<synchronous>, transform_indices = @transform_3, window_bounds = array<i64: 1, 128>}, {pipeline_mode = #tpu.pipeline_mode<synchronous>, transform_indices = @transform_4, window_bounds = array<i64: 1, 128>}, {pipeline_mode = #tpu.pipeline_mode<synchronous>, transform_indices = @transform_5, window_bounds = array<i64: 128, 128>}, {pipeline_mode = #tpu.pipeline_mode<synchronous>, transform_indices = @transform_6, window_bounds = array<i64: 1, 128>}, {pipeline_mode = #tpu.pipeline_mode<synchronous>, transform_indices = @transform_7, window_bounds = array<i64: 1, 128>}, {pipeline_mode = #tpu.pipeline_mode<synchronous>, transform_indices = @transform_8, window_bounds = array<i64: 1, 128>}, {transform_indices = @transform_9, window_bounds = array<i64: 1024, 128>}]} {
    %get3A = arith.constant 0 : index
    %get3A_0 = arith.constant 0 : index
    %get3A_1 = vector.load %arg1[%get3A, %get3A_0] : memref<1024x128xf32, #tpu.memory_space<vmem>>, vector<1024x128xf32>
    %get3A_2 = arith.constant 0 : index
    %get3A_3 = arith.constant 0 : index
    %get3A_4 = vector.load %arg2[%get3A_2, %get3A_3] : memref<128x128xf32, #tpu.memory_space<vmem>>, vector<128x128xf32>
    %dot_general3A = arith.constant dense<0.000000e+00> : vector<1024x128xf32>
    %dot_general3A_5 = tpu.matmul %get3A_1, %get3A_4, %dot_general3A {dimension_numbers = #tpu.dot_dimension_numbers<[1], [0], [0], [1], [0, 0, 1, 1], [], []>, transpose_lhs_hint = false} : vector<1024x128xf32>, vector<128x128xf32>, vector<1024x128xf32> -> vector<1024x128xf32>
    %get3A_6 = arith.constant 0 : index
    %get3A_7 = arith.constant 0 : index
    %get3A_8 = vector.load %arg3[%get3A_6, %get3A_7] : memref<1x128xf32, #tpu.memory_space<vmem>>, vector<1x128xf32>
    %add3A = vector.broadcast %get3A_8 : vector<1x128xf32> to vector<1024x128xf32>
    %add3A_9 = arith.addf %dot_general3A_5, %add3A : vector<1024x128xf32>
    %max3A = arith.constant 0.000000e+00 : f32
    %max3A_10 = vector.broadcast %max3A : f32 to vector<1024x128xf32>
    %max3A_11 = arith.maximumf %add3A_9, %max3A_10 : vector<1024x128xf32>
    %get3A_12 = arith.constant 0 : index
    %get3A_13 = arith.constant 0 : index
    %get3A_14 = vector.load %arg4[%get3A_12, %get3A_13] : memref<1x128xf32, #tpu.memory_space<vmem>>, vector<1x128xf32>
    %get3A_15 = arith.constant 0 : index
    %get3A_16 = arith.constant 0 : index
    %get3A_17 = vector.load %arg5[%get3A_15, %get3A_16] : memref<1x128xf32, #tpu.memory_space<vmem>>, vector<1x128xf32>
    %reduce_sum3A = arith.constant dense<0.000000e+00> : vector<1024xf32>
    %reduce_sum3A_18 = vector.multi_reduction <add>, %max3A_11, %reduce_sum3A [1] : vector<1024x128xf32> to vector<1024xf32>
    %broadcast_in_dim3A = vector.shape_cast %reduce_sum3A_18 : vector<1024xf32> to vector<1024x1xf32>
    %div3A = arith.constant 1.280000e+02 : f32
    %div3A_19 = vector.broadcast %div3A : f32 to vector<1024x1xf32>
    %div3A_20 = arith.divf %broadcast_in_dim3A, %div3A_19 : vector<1024x1xf32>
    %sub3A = vector.broadcast %div3A_20 : vector<1024x1xf32> to vector<1024x128xf32>
    %sub3A_21 = arith.subf %max3A_11, %sub3A : vector<1024x128xf32>
    %integer_pow3A = arith.mulf %sub3A_21, %sub3A_21 : vector<1024x128xf32>
    %reduce_sum3A_22 = arith.constant dense<0.000000e+00> : vector<1024xf32>
    %reduce_sum3A_23 = vector.multi_reduction <add>, %integer_pow3A, %reduce_sum3A_22 [1] : vector<1024x128xf32> to vector<1024xf32>
    %broadcast_in_dim3A_24 = vector.shape_cast %reduce_sum3A_23 : vector<1024xf32> to vector<1024x1xf32>
    %div3A_25 = arith.constant 1.280000e+02 : f32
    %div3A_26 = vector.broadcast %div3A_25 : f32 to vector<1024x1xf32>
    %div3A_27 = arith.divf %broadcast_in_dim3A_24, %div3A_26 : vector<1024x1xf32>
    %sub3A_28 = vector.broadcast %div3A_20 : vector<1024x1xf32> to vector<1024x128xf32>
    %sub3A_29 = arith.subf %max3A_11, %sub3A_28 : vector<1024x128xf32>
    %add3A_30 = arith.constant 9.99999974E-6 : f32
    %add3A_31 = vector.broadcast %add3A_30 : f32 to vector<1024x1xf32>
    %add3A_32 = arith.addf %div3A_27, %add3A_31 : vector<1024x1xf32>
    %rsqrt3A = math.rsqrt %add3A_32 : vector<1024x1xf32>
    %mul3A = vector.broadcast %rsqrt3A : vector<1024x1xf32> to vector<1024x128xf32>
    %mul3A_33 = arith.mulf %sub3A_29, %mul3A : vector<1024x128xf32>
    %mul3A_34 = vector.broadcast %get3A_14 : vector<1x128xf32> to vector<1024x128xf32>
    %mul3A_35 = arith.mulf %mul3A_33, %mul3A_34 : vector<1024x128xf32>
    %add3A_36 = vector.broadcast %get3A_17 : vector<1x128xf32> to vector<1024x128xf32>
    %add3A_37 = arith.addf %mul3A_35, %add3A_36 : vector<1024x128xf32>
    %get3A_38 = arith.constant 0 : index
    %get3A_39 = arith.constant 0 : index
    %get3A_40 = vector.load %arg6[%get3A_38, %get3A_39] : memref<128x128xf32, #tpu.memory_space<vmem>>, vector<128x128xf32>
    %dot_general3A_41 = arith.constant dense<0.000000e+00> : vector<1024x128xf32>
    %dot_general3A_42 = tpu.matmul %add3A_37, %get3A_40, %dot_general3A_41 {dimension_numbers = #tpu.dot_dimension_numbers<[1], [0], [0], [1], [0, 0, 1, 1], [], []>, transpose_lhs_hint = false} : vector<1024x128xf32>, vector<128x128xf32>, vector<1024x128xf32> -> vector<1024x128xf32>
    %get3A_43 = arith.constant 0 : index
    %get3A_44 = arith.constant 0 : index
    %get3A_45 = vector.load %arg7[%get3A_43, %get3A_44] : memref<1x128xf32, #tpu.memory_space<vmem>>, vector<1x128xf32>
    %add3A_46 = vector.broadcast %get3A_45 : vector<1x128xf32> to vector<1024x128xf32>
    %add3A_47 = arith.addf %dot_general3A_42, %add3A_46 : vector<1024x128xf32>
    %max3A_48 = arith.constant 0.000000e+00 : f32
    %max3A_49 = vector.broadcast %max3A_48 : f32 to vector<1024x128xf32>
    %max3A_50 = arith.maximumf %add3A_47, %max3A_49 : vector<1024x128xf32>
    %get3A_51 = arith.constant 0 : index
    %get3A_52 = arith.constant 0 : index
    %get3A_53 = vector.load %arg8[%get3A_51, %get3A_52] : memref<1x128xf32, #tpu.memory_space<vmem>>, vector<1x128xf32>
    %get3A_54 = arith.constant 0 : index
    %get3A_55 = arith.constant 0 : index
    %get3A_56 = vector.load %arg9[%get3A_54, %get3A_55] : memref<1x128xf32, #tpu.memory_space<vmem>>, vector<1x128xf32>
    %reduce_sum3A_57 = arith.constant dense<0.000000e+00> : vector<1024xf32>
    %reduce_sum3A_58 = vector.multi_reduction <add>, %max3A_50, %reduce_sum3A_57 [1] : vector<1024x128xf32> to vector<1024xf32>
    %broadcast_in_dim3A_59 = vector.shape_cast %reduce_sum3A_58 : vector<1024xf32> to vector<1024x1xf32>
    %div3A_60 = arith.constant 1.280000e+02 : f32
    %div3A_61 = vector.broadcast %div3A_60 : f32 to vector<1024x1xf32>
    %div3A_62 = arith.divf %broadcast_in_dim3A_59, %div3A_61 : vector<1024x1xf32>
    %sub3A_63 = vector.broadcast %div3A_62 : vector<1024x1xf32> to vector<1024x128xf32>
    %sub3A_64 = arith.subf %max3A_50, %sub3A_63 : vector<1024x128xf32>
    %integer_pow3A_65 = arith.mulf %sub3A_64, %sub3A_64 : vector<1024x128xf32>
    %reduce_sum3A_66 = arith.constant dense<0.000000e+00> : vector<1024xf32>
    %reduce_sum3A_67 = vector.multi_reduction <add>, %integer_pow3A_65, %reduce_sum3A_66 [1] : vector<1024x128xf32> to vector<1024xf32>
    %broadcast_in_dim3A_68 = vector.shape_cast %reduce_sum3A_67 : vector<1024xf32> to vector<1024x1xf32>
    %div3A_69 = arith.constant 1.280000e+02 : f32
    %div3A_70 = vector.broadcast %div3A_69 : f32 to vector<1024x1xf32>
    %div3A_71 = arith.divf %broadcast_in_dim3A_68, %div3A_70 : vector<1024x1xf32>
    %sub3A_72 = vector.broadcast %div3A_62 : vector<1024x1xf32> to vector<1024x128xf32>
    %sub3A_73 = arith.subf %max3A_50, %sub3A_72 : vector<1024x128xf32>
    %add3A_74 = arith.constant 9.99999974E-6 : f32
    %add3A_75 = vector.broadcast %add3A_74 : f32 to vector<1024x1xf32>
    %add3A_76 = arith.addf %div3A_71, %add3A_75 : vector<1024x1xf32>
    %rsqrt3A_77 = math.rsqrt %add3A_76 : vector<1024x1xf32>
    %mul3A_78 = vector.broadcast %rsqrt3A_77 : vector<1024x1xf32> to vector<1024x128xf32>
    %mul3A_79 = arith.mulf %sub3A_73, %mul3A_78 : vector<1024x128xf32>
    %mul3A_80 = vector.broadcast %get3A_53 : vector<1x128xf32> to vector<1024x128xf32>
    %mul3A_81 = arith.mulf %mul3A_79, %mul3A_80 : vector<1024x128xf32>
    %add3A_82 = vector.broadcast %get3A_56 : vector<1x128xf32> to vector<1024x128xf32>
    %add3A_83 = arith.addf %mul3A_81, %add3A_82 : vector<1024x128xf32>
    %swap3A = arith.constant 0 : index
    %swap3A_84 = arith.constant 0 : index
    %swap3A_85 = vector.load %arg10[%swap3A, %swap3A_84] : memref<1024x128xf32, #tpu.memory_space<vmem>>, vector<1024x128xf32>
    tpu.vector_store %arg10[%swap3A, %swap3A_84], %add3A_83 {strides = array<i32>} : memref<1024x128xf32, #tpu.memory_space<vmem>>, vector<1024x128xf32>,
    return
  }
  func.func @transform_0(%arg0: i32) -> (i32, i32) {
    %c0_i32 = arith.constant 0 : i32
    %c0_i32_0 = arith.constant 0 : i32
    return %arg0, %c0_i32 : i32, i32
  }
  func.func @transform_1(%arg0: i32) -> (i32, i32) {
    %c0_i32 = arith.constant 0 : i32
    %c0_i32_0 = arith.constant 0 : i32
    %c0_i32_1 = arith.constant 0 : i32
    return %c0_i32, %c0_i32_0 : i32, i32
  }
  func.func @transform_2(%arg0: i32) -> (i32, i32) {
    %c0_i32 = arith.constant 0 : i32
    %c0_i32_0 = arith.constant 0 : i32
    %c0_i32_1 = arith.constant 0 : i32
    return %c0_i32, %c0_i32_0 : i32, i32
  }
  func.func @transform_3(%arg0: i32) -> (i32, i32) {
    %c0_i32 = arith.constant 0 : i32
    %c0_i32_0 = arith.constant 0 : i32
    %c0_i32_1 = arith.constant 0 : i32
    return %c0_i32, %c0_i32_0 : i32, i32
  }
  func.func @transform_4(%arg0: i32) -> (i32, i32) {
    %c0_i32 = arith.constant 0 : i32
    %c0_i32_0 = arith.constant 0 : i32
    %c0_i32_1 = arith.constant 0 : i32
    return %c0_i32, %c0_i32_0 : i32, i32
  }
  func.func @transform_5(%arg0: i32) -> (i32, i32) {
    %c0_i32 = arith.constant 0 : i32
    %c0_i32_0 = arith.constant 0 : i32
    %c0_i32_1 = arith.constant 0 : i32
    return %c0_i32, %c0_i32_0 : i32, i32
  }
  func.func @transform_6(%arg0: i32) -> (i32, i32) {
    %c0_i32 = arith.constant 0 : i32
    %c0_i32_0 = arith.constant 0 : i32
    %c0_i32_1 = arith.constant 0 : i32
    return %c0_i32, %c0_i32_0 : i32, i32
  }
  func.func @transform_7(%arg0: i32) -> (i32, i32) {
    %c0_i32 = arith.constant 0 : i32
    %c0_i32_0 = arith.constant 0 : i32
    %c0_i32_1 = arith.constant 0 : i32
    return %c0_i32, %c0_i32_0 : i32, i32
  }
  func.func @transform_8(%arg0: i32) -> (i32, i32) {
    %c0_i32 = arith.constant 0 : i32
    %c0_i32_0 = arith.constant 0 : i32
    %c0_i32_1 = arith.constant 0 : i32
    return %c0_i32, %c0_i32_0 : i32, i32
  }
  func.func @transform_9(%arg0: i32) -> (i32, i32) {
    %c0_i32 = arith.constant 0 : i32
    %c0_i32_0 = arith.constant 0 : i32
    return %arg0, %c0_i32 : i32, i32
  }
}

module attributes {stable_mosaic.version = 14 : i64} {
  func.func @_sphere_body(%arg0: memref<2944x128xf32, #tpu.memory_space<vmem>>, %arg1: memref<2x2944x128xf32, #tpu.memory_space<vmem>>, %arg2: memref<128x128xf32, #tpu.memory_space<vmem>>, %arg3: memref<128x128xf32, #tpu.memory_space<vmem>>, %arg4: memref<1x128xf32, #tpu.memory_space<vmem>>, %arg5: memref<1x128xf32, #tpu.memory_space<vmem>>, %arg6: memref<1x128xf32, #tpu.memory_space<vmem>>, %arg7: memref<128x128xf32, #tpu.memory_space<vmem>>, %arg8: memref<1x128xf32, #tpu.memory_space<vmem>>, %arg9: memref<1x128xf32, #tpu.memory_space<vmem>>, %arg10: memref<1x128xf32, #tpu.memory_space<vmem>>, %arg11: memref<2944x128xf32, #tpu.memory_space<vmem>>) attributes {dimension_semantics = [], scalar_prefetch = 0 : i64, scratch_operands = 0 : i64, tpu.core_type = #tpu.core_type<tc>} {
    %get3A = arith.constant 0 : index
    %get3A_0 = arith.constant 0 : index
    %get3A_1 = arith.constant 0 : index
    %get3A_2 = vector.load %arg1[%get3A, %get3A_0, %get3A_1] : memref<2x2944x128xf32, #tpu.memory_space<vmem>>, vector<1x2944x128xf32>
    %get3A_3 = vector.shape_cast %get3A_2 : vector<1x2944x128xf32> to vector<2944x128xf32>
    %get3A_4 = arith.constant 1 : index
    %get3A_5 = arith.constant 0 : index
    %get3A_6 = arith.constant 0 : index
    %get3A_7 = vector.load %arg1[%get3A_4, %get3A_5, %get3A_6] : memref<2x2944x128xf32, #tpu.memory_space<vmem>>, vector<1x2944x128xf32>
    %get3A_8 = vector.shape_cast %get3A_7 : vector<1x2944x128xf32> to vector<2944x128xf32>
    %add3A = arith.addf %get3A_3, %get3A_8 : vector<2944x128xf32>
    %get3A_9 = arith.constant 0 : index
    %get3A_10 = arith.constant 0 : index
    %get3A_11 = vector.load %arg0[%get3A_9, %get3A_10] : memref<2944x128xf32, #tpu.memory_space<vmem>>, vector<2944x128xf32>
    %get3A_12 = arith.constant 0 : index
    %get3A_13 = arith.constant 0 : index
    %get3A_14 = vector.load %arg2[%get3A_12, %get3A_13] : memref<128x128xf32, #tpu.memory_space<vmem>>, vector<128x128xf32>
    %dot_general3A = arith.constant dense<0.000000e+00> : vector<2944x128xf32>
    %dot_general3A_15 = tpu.matmul %get3A_11, %get3A_14, %dot_general3A {dimension_numbers = #tpu.dot_dimension_numbers<[1], [0], [0], [1], [0, 0, 1, 1], [], []>, transpose_lhs_hint = false} : vector<2944x128xf32>, vector<128x128xf32>, vector<2944x128xf32> -> vector<2944x128xf32>
    %get3A_16 = arith.constant 0 : index
    %get3A_17 = arith.constant 0 : index
    %get3A_18 = vector.load %arg3[%get3A_16, %get3A_17] : memref<128x128xf32, #tpu.memory_space<vmem>>, vector<128x128xf32>
    %dot_general3A_19 = arith.constant dense<0.000000e+00> : vector<2944x128xf32>
    %dot_general3A_20 = tpu.matmul %add3A, %get3A_18, %dot_general3A_19 {dimension_numbers = #tpu.dot_dimension_numbers<[1], [0], [0], [1], [0, 0, 1, 1], [], []>, transpose_lhs_hint = false} : vector<2944x128xf32>, vector<128x128xf32>, vector<2944x128xf32> -> vector<2944x128xf32>
    %add3A_21 = arith.addf %dot_general3A_15, %dot_general3A_20 : vector<2944x128xf32>
    %get3A_22 = arith.constant 0 : index
    %get3A_23 = arith.constant 0 : index
    %get3A_24 = vector.load %arg4[%get3A_22, %get3A_23] : memref<1x128xf32, #tpu.memory_space<vmem>>, vector<1x128xf32>
    %add3A_25 = vector.broadcast %get3A_24 : vector<1x128xf32> to vector<2944x128xf32>
    %add3A_26 = arith.addf %add3A_21, %add3A_25 : vector<2944x128xf32>
    %max3A = arith.constant 0.000000e+00 : f32
    %max3A_27 = vector.broadcast %max3A : f32 to vector<2944x128xf32>
    %max3A_28 = arith.maximumf %add3A_26, %max3A_27 : vector<2944x128xf32>
    %get3A_29 = arith.constant 0 : index
    %get3A_30 = arith.constant 0 : index
    %get3A_31 = vector.load %arg5[%get3A_29, %get3A_30] : memref<1x128xf32, #tpu.memory_space<vmem>>, vector<1x128xf32>
    %get3A_32 = arith.constant 0 : index
    %get3A_33 = arith.constant 0 : index
    %get3A_34 = vector.load %arg6[%get3A_32, %get3A_33] : memref<1x128xf32, #tpu.memory_space<vmem>>, vector<1x128xf32>
    %reduce_sum3A = arith.constant dense<0.000000e+00> : vector<2944xf32>
    %reduce_sum3A_35 = vector.multi_reduction <add>, %max3A_28, %reduce_sum3A [1] : vector<2944x128xf32> to vector<2944xf32>
    %broadcast_in_dim3A = vector.shape_cast %reduce_sum3A_35 : vector<2944xf32> to vector<2944x1xf32>
    %div3A = arith.constant 1.280000e+02 : f32
    %div3A_36 = vector.broadcast %div3A : f32 to vector<2944x1xf32>
    %div3A_37 = arith.divf %broadcast_in_dim3A, %div3A_36 : vector<2944x1xf32>
    %sub3A = vector.broadcast %div3A_37 : vector<2944x1xf32> to vector<2944x128xf32>
    %sub3A_38 = arith.subf %max3A_28, %sub3A : vector<2944x128xf32>
    %integer_pow3A = arith.mulf %sub3A_38, %sub3A_38 : vector<2944x128xf32>
    %reduce_sum3A_39 = arith.constant dense<0.000000e+00> : vector<2944xf32>
    %reduce_sum3A_40 = vector.multi_reduction <add>, %integer_pow3A, %reduce_sum3A_39 [1] : vector<2944x128xf32> to vector<2944xf32>
    %broadcast_in_dim3A_41 = vector.shape_cast %reduce_sum3A_40 : vector<2944xf32> to vector<2944x1xf32>
    %div3A_42 = arith.constant 1.280000e+02 : f32
    %div3A_43 = vector.broadcast %div3A_42 : f32 to vector<2944x1xf32>
    %div3A_44 = arith.divf %broadcast_in_dim3A_41, %div3A_43 : vector<2944x1xf32>
    %sub3A_45 = vector.broadcast %div3A_37 : vector<2944x1xf32> to vector<2944x128xf32>
    %sub3A_46 = arith.subf %max3A_28, %sub3A_45 : vector<2944x128xf32>
    %add3A_47 = arith.constant 9.99999974E-6 : f32
    %add3A_48 = vector.broadcast %add3A_47 : f32 to vector<2944x1xf32>
    %add3A_49 = arith.addf %div3A_44, %add3A_48 : vector<2944x1xf32>
    %rsqrt3A = math.rsqrt %add3A_49 : vector<2944x1xf32>
    %mul3A = vector.broadcast %rsqrt3A : vector<2944x1xf32> to vector<2944x128xf32>
    %mul3A_50 = arith.mulf %sub3A_46, %mul3A : vector<2944x128xf32>
    %mul3A_51 = vector.broadcast %get3A_31 : vector<1x128xf32> to vector<2944x128xf32>
    %mul3A_52 = arith.mulf %mul3A_50, %mul3A_51 : vector<2944x128xf32>
    %add3A_53 = vector.broadcast %get3A_34 : vector<1x128xf32> to vector<2944x128xf32>
    %add3A_54 = arith.addf %mul3A_52, %add3A_53 : vector<2944x128xf32>
    %get3A_55 = arith.constant 0 : index
    %get3A_56 = arith.constant 0 : index
    %get3A_57 = vector.load %arg7[%get3A_55, %get3A_56] : memref<128x128xf32, #tpu.memory_space<vmem>>, vector<128x128xf32>
    %dot_general3A_58 = arith.constant dense<0.000000e+00> : vector<2944x128xf32>
    %dot_general3A_59 = tpu.matmul %add3A_54, %get3A_57, %dot_general3A_58 {dimension_numbers = #tpu.dot_dimension_numbers<[1], [0], [0], [1], [0, 0, 1, 1], [], []>, transpose_lhs_hint = false} : vector<2944x128xf32>, vector<128x128xf32>, vector<2944x128xf32> -> vector<2944x128xf32>
    %get3A_60 = arith.constant 0 : index
    %get3A_61 = arith.constant 0 : index
    %get3A_62 = vector.load %arg8[%get3A_60, %get3A_61] : memref<1x128xf32, #tpu.memory_space<vmem>>, vector<1x128xf32>
    %add3A_63 = vector.broadcast %get3A_62 : vector<1x128xf32> to vector<2944x128xf32>
    %add3A_64 = arith.addf %dot_general3A_59, %add3A_63 : vector<2944x128xf32>
    %max3A_65 = arith.constant 0.000000e+00 : f32
    %max3A_66 = vector.broadcast %max3A_65 : f32 to vector<2944x128xf32>
    %max3A_67 = arith.maximumf %add3A_64, %max3A_66 : vector<2944x128xf32>
    %get3A_68 = arith.constant 0 : index
    %get3A_69 = arith.constant 0 : index
    %get3A_70 = vector.load %arg9[%get3A_68, %get3A_69] : memref<1x128xf32, #tpu.memory_space<vmem>>, vector<1x128xf32>
    %get3A_71 = arith.constant 0 : index
    %get3A_72 = arith.constant 0 : index
    %get3A_73 = vector.load %arg10[%get3A_71, %get3A_72] : memref<1x128xf32, #tpu.memory_space<vmem>>, vector<1x128xf32>
    %reduce_sum3A_74 = arith.constant dense<0.000000e+00> : vector<2944xf32>
    %reduce_sum3A_75 = vector.multi_reduction <add>, %max3A_67, %reduce_sum3A_74 [1] : vector<2944x128xf32> to vector<2944xf32>
    %broadcast_in_dim3A_76 = vector.shape_cast %reduce_sum3A_75 : vector<2944xf32> to vector<2944x1xf32>
    %div3A_77 = arith.constant 1.280000e+02 : f32
    %div3A_78 = vector.broadcast %div3A_77 : f32 to vector<2944x1xf32>
    %div3A_79 = arith.divf %broadcast_in_dim3A_76, %div3A_78 : vector<2944x1xf32>
    %sub3A_80 = vector.broadcast %div3A_79 : vector<2944x1xf32> to vector<2944x128xf32>
    %sub3A_81 = arith.subf %max3A_67, %sub3A_80 : vector<2944x128xf32>
    %integer_pow3A_82 = arith.mulf %sub3A_81, %sub3A_81 : vector<2944x128xf32>
    %reduce_sum3A_83 = arith.constant dense<0.000000e+00> : vector<2944xf32>
    %reduce_sum3A_84 = vector.multi_reduction <add>, %integer_pow3A_82, %reduce_sum3A_83 [1] : vector<2944x128xf32> to vector<2944xf32>
    %broadcast_in_dim3A_85 = vector.shape_cast %reduce_sum3A_84 : vector<2944xf32> to vector<2944x1xf32>
    %div3A_86 = arith.constant 1.280000e+02 : f32
    %div3A_87 = vector.broadcast %div3A_86 : f32 to vector<2944x1xf32>
    %div3A_88 = arith.divf %broadcast_in_dim3A_85, %div3A_87 : vector<2944x1xf32>
    %sub3A_89 = vector.broadcast %div3A_79 : vector<2944x1xf32> to vector<2944x128xf32>
    %sub3A_90 = arith.subf %max3A_67, %sub3A_89 : vector<2944x128xf32>
    %add3A_91 = arith.constant 9.99999974E-6 : f32
    %add3A_92 = vector.broadcast %add3A_91 : f32 to vector<2944x1xf32>
    %add3A_93 = arith.addf %div3A_88, %add3A_92 : vector<2944x1xf32>
    %rsqrt3A_94 = math.rsqrt %add3A_93 : vector<2944x1xf32>
    %mul3A_95 = vector.broadcast %rsqrt3A_94 : vector<2944x1xf32> to vector<2944x128xf32>
    %mul3A_96 = arith.mulf %sub3A_90, %mul3A_95 : vector<2944x128xf32>
    %mul3A_97 = vector.broadcast %get3A_70 : vector<1x128xf32> to vector<2944x128xf32>
    %mul3A_98 = arith.mulf %mul3A_96, %mul3A_97 : vector<2944x128xf32>
    %add3A_99 = vector.broadcast %get3A_73 : vector<1x128xf32> to vector<2944x128xf32>
    %add3A_100 = arith.addf %mul3A_98, %add3A_99 : vector<2944x128xf32>
    %swap3A = arith.constant 0 : index
    %swap3A_101 = arith.constant 0 : index
    %swap3A_102 = vector.load %arg11[%swap3A, %swap3A_101] : memref<2944x128xf32, #tpu.memory_space<vmem>>, vector<2944x128xf32>
    tpu.vector_store %arg11[%swap3A, %swap3A_101], %add3A_100 {strides = array<i32>} : memref<2944x128xf32, #tpu.memory_space<vmem>>, vector<2944x128xf32>,
    return
  }
}

</mosaic_0001>

<sc_bundles>
// kernel: kernel.20.cloned.1.call-start
scs
__scs_entry_jumppad:
0x0: {  	(pc) =	sbr.rel $0x88, $3  }
0x1: {  	(tag) =	ssettag $0x0;
	lr =	simm.s32 $0x1  }
0x2: {  	[smem:$0x3F54] =	sst lr;
	_ =	strace $0xD0000000  }
0x3: {  	_ = 	snop  }
0x4: {  	_ = 	snop  }
0x5: {  	_ = 	snop  }
0x6: {  	_ = 	snop  }
0x7: {  	_ = 	snop  }
__scs_overlays_trampoline_lowered:
0x8: {  	[smem:$0x3F63] =	sst s0  }
0x9: {  	[smem:$0x3F64] =	sst s1  }
0xa: {  	[smem:$0x3F65] =	sst s2  }
0xb: {  	[smem:$0x3F66] =	sst s3  }
0xc: {  	[smem:$0x3F67] =	sst s4  }
0xd: {  	[smem:$0x3F68] =	sst s5  }
0xe: {  	[smem:$0x3F69] =	sst s6  }
0xf: {  	[smem:$0x3F6A] =	sst s7  }
0x10: {  	[smem:$0x3F6B] =	sst s8  }
0x11: {  	[smem:$0x3F6C] =	sst s9;
	s0 =	simm.s32 @!p0 $0x0  }
0x12: {  	s1 =	sld [smem:$0x3F52];
	s0 =	simm.s32 @p0 $0x1  }
0x13: {  	[smem:$0x3F6D] =	sst s0;
	s0 =	simm.s32 @!p1 $0x0  }
0x14: {  	s2 =	sld [smem:$0x3F51];
	s0 =	simm.s32 @p1 $0x1  }
0x15: {  	[smem:$0x3F6E] =	sst s0;
	s0 =	simm.s32 @!p2 $0x0  }
0x16: {  	s3 =	sld [smem:$0x3FDB];
	s0 =	simm.s32 @p2 $0x1  }
0x17: {  	s4 =	simm.s32 $0x1BF5;
	[smem:$0x3F70] =	sst s0  }
0x18: {  	s0 =	sld [smem:$0x3F53];
	_ =	swait.ge [sflag:s4], $0x0  }
0x19: {  	s7 =	sld [smem:$0x3F54]  }
0x1a: {  	s8 =	sadd.s32 $0xFFFFE003, lr  }
0x1b: {  	s9 =	sadd.s32 $0xFFFFFEF7, lr;
	s5 =	simm.s32 $0xFFFFFFFF;
	p2 =	slt.u32 s8, $0xFFFFF086  }
0x1c: {  	p1 =	slt.u32 s9, $0xF7A;
	s5 =	simm.s32 @!p2 $0x0  }
0x1d: {  	s5 =	simm.s32 @p1 $0x1;
	p0 =	seq.s32 s7, s2  }
0x1e: {  	s7 =	smul.u32 @!p0 $0xF7A, s2;
	p2 =	seq.s32 @!p0 s5, $0x0  }
0x1f: {  	s9 =	smul.u32 $0xF7A, s1;
	s8 =	simm.s32 @!p0 $0x1BF5;
	p2 =	por !p2, p0  }
0x20: {  	[sflag:s8] =	ssyncset.s32 @!p0 $0xFFFFF086;
	s6 =	sadd.s32 @!p0 s3, s7;
	s7 =	simm.s32 @!p0 $0x108  }
0x21: {  	s3 =	sadd.s32 s3, s9;
	s6 =	sadd.s32 @!p0 $0x88, s6;
	s7 =	simm.s32 @p2 $0x1082  }
0x22: {  	[simem:s7], [sflag:s8] =	dma.local @!p0 [hbm:s6], $0xF7A  }
0x23: {  	s9 =	sor.u32 $0xD0000000, s2;
	s6 =	simm.s32 $0x108;
	_ =	swait.ge @!p0 [sflag:s8], $0x0  }
0x24: {  	s3 =	sadd.s32 $0x88, s3;
	s6 =	simm.s32 @!p1 $0x1082;
	[sflag:s4] =	ssyncset.s32 $0xFFFFF086  }
0x25: {  	[simem:s6], [sflag:s4] =	dma.local [hbm:s3], $0xF7A  }
0x26: {  	[smem:$0x3F54] =	sst s1;
	(tag) =	ssettag s2;
	_ =	strace s9  }
0x27: {  	s1 =	sld [smem:$0x3F64]  }
0x28: {  	s2 =	sld [smem:$0x3F65]  }
0x29: {  	s4 =	sld [smem:$0x3F67]  }
0x2a: {  	p0 =	seq.s32 s5, $0x0;
	s5 =	sld [smem:$0x3F68]  }
0x2b: {  	s6 =	sld [smem:$0x3F69]  }
0x2c: {  	s7 =	sld [smem:$0x3F6A]  }
0x2d: {  	s3 =	simm.s32 $0x108;
	s8 =	sld [smem:$0x3F6B]  }
0x2e: {  	s3 =	simm.s32 @!p0 $0x1082;
	s9 =	sld [smem:$0x3F6C]  }
0x2f: {  	lr =	sadd.s32 s0, s3;
	s0 =	sld [smem:$0x3F63]  }
0x30: {  	s3 =	sld [smem:$0x3F66]  }
0x31: {  	[smem:$0x3F6F] =	sst s10  }
0x32: {  	s10 =	sld [smem:$0x3F6D];
	_ =	sdelay $0x3  }
0x33: {  	p0 =	seq.s32 s10, $0x1;
	s10 =	sld [smem:$0x3F6F];
	_ =	sdelay $0x3  }
0x34: {  	[smem:$0x3F6F] =	sst s10  }
0x35: {  	s10 =	sld [smem:$0x3F6E];
	_ =	sdelay $0x3  }
0x36: {  	p1 =	seq.s32 s10, $0x1;
	s10 =	sld [smem:$0x3F6F];
	_ =	sdelay $0x3  }
0x37: {  	[smem:$0x3F6F] =	sst s10  }
0x38: {  	s10 =	sld [smem:$0x3F70]  }
0x39: {  	_ = 	snop;
	(pc) =	sbr.ind lr, $3  }
0x3a: {  	_ = 	snop  }
0x3b: {  	_ = 	snop  }
0x3c: {  	p2 =	seq.s32 s10, $0x1;
	s10 =	sld [smem:$0x3F6F]  }
0x3d: {  	_ =	shalt  }
0x3e: {  	_ =	shalt  }
0x3f: {  	_ =	shalt  }
0x40: {  	_ =	shalt  }
0x41: {  	_ =	shalt  }
0x42: {  	_ =	shalt  }
0x43: {  	_ =	shalt  }
0x44: {  	_ =	shalt  }
0x45: {  	_ =	shalt  }
0x46: {  	_ =	shalt  }
0x47: {  	_ =	shalt  }
0x48: {  	_ =	shalt  }
0x49: {  	_ =	shalt  }
0x4a: {  	_ =	shalt  }
0x4b: {  	_ =	shalt  }
0x4c: {  	_ =	shalt  }
0x4d: {  	_ =	shalt  }
0x4e: {  	_ =	shalt  }
0x4f: {  	_ =	shalt  }
0x50: {  	_ =	shalt  }
0x51: {  	_ =	shalt  }
0x52: {  	_ =	shalt  }
0x53: {  	_ =	shalt  }
0x54: {  	_ =	shalt  }
0x55: {  	_ =	shalt  }
0x56: {  	_ =	shalt  }
0x57: {  	_ =	shalt  }
0x58: {  	_ =	shalt  }
0x59: {  	_ =	shalt  }
0x5a: {  	_ =	shalt  }
0x5b: {  	_ =	shalt  }
0x5c: {  	_ =	shalt  }
0x5d: {  	_ =	shalt  }
0x5e: {  	_ =	shalt  }
0x5f: {  	_ =	shalt  }
0x60: {  	_ =	shalt  }
0x61: {  	_ =	shalt  }
0x62: {  	_ =	shalt  }
0x63: {  	_ =	shalt  }
0x64: {  	_ =	shalt  }
0x65: {  	_ =	shalt  }
0x66: {  	_ =	shalt  }
0x67: {  	_ =	shalt  }
0x68: {  	_ =	shalt  }
0x69: {  	_ =	shalt  }
0x6a: {  	_ =	shalt  }
0x6b: {  	_ =	shalt  }
0x6c: {  	_ =	shalt  }
0x6d: {  	_ =	shalt  }
0x6e: {  	_ =	shalt  }
0x6f: {  	_ =	shalt  }
0x70: {  	_ =	shalt  }
0x71: {  	_ =	shalt  }
0x72: {  	_ =	shalt  }
0x73: {  	_ =	shalt  }
0x74: {  	_ =	shalt  }
0x75: {  	_ =	shalt  }
0x76: {  	_ =	shalt  }
0x77: {  	_ =	shalt  }
0x78: {  	_ =	shalt  }
0x79: {  	_ =	shalt  }
0x7a: {  	_ =	shalt  }
0x7b: {  	_ =	shalt  }
0x7c: {  	_ =	shalt  }
0x7d: {  	_ =	shalt  }
0x7e: {  	_ =	shalt  }
0x7f: {  	_ =	shalt  }
0x80: {  	_ =	shalt  }
0x81: {  	_ =	shalt  }
0x82: {  	_ =	shalt  }
0x83: {  	_ =	shalt  }
0x84: {  	_ =	shalt  }
0x85: {  	_ =	shalt  }
0x86: {  	_ =	shalt  }
0x87: {  	_ =	shalt  }
.Lfunc_end0:
.L_simem_size_0:
called_computation_lowered:
.L_overlay_start_0:
0x88: {  	s2 =	sld [smem:$0x3FD9]  }
0x89: {  	s3 =	sld [smem:$0x3FFE];
	_ =	sdelay $0x1  }
0x8a: {  	s1 =	srdreg.scid  }
0x8b: {  	s0 =	sand.u32 $0x1, s1  }
0x8c: {  	s16 =	sshll.u32 s0, $0xA;
	s2 =	sadd.s32 s3, s2  }
0x8d: {  	s2 =	sadd.s32 s2, s16  }
0x8e: {  	[smem:$0x3F7B] =	sst s2  }
0x8f: {  	_ = 	snop  }
0x90: {  	(tm) =	ssettm $0x1  }
0x91: {  	s17 =	sld [smem:$0x3FFB];
	_ =	sdelay $0x3  }
0x92: {  	_ =	strace s17  }
0x93: {  	s2 =	sld [smem:$0x3FFC];
	_ =	sdelay $0x3  }
0x94: {  	_ =	strace s2  }
0x95: {  	s2 =	sld [smem:$0x3FFD];
	_ =	sdelay $0x3  }
0x96: {  	_ =	strace s2  }
0x97: {  	_ =	strace $0x8FFFFFFF  }
0x98: {  	s18 =	sld [smem:$0x3FDB];
	_ =	sdelay $0x1  }
0x99: {  	s19 =	simm.s32 $_scs_section_size  }
0x9a: {  	s4 =	simm.s32 $_size__tile_overlayer_lowered;
	s5 =	simm.s32 $_tile_overlayer_lowered  }
0x9b: {  	s22 =	simm.s32 $0x1BFF;
	s21 =	sshll.u32 s5, $0x1;
	s2 =	sadd.s32 s19, s18  }
0x9c: {  	s6 =	simm.s32 $0x0;
	s20 =	sshll.u32 s4, $0x1;
	s4 =	sadd.s32 s21, s2  }
0x9d: {  	[timem:s6], [sflag:s22] =	dma.local [hbm:s4], s20  }
0x9e: {  	_ =	swait.ge [sflag:s22], s20  }
0x9f: {  	s3 =	ssub.s32 $0x0, s20;
	[sflag:s22] =	ssyncset.done $0x0  }
0xa0: {  	[sflag:s22] =	ssyncadd.s32 s3;
	_ =	sdelay $0x1  }
0xa1: {  	s23 =	simm.s32 $0x1B8B  }
0xa2: {  	_ =	swait.ge [sflag:s23], $0x1  }
0xa3: {  	[sflag:s23] =	ssyncset.done $0x0  }
0xa4: {  	s25 =	simm.s32 $0x1B8E;
	s24 =	sld [smem:$0x3FFE];
	[sflag:s23] =	ssyncadd.s32 $0xFFFFFFFF  }
0xa5: {  	s26 =	simm.s32 $execute0_lowered;
	[smem:$0x3FD2] =	sst s25  }
0xa6: {  	s4 =	sshll.u32 s26, $0x1;
	_ =	strace $0x80000046;
	[dreg:$0x1] =	wrdreg $0xFFFFFFFF  }
0xa7: {  	s28 =	simm.s32 $_size_execute0_lowered;
	s2 =	sadd.s32 s2, s4;
	[dreg:$0x0] =	wrdreg $0x0  }
0xa8: {  	s4 =	sshll.u32 s28, $0x1;
	[dreg:$0x2] =	wrdreg s2  }
0xa9: {  	[dreg:$0x3] =	wrdreg s4  }
0xaa: {  	[dreg:$0x4] =	wrdreg $0xC0  }
0xab: {  	_ =	task [dreg:s6], $0x5FFFF  }
0xac: {  	[dreg:$0x1] =	wrdreg $0xFFFFFFFF  }
0xad: {  	[dreg:$0x0] =	wrdreg $0x60  }
0xae: {  	[dreg:$0x2] =	wrdreg s24  }
0xaf: {  	[dreg:$0x3] =	wrdreg $0x9  }
0xb0: {  	_ =	task.clear_ibuf [dreg:s6], $0x4FFFF;
	_ =	strace $0x90000046  }
0xb1: {  	s29 =	simm.s32 $0x9;
	_ =	strace $0x80000048  }
0xb2: {  	_ =	swait.ge [sflag:s29], $0x1  }
0xb3: {  	[sflag:s29] =	ssyncadd.s32 $0xFFFFFFFF  }
0xb4: {  	_ =	strace $0x90000048  }
0xb5: {  	_ =	sfence  }
0xb6: {  	s30 =	sld [smem:$0x0];
	_ =	sdelay $0x2  }
0xb7: {  	s31 =	sshll.u32 s1, $0xD;
	s1 =	sshrl.u32 s1, $0x2  }
0xb8: {  	s3 =	sand.u32 $0x4000, s31;
	s1 =	sadd.s32 s1, s30  }
0xb9: {  	s0 =	sor.u32 s3, s0;
	s1 =	sshll.u32 s1, $0x11  }
0xba: {  	s0 =	sor.u32 s1, s0  }
0xbb: {  	s0 =	sadd.s32 $0x8F2B, s0  }
0xbc: {  	[sflag:s0] =	ssyncadd.remote.s32 $0x1  }
0xbd: {  	_ =	sfence.sel $0xFFFF  }
0xbe: {  	[dreg:$0x0] =	wrdreg $0xFFFFFFFF;
	(pc) =	sbr.abs _section_cstart, $3  }
0xbf: {  	[dreg:$0x1] =	wrdreg $0xFFFFFFFF  }
0xc0: {  	_ =	task.clear_ibuf [dreg:s6], $0x2FFFF;
	_ =	strace $0x9FFFFFFF  }
0xc1: {  	(tm) =	ssettm $0x7FFFFFFF  }
tec
execute0_lowered:
.L_overlay_start_1:
0x0: {  	(tag) =	ssettag $0x1  }
0x1: {  	s5 =	rddreg [dreg:$0x0]  }
0x2: {  	s0 =	rddreg [dreg:$0x1];
	s2 =	simm.s32 $0x0;
	s1 =	stileid.u32  }
0x3: {  	s3 =	srdreg.scid;
	s12 =	simm.s32 $0x1;
	s7 =	smul.u32 $0x9400, s1  }
0x4: {  	s13 =	simm.s32 $0x0;
	s6 =	sand.u32 $0x1, s3;
	s9 =	smul.u32 $0x94000, s1  }
0x5: {  	[smem:$0x7FF] =	sst s2;
	s3 =	sadd.s32 $0x32A00, s5;
	s8 =	smul.u32 $0x4A00, s6  }
0x6: {  	s4 =	sadd.s32 $0x427200, s5;
	s29 =	ssub.s32 $0x2, s6;
	s6 =	smul.u32 $0x4A000, s6  }
0x7: {  	_ =	strace $0x80000047;
	s9 =	sadd.s32 s9, s5;
	s10 =	sshrl.u32 s29, $0x1  }
0x8: {  	s7 =	sadd.s32 s8, s7;
	s30 =	ssub.s32 s29, s10;
	s31 =	sadd.s32 s6, s9  }
0x9: {  	s10 =	simm.s32 $0x2;
	s7 =	sshrl.u32 s7, $0x3;
	s6 =	sadd.s32 $0x432A00, s31  }
0xa: {  	s8 =	sadd.s32 $0xD72A00, s31;
	s11 =	sadd.s32 s7, s5;
	s5 =	smax.u32 s30, $0x1  }
0xb: {  	s7 =	sadd.s32 $0x20200, s11;
	s9 =	sadd.s32 $0xDA00, s11;
	s11 =	simm.s32 $0x80  }
.LBB2_1:
0xc: {  	s14 =	sadd.s32 $0x0, s7  }
0xd: {  	[tilespmem:s2], [sflag:$0x2] =	stream.linear.gather [hbm4b:s14+s2], $0x80, $0x38;
	[tilespmem:$0x4080] =	vst v63  }
0xe: {  	_ =	swait.ge [sflag:s10], $0x80  }
0xf: {  	[sflag:s10] =	ssyncset.done $0x0  }
0x10: {  	[sflag:s10] =	ssyncadd.s32 $0xFFFFFF80  }
0x11: {  	[tilespmem:s11], [sflag:$0x1] =	stream.indirect.gather [hbm4b:s3+s11], $0x80, s2, s11, $0xb8;
	[tilespmem:$0x4080] =	vst v63  }
0x12: {  	_ =	swait.ge [sflag:s12], $0x4000  }
0x13: {  	[sflag:s12] =	ssyncset.done $0x0  }
0x14: {  	[sflag:s12] =	ssyncadd.s32 $0xFFFFC000  }
0x15: {  	[hbm4b:s6+s2] =	stream.linear.scatter [tilespmem:s11], [sflag:$0x2], $0x4000, $0x38;
	[tilespmem:$0x4080] =	vst v63  }
0x16: {  	s17 =	sadd.s32 $0x10, s7;
	_ =	swait.ge [sflag:s10], $0x4000  }
0x17: {  	s15 =	simm.s32 $0x20;
	s14 =	sadd.s32 $0x800, s6;
	[sflag:s10] =	ssyncset.done $0x0  }
.LBB2_2:
0x18: {  	s18 =	sadd.s32 s15, s7;
	s16 =	simm.s32 $0x0;
	[sflag:s10] =	ssyncadd.s32 $0xFFFFC000  }
0x19: {  	[tilespmem:s16], [sflag:$0x2] =	stream.linear.gather [hbm4b:s17+s16], $0x80, $0x38;
	[tilespmem:$0x4080] =	vst v63  }
0x1a: {  	p0 =	sne.s32 s15, $0x930;
	s15 =	sadd.s32 $0x10, s15;
	_ =	swait.ge [sflag:s10], $0x80  }
0x1b: {  	s17 =	smov.u32 s18;
	[sflag:s10] =	ssyncset.done $0x0  }
0x1c: {  	[sflag:s10] =	ssyncadd.s32 $0xFFFFFF80  }
0x1d: {  	[tilespmem:s11], [sflag:$0x1] =	stream.indirect.gather [hbm4b:s3+s11], $0x80, s16, s11, $0xb8;
	[tilespmem:$0x4080] =	vst v63  }
0x1e: {  	_ =	swait.ge [sflag:s12], $0x4000  }
.Ltmp0:
0x1f: {  	[sflag:s12] =	ssyncset.done $0x0;
	(pc) =	sbr.rel @p0 .LBB2_2-.Ltmp0, $4  }
0x20: {  	[sflag:s12] =	ssyncadd.s32 $0xFFFFC000  }
0x21: {  	[hbm4b:s14+s16] =	stream.linear.scatter [tilespmem:s11], [sflag:$0x2], $0x4000, $0x38;
	[tilespmem:$0x4080] =	vst v63  }
0x22: {  	_ =	swait.ge [sflag:s10], $0x4000  }
0x23: {  	s14 =	sadd.s32 $0x800, s14;
	[sflag:s10] =	ssyncset.done $0x0  }
0x24: {  	[sflag:s10] =	ssyncadd.s32 $0xFFFFC000  }
0x25: {  	[tilespmem:s16], [sflag:$0x2] =	stream.linear.gather [hbm4b:s17+s16], $0x80, $0x38;
	[tilespmem:$0x4080] =	vst v63  }
0x26: {  	_ =	swait.ge [sflag:s10], $0x80  }
0x27: {  	[sflag:s10] =	ssyncset.done $0x0  }
0x28: {  	[sflag:s10] =	ssyncadd.s32 $0xFFFFFF80  }
0x29: {  	[tilespmem:s11], [sflag:$0x1] =	stream.indirect.gather [hbm4b:s3+s11], $0x80, s16, s11, $0xb8;
	[tilespmem:$0x4080] =	vst v63  }
0x2a: {  	_ =	swait.ge [sflag:s12], $0x4000  }
0x2b: {  	p1 =	por $0x1, $0x1;
	[sflag:s12] =	ssyncset.done $0x0  }
.Ltmp1:
0x2c: {  	[sflag:s12] =	ssyncadd.s32 $0xFFFFC000;
	(pc) =	sbr.rel @!p1 .LBB2_8-.Ltmp1, $4  }
0x2d: {  	[hbm4b:s14+s16] =	stream.linear.scatter [tilespmem:s11], [sflag:$0x2], $0x4000, $0x38;
	[tilespmem:$0x4080] =	vst v63  }
0x2e: {  	_ =	swait.ge [sflag:s10], $0x4000  }
0x2f: {  	p0 =	por $0x0, $0x0;
	[sflag:s10] =	ssyncset.done $0x0  }
0x30: {  	s15 =	smov.u32 s8;
	s14 =	simm.s32 $0x10;
	[sflag:s10] =	ssyncadd.s32 $0xFFFFC000  }
0x31: {  	s15 =	sadd.s32 $0x0, s9  }
0x32: {  	[tilespmem:s2], [sflag:$0x2] =	stream.linear.gather [hbm4b:s15+s2], $0x80, $0x38;
	[tilespmem:$0x4080] =	vst v63  }
0x33: {  	_ =	swait.ge [sflag:s10], $0x80  }
0x34: {  	[sflag:s10] =	ssyncset.done $0x0  }
0x35: {  	[sflag:s10] =	ssyncadd.s32 $0xFFFFFF80  }
0x36: {  	[tilespmem:s11], [sflag:$0x1] =	stream.indirect.gather [hbm4b:s4+s11], $0x80, s2, s11, $0xb8;
	[tilespmem:$0x4080] =	vst v63  }
0x37: {  	p1 =	por $0x1, $0x1;
	_ =	swait.ge [sflag:s12], $0x4000  }
.Ltmp2:
0x38: {  	[sflag:s12] =	ssyncset.done $0x0;
	(pc) =	sbr.rel @!p1 .LBB2_5-.Ltmp2, $4  }
0x39: {  	[sflag:s12] =	ssyncadd.s32 $0xFFFFC000  }
0x3a: {  	[hbm4b:s8+s2] =	stream.linear.scatter [tilespmem:s11], [sflag:$0x2], $0x4000, $0x38;
	[tilespmem:$0x4080] =	vst v63  }
0x3b: {  	s16 =	simm.s32 $0x20;
	_ =	swait.ge [sflag:s10], $0x4000  }
0x3c: {  	p0 =	por $0x1, $0x1;
	s15 =	sadd.s32 $0x800, s8;
	[sflag:s10] =	ssyncset.done $0x0  }
.LBB2_6:
0x3d: {  	s17 =	sadd.s32 s14, s9  }
0x3e: {  	[sflag:s10] =	ssyncadd.s32 $0xFFFFC000;
	s14 =	smov.u32 s16;
	s18 =	sadd.s32 $0x10, s16  }
0x3f: {  	[tilespmem:s2], [sflag:$0x2] =	stream.linear.gather [hbm4b:s17+s2], $0x80, $0x38;
	[tilespmem:$0x4080] =	vst v63  }
0x40: {  	p1 =	sne.s32 s16, $0x930;
	_ =	swait.ge [sflag:s10], $0x80  }
0x41: {  	[sflag:s10] =	ssyncset.done $0x0  }
0x42: {  	[sflag:s10] =	ssyncadd.s32 $0xFFFFFF80  }
0x43: {  	[tilespmem:s11], [sflag:$0x1] =	stream.indirect.gather [hbm4b:s4+s11], $0x80, s2, s11, $0xb8;
	[tilespmem:$0x4080] =	vst v63  }
0x44: {  	_ =	swait.ge [sflag:s12], $0x4000  }
.Ltmp3:
0x45: {  	[sflag:s12] =	ssyncset.done $0x0;
	(pc) =	sbr.rel @p1 .LBB2_6-.Ltmp3, $4  }
0x46: {  	[sflag:s12] =	ssyncadd.s32 $0xFFFFC000  }
0x47: {  	[hbm4b:s15+s2] =	stream.linear.scatter [tilespmem:s11], [sflag:$0x2], $0x4000, $0x38;
	[tilespmem:$0x4080] =	vst v63  }
0x48: {  	_ =	swait.ge [sflag:s10], $0x4000  }
0x49: {  	s16 =	smov.u32 s18;
	s15 =	sadd.s32 $0x800, s15;
	[sflag:s10] =	ssyncset.done $0x0  }
0x4a: {  	s16 =	smov.u32 s14  }
.LBB2_8:
0x4b: {  	s14 =	sadd.s32 s16, s9;
	[sflag:s10] =	ssyncadd.s32 @p0 $0xFFFFC000  }
0x4c: {  	[tilespmem:s2], [sflag:$0x2] =	stream.linear.gather [hbm4b:s14+s2], $0x80, $0x38;
	[tilespmem:$0x4080] =	vst v63  }
0x4d: {  	_ =	swait.ge [sflag:s10], $0x80  }
0x4e: {  	[sflag:s10] =	ssyncset.done $0x0  }
0x4f: {  	[sflag:s10] =	ssyncadd.s32 $0xFFFFFF80  }
0x50: {  	[tilespmem:s11], [sflag:$0x1] =	stream.indirect.gather [hbm4b:s4+s11], $0x80, s2, s11, $0xb8;
	[tilespmem:$0x4080] =	vst v63  }
0x51: {  	_ =	swait.ge [sflag:s12], $0x4000  }
0x52: {  	s13 =	sadd.s32 $0x1, s13;
	[sflag:s12] =	ssyncset.done $0x0  }
0x53: {  	p0 =	sne.s32 s13, s5;
	[sflag:s12] =	ssyncadd.s32 $0xFFFFC000  }
0x54: {  	[hbm4b:s15+s2] =	stream.linear.scatter [tilespmem:s11], [sflag:$0x2], $0x4000, $0x38;
	[tilespmem:$0x4080] =	vst v63  }
.Ltmp4:
0x55: {  	_ = 	snop;
	(pc) =	sbr.rel @p0 .LBB2_1-.Ltmp4, $4  }
.Ltmp5:
0x56: {  	_ = 	snop;
	(pc) =	sbr.rel @!p0 .LBB2_9-.Ltmp5, $4  }
0x57: {  	_ =	swait.ge [sflag:s10], $0x4000  }
0x58: {  	[sflag:s10] =	ssyncset.done $0x0  }
0x59: {  	[sflag:s10] =	ssyncadd.s32 $0xFFFFC000  }
0x5a: {  	_ = 	snop  }
.LBB2_5:
.Ltmp6:
0x5b: {  	(pc) =	sbr.rel .LBB2_8-.Ltmp6, $2  }
0x5c: {  	_ =	sdelay $0x2  }
0x5d: {  	s16 =	simm.s32 $0x10  }
.LBB2_9:
0x5e: {  	_ =	sfence.sel $0x180000  }
0x5f: {  	[bflag:$0x0] =	sbarrier.arrive $0xFFFF  }
0x60: {  	p0 =	sne.s32 s1, $0x0;
	_ =	strace $0x90000047  }
0x61: {  	s0 =	sadd.s32 @!p0 $0x100000, s0;
	[bflag:$0x2] =	sbarrier.arrive $0xFFFF  }
0x62: {  	[sflag:s0] =	ssyncadd.tile.s32 @!p0 $0x1;
	_ =	shalt  }
.Lfunc_end2:
_tile_overlayer_lowered:
.L_overlay_start_2:
0x63: {  	(tag) =	ssettag $0x2  }
0x64: {  	s0 =	rddreg [dreg:$0x0];
	s2 =	stileid.u32  }
0x65: {  	s1 =	rddreg [dreg:$0x1];
	p0 =	sne.s32 s2, $0x0  }
0x66: {  	s3 =	rddreg [dreg:$0x2];
	[bflag:$0x3] =	sbarrier.arrive $0xFFFF;
	s2 =	simm.s32 @!p0 $0x1C02  }
0x67: {  	[timem:s3], [sflag:s2] =	dma.local @!p0 [hbm:s0], s1  }
0x68: {  	s0 =	simm.s32 @!p0 $0x2  }
0x69: {  	_ =	swait.ge @!p0 [sflag:s0], s1  }
0x6a: {  	s1 =	ssub.s32 @!p0 $0x0, s1;
	[sflag:s0] =	ssyncset.done @!p0 $0x0  }
0x6b: {  	[sflag:s0] =	ssyncadd.s32 @!p0 s1  }
0x6c: {  	[bflag:$0x3] =	sbarrier.arrive $0xFFFF  }
0x6d: {  	_ =	shalt  }

// kernel: kernel.23.cloned.1.call-start
scs
__scs_entry_jumppad:
0x0: {  	(pc) =	sbr.rel $0x88, $3  }
0x1: {  	(tag) =	ssettag $0x0;
	lr =	simm.s32 $0x1  }
0x2: {  	[smem:$0x3F54] =	sst lr;
	_ =	strace $0xD0000000  }
0x3: {  	_ = 	snop  }
0x4: {  	_ = 	snop  }
0x5: {  	_ = 	snop  }
0x6: {  	_ = 	snop  }
0x7: {  	_ = 	snop  }
__scs_overlays_trampoline_lowered:
0x8: {  	[smem:$0x3F63] =	sst s0  }
0x9: {  	[smem:$0x3F64] =	sst s1  }
0xa: {  	[smem:$0x3F65] =	sst s2  }
0xb: {  	[smem:$0x3F66] =	sst s3  }
0xc: {  	[smem:$0x3F67] =	sst s4  }
0xd: {  	[smem:$0x3F68] =	sst s5  }
0xe: {  	[smem:$0x3F69] =	sst s6  }
0xf: {  	[smem:$0x3F6A] =	sst s7  }
0x10: {  	[smem:$0x3F6B] =	sst s8  }
0x11: {  	[smem:$0x3F6C] =	sst s9;
	s0 =	simm.s32 @!p0 $0x0  }
0x12: {  	s1 =	sld [smem:$0x3F52];
	s0 =	simm.s32 @p0 $0x1  }
0x13: {  	[smem:$0x3F6D] =	sst s0;
	s0 =	simm.s32 @!p1 $0x0  }
0x14: {  	s2 =	sld [smem:$0x3F51];
	s0 =	simm.s32 @p1 $0x1  }
0x15: {  	[smem:$0x3F6E] =	sst s0;
	s0 =	simm.s32 @!p2 $0x0  }
0x16: {  	s3 =	sld [smem:$0x3FDB];
	s0 =	simm.s32 @p2 $0x1  }
0x17: {  	s4 =	simm.s32 $0x1BF5;
	[smem:$0x3F70] =	sst s0  }
0x18: {  	s0 =	sld [smem:$0x3F53];
	_ =	swait.ge [sflag:s4], $0x0  }
0x19: {  	s7 =	sld [smem:$0x3F54]  }
0x1a: {  	s8 =	sadd.s32 $0xFFFFE003, lr  }
0x1b: {  	s9 =	sadd.s32 $0xFFFFFEF7, lr;
	s5 =	simm.s32 $0xFFFFFFFF;
	p2 =	slt.u32 s8, $0xFFFFF086  }
0x1c: {  	p1 =	slt.u32 s9, $0xF7A;
	s5 =	simm.s32 @!p2 $0x0  }
0x1d: {  	s5 =	simm.s32 @p1 $0x1;
	p0 =	seq.s32 s7, s2  }
0x1e: {  	s7 =	smul.u32 @!p0 $0xF7A, s2;
	p2 =	seq.s32 @!p0 s5, $0x0  }
0x1f: {  	s9 =	smul.u32 $0xF7A, s1;
	s8 =	simm.s32 @!p0 $0x1BF5;
	p2 =	por !p2, p0  }
0x20: {  	[sflag:s8] =	ssyncset.s32 @!p0 $0xFFFFF086;
	s6 =	sadd.s32 @!p0 s3, s7;
	s7 =	simm.s32 @!p0 $0x108  }
0x21: {  	s3 =	sadd.s32 s3, s9;
	s6 =	sadd.s32 @!p0 $0x88, s6;
	s7 =	simm.s32 @p2 $0x1082  }
0x22: {  	[simem:s7], [sflag:s8] =	dma.local @!p0 [hbm:s6], $0xF7A  }
0x23: {  	s9 =	sor.u32 $0xD0000000, s2;
	s6 =	simm.s32 $0x108;
	_ =	swait.ge @!p0 [sflag:s8], $0x0  }
0x24: {  	s3 =	sadd.s32 $0x88, s3;
	s6 =	simm.s32 @!p1 $0x1082;
	[sflag:s4] =	ssyncset.s32 $0xFFFFF086  }
0x25: {  	[simem:s6], [sflag:s4] =	dma.local [hbm:s3], $0xF7A  }
0x26: {  	[smem:$0x3F54] =	sst s1;
	(tag) =	ssettag s2;
	_ =	strace s9  }
0x27: {  	s1 =	sld [smem:$0x3F64]  }
0x28: {  	s2 =	sld [smem:$0x3F65]  }
0x29: {  	s4 =	sld [smem:$0x3F67]  }
0x2a: {  	p0 =	seq.s32 s5, $0x0;
	s5 =	sld [smem:$0x3F68]  }
0x2b: {  	s6 =	sld [smem:$0x3F69]  }
0x2c: {  	s7 =	sld [smem:$0x3F6A]  }
0x2d: {  	s3 =	simm.s32 $0x108;
	s8 =	sld [smem:$0x3F6B]  }
0x2e: {  	s3 =	simm.s32 @!p0 $0x1082;
	s9 =	sld [smem:$0x3F6C]  }
0x2f: {  	lr =	sadd.s32 s0, s3;
	s0 =	sld [smem:$0x3F63]  }
0x30: {  	s3 =	sld [smem:$0x3F66]  }
0x31: {  	[smem:$0x3F6F] =	sst s10  }
0x32: {  	s10 =	sld [smem:$0x3F6D];
	_ =	sdelay $0x3  }
0x33: {  	p0 =	seq.s32 s10, $0x1;
	s10 =	sld [smem:$0x3F6F];
	_ =	sdelay $0x3  }
0x34: {  	[smem:$0x3F6F] =	sst s10  }
0x35: {  	s10 =	sld [smem:$0x3F6E];
	_ =	sdelay $0x3  }
0x36: {  	p1 =	seq.s32 s10, $0x1;
	s10 =	sld [smem:$0x3F6F];
	_ =	sdelay $0x3  }
0x37: {  	[smem:$0x3F6F] =	sst s10  }
0x38: {  	s10 =	sld [smem:$0x3F70]  }
0x39: {  	_ = 	snop;
	(pc) =	sbr.ind lr, $3  }
0x3a: {  	_ = 	snop  }
0x3b: {  	_ = 	snop  }
0x3c: {  	p2 =	seq.s32 s10, $0x1;
	s10 =	sld [smem:$0x3F6F]  }
0x3d: {  	_ =	shalt  }
0x3e: {  	_ =	shalt  }
0x3f: {  	_ =	shalt  }
0x40: {  	_ =	shalt  }
0x41: {  	_ =	shalt  }
0x42: {  	_ =	shalt  }
0x43: {  	_ =	shalt  }
0x44: {  	_ =	shalt  }
0x45: {  	_ =	shalt  }
0x46: {  	_ =	shalt  }
0x47: {  	_ =	shalt  }
0x48: {  	_ =	shalt  }
0x49: {  	_ =	shalt  }
0x4a: {  	_ =	shalt  }
0x4b: {  	_ =	shalt  }
0x4c: {  	_ =	shalt  }
0x4d: {  	_ =	shalt  }
0x4e: {  	_ =	shalt  }
0x4f: {  	_ =	shalt  }
0x50: {  	_ =	shalt  }
0x51: {  	_ =	shalt  }
0x52: {  	_ =	shalt  }
0x53: {  	_ =	shalt  }
0x54: {  	_ =	shalt  }
0x55: {  	_ =	shalt  }
0x56: {  	_ =	shalt  }
0x57: {  	_ =	shalt  }
0x58: {  	_ =	shalt  }
0x59: {  	_ =	shalt  }
0x5a: {  	_ =	shalt  }
0x5b: {  	_ =	shalt  }
0x5c: {  	_ =	shalt  }
0x5d: {  	_ =	shalt  }
0x5e: {  	_ =	shalt  }
0x5f: {  	_ =	shalt  }
0x60: {  	_ =	shalt  }
0x61: {  	_ =	shalt  }
0x62: {  	_ =	shalt  }
0x63: {  	_ =	shalt  }
0x64: {  	_ =	shalt  }
0x65: {  	_ =	shalt  }
0x66: {  	_ =	shalt  }
0x67: {  	_ =	shalt  }
0x68: {  	_ =	shalt  }
0x69: {  	_ =	shalt  }
0x6a: {  	_ =	shalt  }
0x6b: {  	_ =	shalt  }
0x6c: {  	_ =	shalt  }
0x6d: {  	_ =	shalt  }
0x6e: {  	_ =	shalt  }
0x6f: {  	_ =	shalt  }
0x70: {  	_ =	shalt  }
0x71: {  	_ =	shalt  }
0x72: {  	_ =	shalt  }
0x73: {  	_ =	shalt  }
0x74: {  	_ =	shalt  }
0x75: {  	_ =	shalt  }
0x76: {  	_ =	shalt  }
0x77: {  	_ =	shalt  }
0x78: {  	_ =	shalt  }
0x79: {  	_ =	shalt  }
0x7a: {  	_ =	shalt  }
0x7b: {  	_ =	shalt  }
0x7c: {  	_ =	shalt  }
0x7d: {  	_ =	shalt  }
0x7e: {  	_ =	shalt  }
0x7f: {  	_ =	shalt  }
0x80: {  	_ =	shalt  }
0x81: {  	_ =	shalt  }
0x82: {  	_ =	shalt  }
0x83: {  	_ =	shalt  }
0x84: {  	_ =	shalt  }
0x85: {  	_ =	shalt  }
0x86: {  	_ =	shalt  }
0x87: {  	_ =	shalt  }
.Lfunc_end0:
.L_simem_size_0:
called_computation.1_lowered:
.L_overlay_start_0:
0x88: {  	s2 =	sld [smem:$0x3FD9]  }
0x89: {  	s3 =	sld [smem:$0x3FFE];
	_ =	sdelay $0x1  }
0x8a: {  	s1 =	srdreg.scid  }
0x8b: {  	s0 =	sand.u32 $0x1, s1  }
0x8c: {  	s16 =	sshll.u32 s0, $0xA;
	s2 =	sadd.s32 s3, s2  }
0x8d: {  	s2 =	sadd.s32 s2, s16  }
0x8e: {  	[smem:$0x3F7B] =	sst s2  }
0x8f: {  	_ = 	snop  }
0x90: {  	(tm) =	ssettm $0x1  }
0x91: {  	s17 =	sld [smem:$0x3FFB];
	_ =	sdelay $0x3  }
0x92: {  	_ =	strace s17  }
0x93: {  	s2 =	sld [smem:$0x3FFC];
	_ =	sdelay $0x3  }
0x94: {  	_ =	strace s2  }
0x95: {  	s2 =	sld [smem:$0x3FFD];
	_ =	sdelay $0x3  }
0x96: {  	_ =	strace s2  }
0x97: {  	_ =	strace $0x8FFFFFFF  }
0x98: {  	s18 =	sld [smem:$0x3FDB];
	_ =	sdelay $0x1  }
0x99: {  	s19 =	simm.s32 $_scs_section_size  }
0x9a: {  	s4 =	simm.s32 $_size__tile_overlayer_lowered;
	s5 =	simm.s32 $_tile_overlayer_lowered  }
0x9b: {  	s22 =	simm.s32 $0x1BFF;
	s21 =	sshll.u32 s5, $0x1;
	s2 =	sadd.s32 s19, s18  }
0x9c: {  	s6 =	simm.s32 $0x0;
	s20 =	sshll.u32 s4, $0x1;
	s4 =	sadd.s32 s21, s2  }
0x9d: {  	[timem:s6], [sflag:s22] =	dma.local [hbm:s4], s20  }
0x9e: {  	_ =	swait.ge [sflag:s22], s20  }
0x9f: {  	s3 =	ssub.s32 $0x0, s20;
	[sflag:s22] =	ssyncset.done $0x0  }
0xa0: {  	[sflag:s22] =	ssyncadd.s32 s3;
	_ =	sdelay $0x1  }
0xa1: {  	s23 =	simm.s32 $0x1B8B  }
0xa2: {  	_ =	swait.ge [sflag:s23], $0x1  }
0xa3: {  	[sflag:s23] =	ssyncset.done $0x0  }
0xa4: {  	s25 =	simm.s32 $0x1B8E;
	s24 =	sld [smem:$0x3FFE];
	[sflag:s23] =	ssyncadd.s32 $0xFFFFFFFF  }
0xa5: {  	s26 =	simm.s32 $execute0_lowered;
	[smem:$0x3FD2] =	sst s25  }
0xa6: {  	s4 =	sshll.u32 s26, $0x1;
	_ =	strace $0x80000049;
	[dreg:$0x1] =	wrdreg $0xFFFFFFFF  }
0xa7: {  	s28 =	simm.s32 $_size_execute0_lowered;
	s2 =	sadd.s32 s2, s4;
	[dreg:$0x0] =	wrdreg $0x0  }
0xa8: {  	s4 =	sshll.u32 s28, $0x1;
	[dreg:$0x2] =	wrdreg s2  }
0xa9: {  	[dreg:$0x3] =	wrdreg s4  }
0xaa: {  	[dreg:$0x4] =	wrdreg $0xC0  }
0xab: {  	_ =	task [dreg:s6], $0x5FFFF  }
0xac: {  	[dreg:$0x1] =	wrdreg $0xFFFFFFFF  }
0xad: {  	[dreg:$0x0] =	wrdreg $0x60  }
0xae: {  	[dreg:$0x2] =	wrdreg s24  }
0xaf: {  	[dreg:$0x3] =	wrdreg $0x40800  }
0xb0: {  	[dreg:$0x4] =	wrdreg $0x9  }
0xb1: {  	_ =	task.clear_ibuf [dreg:s6], $0x5FFFF;
	_ =	strace $0x90000049  }
0xb2: {  	s29 =	simm.s32 $0x9;
	_ =	strace $0x8000004B  }
0xb3: {  	_ =	swait.ge [sflag:s29], $0x1  }
0xb4: {  	[sflag:s29] =	ssyncadd.s32 $0xFFFFFFFF  }
0xb5: {  	_ =	strace $0x9000004B  }
0xb6: {  	_ =	sfence  }
0xb7: {  	s30 =	sld [smem:$0x0];
	_ =	sdelay $0x2  }
0xb8: {  	s31 =	sshll.u32 s1, $0xD;
	s1 =	sshrl.u32 s1, $0x2  }
0xb9: {  	s3 =	sand.u32 $0x4000, s31;
	s1 =	sadd.s32 s1, s30  }
0xba: {  	s0 =	sor.u32 s3, s0;
	s1 =	sshll.u32 s1, $0x11  }
0xbb: {  	s0 =	sor.u32 s1, s0  }
0xbc: {  	s0 =	sadd.s32 $0x8F2B, s0  }
0xbd: {  	[sflag:s0] =	ssyncadd.remote.s32 $0x1  }
0xbe: {  	_ =	sfence.sel $0xFFFF  }
0xbf: {  	[dreg:$0x0] =	wrdreg $0xFFFFFFFF;
	(pc) =	sbr.abs _section_cstart, $3  }
0xc0: {  	[dreg:$0x1] =	wrdreg $0xFFFFFFFF  }
0xc1: {  	_ =	task.clear_ibuf [dreg:s6], $0x2FFFF;
	_ =	strace $0x9FFFFFFF  }
0xc2: {  	(tm) =	ssettm $0x7FFFFFFF  }
0xc3: {  	_ =	shalt  }
tec
execute0_lowered:
.L_overlay_start_1:
0x0: {  	(tag) =	ssettag $0x1  }
0x1: {  	s12 =	stileid.u32;
	s4 =	rddreg [dreg:$0x0]  }
0x2: {  	s0 =	srdreg.scid;
	s1 =	rddreg [dreg:$0x1];
	s2 =	simm.s32 $0x0  }
0x3: {  	s5 =	sand.u32 $0x1, s0;
	s3 =	smul.u32 $0x9400, s12;
	s0 =	rddreg [dreg:$0x2]  }
0x4: {  	[smem:$0x7FF] =	sst s2;
	s7 =	smul.u32 $0x94000, s12;
	s10 =	sshll.u32 s12, $0xE  }
0x5: {  	s11 =	sadd.s32 $0x43E200, s4;
	p0 =	sne.s32 s12, $0x0;
	s31 =	sshll.u32 s12, $0x6  }
0x6: {  	p1 =	sgt.u32 s12, $0x6;
	s6 =	smul.u32 $0x4A00, s5;
	_ =	strace $0x8000004A  }
0x7: {  	s28 =	ssub.s32 $0x2, s5;
	s9 =	smul.u32 $0x5C000, s5;
	s13 =	sor.u32 $0x40000, s10  }
0x8: {  	s14 =	smul.u32 $0x4A000, s5;
	s15 =	sadd.s32 s10, s1;
	s12 =	sor.u32 $0x1C01, s31  }
0x9: {  	s7 =	sadd.s32 s7, s4;
	s29 =	sshrl.u32 s28, $0x1;
	s16 =	sadd.s32 s13, s1  }
0xa: {  	s3 =	sadd.s32 s6, s3;
	s6 =	ssub.s32 s28, s29;
	s30 =	sadd.s32 s10, s9  }
0xb: {  	s9 =	sadd.s32 s9, s13;
	s7 =	sadd.s32 s14, s7;
	s10 =	simm.s32 $0x1  }
0xc: {  	s13 =	sshrl.u32 s15, $0x3;
	s14 =	sshrl.u32 @!p1 s16, $0x3;
	s15 =	simm.s32 $0x0  }
0xd: {  	s3 =	sshrl.u32 s3, $0x3;
	s9 =	sshrl.u32 s9, $0x3;
	s6 =	smax.u32 s6, $0x1  }
0xe: {  	s7 =	sadd.s32 $0x16B2A00, s7;
	s8 =	sadd.s32 s3, s4;
	s3 =	sadd.s32 $0x432A00, s4  }
0xf: {  	s4 =	sshrl.u32 s30, $0x3;
	s5 =	sadd.s32 s11, s9;
	s9 =	sshrl.u32 @!p0 s1, $0x3  }
0x10: {  	s4 =	sadd.s32 s11, s4;
	s8 =	sadd.s32 $0xDA00, s8;
	s11 =	simm.s32 $0x80  }
.LBB2_1:
0x11: {  	s16 =	simm.s32 @!p0 $0x1C01  }
0x12: {  	[spmem:s9], [sflag:s16] =	dma.local @!p0 [hbm:s3], $0xB800  }
0x13: {  	s16 =	simm.s32 @!p0 $0x1  }
0x14: {  	_ =	swait.ge @!p0 [sflag:s16], $0xB800  }
0x15: {  	[sflag:s16] =	ssyncset.done @!p0 $0x0  }
0x16: {  	[sflag:s16] =	ssyncadd.s32 @!p0 $0xFFFF4800  }
0x17: {  	s31 =	sadd.s32 $0x0, s8;
	[bflag:$0x0] =	sbarrier.arrive $0xFFFF  }
0x18: {  	[tilespmem:s2], [sflag:$0x1] =	stream.linear.gather [hbm4b:s31+s2], $0x80, $0x38;
	[tilespmem:$0x9C80] =	vst v63  }
0x19: {  	_ =	swait.ge [sflag:s10], $0x80  }
0x1a: {  	[sflag:s10] =	ssyncset.done $0x0  }
0x1b: {  	[sflag:s10] =	ssyncadd.s32 $0xFFFFFF80  }
0x1c: {  	[tilespmem:s11], [sflag:$0x1] =	stream.linear.gather [hbm4b:s7+s2], $0x4000, $0x38;
	[tilespmem:$0x9C80] =	vst v63  }
0x1d: {  	_ =	swait.ge [sflag:s10], $0x4000  }
0x1e: {  	[sflag:s10] =	ssyncset.done $0x0  }
0x1f: {  	[sflag:s10] =	ssyncadd.s32 $0xFFFFC000  }
0x20: {  	[spmem:s1] =	stream.indirect.scatter.add.f32 [tilespmem:s11], [sflag:$0x1], $0x80, s2, s11, $0xb8;
	[tilespmem:$0x9C80] =	vst v63  }
0x21: {  	s17 =	simm.s32 $0x10;
	_ =	swait.ge [sflag:s10], $0x4000  }
0x22: {  	s18 =	simm.s32 $0x20;
	s16 =	sadd.s32 $0x800, s7;
	[sflag:s10] =	ssyncset.done $0x0  }
.LBB2_2:
0x23: {  	s19 =	sadd.s32 s17, s8  }
0x24: {  	[sflag:s10] =	ssyncadd.s32 $0xFFFFC000;
	s17 =	smov.u32 s18;
	s20 =	sadd.s32 $0x10, s18  }
0x25: {  	[tilespmem:s2], [sflag:$0x1] =	stream.linear.gather [hbm4b:s19+s2], $0x80, $0x38;
	[tilespmem:$0x9C80] =	vst v63  }
0x26: {  	p2 =	sne.s32 s18, $0x930;
	_ =	swait.ge [sflag:s10], $0x80  }
0x27: {  	[sflag:s10] =	ssyncset.done $0x0  }
0x28: {  	[sflag:s10] =	ssyncadd.s32 $0xFFFFFF80  }
0x29: {  	[tilespmem:s11], [sflag:$0x1] =	stream.linear.gather [hbm4b:s16+s2], $0x4000, $0x38;
	[tilespmem:$0x9C80] =	vst v63  }
0x2a: {  	_ =	swait.ge [sflag:s10], $0x4000  }
.Ltmp0:
0x2b: {  	[sflag:s10] =	ssyncset.done $0x0;
	(pc) =	sbr.rel @p2 .LBB2_2-.Ltmp0, $4  }
0x2c: {  	[sflag:s10] =	ssyncadd.s32 $0xFFFFC000  }
0x2d: {  	[spmem:s1] =	stream.indirect.scatter.add.f32 [tilespmem:s11], [sflag:$0x1], $0x80, s2, s11, $0xb8;
	[tilespmem:$0x9C80] =	vst v63  }
0x2e: {  	_ =	swait.ge [sflag:s10], $0x4000  }
0x2f: {  	s18 =	smov.u32 s20;
	s16 =	sadd.s32 $0x800, s16;
	[sflag:s10] =	ssyncset.done $0x0  }
0x30: {  	s17 =	sadd.s32 s17, s8;
	[sflag:s10] =	ssyncadd.s32 $0xFFFFC000  }
0x31: {  	[tilespmem:s2], [sflag:$0x1] =	stream.linear.gather [hbm4b:s17+s2], $0x80, $0x38;
	[tilespmem:$0x9C80] =	vst v63  }
0x32: {  	_ =	swait.ge [sflag:s10], $0x80  }
0x33: {  	[sflag:s10] =	ssyncset.done $0x0  }
0x34: {  	[sflag:s10] =	ssyncadd.s32 $0xFFFFFF80  }
0x35: {  	[tilespmem:s11], [sflag:$0x1] =	stream.linear.gather [hbm4b:s16+s2], $0x4000, $0x38;
	[tilespmem:$0x9C80] =	vst v63  }
0x36: {  	_ =	swait.ge [sflag:s10], $0x4000  }
0x37: {  	[sflag:s10] =	ssyncset.done $0x0  }
0x38: {  	[sflag:s10] =	ssyncadd.s32 $0xFFFFC000  }
0x39: {  	[spmem:s1] =	stream.indirect.scatter.add.f32 [tilespmem:s11], [sflag:$0x1], $0x80, s2, s11, $0xb8;
	[tilespmem:$0x9C80] =	vst v63  }
0x3a: {  	_ =	swait.ge [sflag:s10], $0x4000  }
0x3b: {  	[sflag:s10] =	ssyncset.done $0x0  }
0x3c: {  	[sflag:s10] =	ssyncadd.s32 $0xFFFFC000  }
0x3d: {  	[bflag:$0x0] =	sbarrier.arrive $0xFFFF  }
0x3e: {  	[hbm:s4], [sflag:s12] =	dma.local [spmem:s13], $0x800  }
0x3f: {  	s15 =	sadd.s32 $0x1, s15;
	_ =	swait.ge [sflag:s10], $0x800  }
0x40: {  	p2 =	sne.s32 s15, s6;
	[sflag:s10] =	ssyncset.done $0x0  }
.Ltmp1:
0x41: {  	s16 =	simm.s32 @!p1 $0x1;
	[sflag:s10] =	ssyncadd.s32 $0xFFFFF800;
	(pc) =	sbr.rel @p2 .LBB2_1-.Ltmp1, $4  }
0x42: {  	[hbm:s5], [sflag:s12] =	dma.local @!p1 [spmem:s14], $0x800  }
0x43: {  	_ =	swait.ge @!p1 [sflag:s16], $0x800  }
0x44: {  	[sflag:s16] =	ssyncset.done @!p1 $0x0  }
0x45: {  	[sflag:s16] =	ssyncadd.s32 @!p1 $0xFFFFF800  }
0x46: {  	_ =	sfence.sel $0x180000  }
0x47: {  	[bflag:$0x0] =	sbarrier.arrive $0xFFFF  }
0x48: {  	_ =	strace $0x9000004A  }
0x49: {  	s0 =	sadd.s32 @!p0 $0x100000, s0;
	[bflag:$0x2] =	sbarrier.arrive $0xFFFF  }
0x4a: {  	[sflag:s0] =	ssyncadd.tile.s32 @!p0 $0x1;
	_ =	shalt  }
.Lfunc_end2:
_tile_overlayer_lowered:
.L_overlay_start_2:
0x4b: {  	(tag) =	ssettag $0x2  }
0x4c: {  	s0 =	rddreg [dreg:$0x0];
	s2 =	stileid.u32  }
0x4d: {  	s1 =	rddreg [dreg:$0x1];
	p0 =	sne.s32 s2, $0x0  }
0x4e: {  	s3 =	rddreg [dreg:$0x2];
	[bflag:$0x3] =	sbarrier.arrive $0xFFFF;
	s2 =	simm.s32 @!p0 $0x1C01  }
0x4f: {  	[timem:s3], [sflag:s2] =	dma.local @!p0 [hbm:s0], s1  }
0x50: {  	s0 =	simm.s32 @!p0 $0x1  }
0x51: {  	_ =	swait.ge @!p0 [sflag:s0], s1  }
0x52: {  	s1 =	ssub.s32 @!p0 $0x0, s1;
	[sflag:s0] =	ssyncset.done @!p0 $0x0  }
0x53: {  	[sflag:s0] =	ssyncadd.s32 @!p0 s1  }
0x54: {  	[bflag:$0x3] =	sbarrier.arrive $0xFFFF  }
0x55: {  	_ =	shalt  }

// kernel: kernel.26.cloned.1.call-start
scs
__scs_entry_jumppad:
0x0: {  	(pc) =	sbr.rel $0x88, $3  }
0x1: {  	(tag) =	ssettag $0x0;
	lr =	simm.s32 $0x1  }
0x2: {  	[smem:$0x3F54] =	sst lr;
	_ =	strace $0xD0000000  }
0x3: {  	_ = 	snop  }
0x4: {  	_ = 	snop  }
0x5: {  	_ = 	snop  }
0x6: {  	_ = 	snop  }
0x7: {  	_ = 	snop  }
__scs_overlays_trampoline_lowered:
0x8: {  	[smem:$0x3F63] =	sst s0  }
0x9: {  	[smem:$0x3F64] =	sst s1  }
0xa: {  	[smem:$0x3F65] =	sst s2  }
0xb: {  	[smem:$0x3F66] =	sst s3  }
0xc: {  	[smem:$0x3F67] =	sst s4  }
0xd: {  	[smem:$0x3F68] =	sst s5  }
0xe: {  	[smem:$0x3F69] =	sst s6  }
0xf: {  	[smem:$0x3F6A] =	sst s7  }
0x10: {  	[smem:$0x3F6B] =	sst s8  }
0x11: {  	[smem:$0x3F6C] =	sst s9;
	s0 =	simm.s32 @!p0 $0x0  }
0x12: {  	s1 =	sld [smem:$0x3F52];
	s0 =	simm.s32 @p0 $0x1  }
0x13: {  	[smem:$0x3F6D] =	sst s0;
	s0 =	simm.s32 @!p1 $0x0  }
0x14: {  	s2 =	sld [smem:$0x3F51];
	s0 =	simm.s32 @p1 $0x1  }
0x15: {  	[smem:$0x3F6E] =	sst s0;
	s0 =	simm.s32 @!p2 $0x0  }
0x16: {  	s3 =	sld [smem:$0x3FDB];
	s0 =	simm.s32 @p2 $0x1  }
0x17: {  	s4 =	simm.s32 $0x1BF5;
	[smem:$0x3F70] =	sst s0  }
0x18: {  	s0 =	sld [smem:$0x3F53];
	_ =	swait.ge [sflag:s4], $0x0  }
0x19: {  	s7 =	sld [smem:$0x3F54]  }
0x1a: {  	s8 =	sadd.s32 $0xFFFFE003, lr  }
0x1b: {  	s9 =	sadd.s32 $0xFFFFFEF7, lr;
	s5 =	simm.s32 $0xFFFFFFFF;
	p2 =	slt.u32 s8, $0xFFFFF086  }
0x1c: {  	p1 =	slt.u32 s9, $0xF7A;
	s5 =	simm.s32 @!p2 $0x0  }
0x1d: {  	s5 =	simm.s32 @p1 $0x1;
	p0 =	seq.s32 s7, s2  }
0x1e: {  	s7 =	smul.u32 @!p0 $0xF7A, s2;
	p2 =	seq.s32 @!p0 s5, $0x0  }
0x1f: {  	s9 =	smul.u32 $0xF7A, s1;
	s8 =	simm.s32 @!p0 $0x1BF5;
	p2 =	por !p2, p0  }
0x20: {  	[sflag:s8] =	ssyncset.s32 @!p0 $0xFFFFF086;
	s6 =	sadd.s32 @!p0 s3, s7;
	s7 =	simm.s32 @!p0 $0x108  }
0x21: {  	s3 =	sadd.s32 s3, s9;
	s6 =	sadd.s32 @!p0 $0x88, s6;
	s7 =	simm.s32 @p2 $0x1082  }
0x22: {  	[simem:s7], [sflag:s8] =	dma.local @!p0 [hbm:s6], $0xF7A  }
0x23: {  	s9 =	sor.u32 $0xD0000000, s2;
	s6 =	simm.s32 $0x108;
	_ =	swait.ge @!p0 [sflag:s8], $0x0  }
0x24: {  	s3 =	sadd.s32 $0x88, s3;
	s6 =	simm.s32 @!p1 $0x1082;
	[sflag:s4] =	ssyncset.s32 $0xFFFFF086  }
0x25: {  	[simem:s6], [sflag:s4] =	dma.local [hbm:s3], $0xF7A  }
0x26: {  	[smem:$0x3F54] =	sst s1;
	(tag) =	ssettag s2;
	_ =	strace s9  }
0x27: {  	s1 =	sld [smem:$0x3F64]  }
0x28: {  	s2 =	sld [smem:$0x3F65]  }
0x29: {  	s4 =	sld [smem:$0x3F67]  }
0x2a: {  	p0 =	seq.s32 s5, $0x0;
	s5 =	sld [smem:$0x3F68]  }
0x2b: {  	s6 =	sld [smem:$0x3F69]  }
0x2c: {  	s7 =	sld [smem:$0x3F6A]  }
0x2d: {  	s3 =	simm.s32 $0x108;
	s8 =	sld [smem:$0x3F6B]  }
0x2e: {  	s3 =	simm.s32 @!p0 $0x1082;
	s9 =	sld [smem:$0x3F6C]  }
0x2f: {  	lr =	sadd.s32 s0, s3;
	s0 =	sld [smem:$0x3F63]  }
0x30: {  	s3 =	sld [smem:$0x3F66]  }
0x31: {  	[smem:$0x3F6F] =	sst s10  }
0x32: {  	s10 =	sld [smem:$0x3F6D];
	_ =	sdelay $0x3  }
0x33: {  	p0 =	seq.s32 s10, $0x1;
	s10 =	sld [smem:$0x3F6F];
	_ =	sdelay $0x3  }
0x34: {  	[smem:$0x3F6F] =	sst s10  }
0x35: {  	s10 =	sld [smem:$0x3F6E];
	_ =	sdelay $0x3  }
0x36: {  	p1 =	seq.s32 s10, $0x1;
	s10 =	sld [smem:$0x3F6F];
	_ =	sdelay $0x3  }
0x37: {  	[smem:$0x3F6F] =	sst s10  }
0x38: {  	s10 =	sld [smem:$0x3F70]  }
0x39: {  	_ = 	snop;
	(pc) =	sbr.ind lr, $3  }
0x3a: {  	_ = 	snop  }
0x3b: {  	_ = 	snop  }
0x3c: {  	p2 =	seq.s32 s10, $0x1;
	s10 =	sld [smem:$0x3F6F]  }
0x3d: {  	_ =	shalt  }
0x3e: {  	_ =	shalt  }
0x3f: {  	_ =	shalt  }
0x40: {  	_ =	shalt  }
0x41: {  	_ =	shalt  }
0x42: {  	_ =	shalt  }
0x43: {  	_ =	shalt  }
0x44: {  	_ =	shalt  }
0x45: {  	_ =	shalt  }
0x46: {  	_ =	shalt  }
0x47: {  	_ =	shalt  }
0x48: {  	_ =	shalt  }
0x49: {  	_ =	shalt  }
0x4a: {  	_ =	shalt  }
0x4b: {  	_ =	shalt  }
0x4c: {  	_ =	shalt  }
0x4d: {  	_ =	shalt  }
0x4e: {  	_ =	shalt  }
0x4f: {  	_ =	shalt  }
0x50: {  	_ =	shalt  }
0x51: {  	_ =	shalt  }
0x52: {  	_ =	shalt  }
0x53: {  	_ =	shalt  }
0x54: {  	_ =	shalt  }
0x55: {  	_ =	shalt  }
0x56: {  	_ =	shalt  }
0x57: {  	_ =	shalt  }
0x58: {  	_ =	shalt  }
0x59: {  	_ =	shalt  }
0x5a: {  	_ =	shalt  }
0x5b: {  	_ =	shalt  }
0x5c: {  	_ =	shalt  }
0x5d: {  	_ =	shalt  }
0x5e: {  	_ =	shalt  }
0x5f: {  	_ =	shalt  }
0x60: {  	_ =	shalt  }
0x61: {  	_ =	shalt  }
0x62: {  	_ =	shalt  }
0x63: {  	_ =	shalt  }
0x64: {  	_ =	shalt  }
0x65: {  	_ =	shalt  }
0x66: {  	_ =	shalt  }
0x67: {  	_ =	shalt  }
0x68: {  	_ =	shalt  }
0x69: {  	_ =	shalt  }
0x6a: {  	_ =	shalt  }
0x6b: {  	_ =	shalt  }
0x6c: {  	_ =	shalt  }
0x6d: {  	_ =	shalt  }
0x6e: {  	_ =	shalt  }
0x6f: {  	_ =	shalt  }
0x70: {  	_ =	shalt  }
0x71: {  	_ =	shalt  }
0x72: {  	_ =	shalt  }
0x73: {  	_ =	shalt  }
0x74: {  	_ =	shalt  }
0x75: {  	_ =	shalt  }
0x76: {  	_ =	shalt  }
0x77: {  	_ =	shalt  }
0x78: {  	_ =	shalt  }
0x79: {  	_ =	shalt  }
0x7a: {  	_ =	shalt  }
0x7b: {  	_ =	shalt  }
0x7c: {  	_ =	shalt  }
0x7d: {  	_ =	shalt  }
0x7e: {  	_ =	shalt  }
0x7f: {  	_ =	shalt  }
0x80: {  	_ =	shalt  }
0x81: {  	_ =	shalt  }
0x82: {  	_ =	shalt  }
0x83: {  	_ =	shalt  }
0x84: {  	_ =	shalt  }
0x85: {  	_ =	shalt  }
0x86: {  	_ =	shalt  }
0x87: {  	_ =	shalt  }
.Lfunc_end0:
.L_simem_size_0:
called_computation.2_lowered:
.L_overlay_start_0:
0x88: {  	s2 =	sld [smem:$0x3FD9]  }
0x89: {  	s3 =	sld [smem:$0x3FFE];
	_ =	sdelay $0x1  }
0x8a: {  	s1 =	srdreg.scid  }
0x8b: {  	s0 =	sand.u32 $0x1, s1  }
0x8c: {  	s17 =	sshll.u32 s0, $0xA;
	s2 =	sadd.s32 s3, s2  }
0x8d: {  	s2 =	sadd.s32 s2, s17  }
0x8e: {  	[smem:$0x3F7B] =	sst s2  }
0x8f: {  	_ = 	snop  }
0x90: {  	s2 =	sld [smem:$0x3FD0];
	(tm) =	ssettm $0x1  }
0x91: {  	s18 =	sld [smem:$0x3FFB];
	_ =	sdelay $0x3  }
0x92: {  	_ =	strace s18  }
0x93: {  	s3 =	sld [smem:$0x3FFC];
	_ =	sdelay $0x3  }
0x94: {  	_ =	strace s3  }
0x95: {  	s3 =	sld [smem:$0x3FFD];
	_ =	sdelay $0x3  }
0x96: {  	_ =	strace s3  }
0x97: {  	_ =	strace $0x8FFFFFFF  }
0x98: {  	s19 =	sld [smem:$0x3FDB];
	_ =	sdelay $0x1  }
0x99: {  	s4 =	simm.s32 $_scs_section_size  }
0x9a: {  	s5 =	simm.s32 $_size__tile_overlayer_lowered;
	s6 =	simm.s32 $_tile_overlayer_lowered  }
0x9b: {  	s22 =	simm.s32 $0x1BFF;
	s21 =	sshll.u32 s6, $0x1;
	s3 =	sadd.s32 s4, s19  }
0x9c: {  	s7 =	simm.s32 $0x0;
	s20 =	sshll.u32 s5, $0x1;
	s5 =	sadd.s32 s21, s3  }
0x9d: {  	[timem:s7], [sflag:s22] =	dma.local [hbm:s5], s20  }
0x9e: {  	_ =	swait.ge [sflag:s22], s20  }
0x9f: {  	s4 =	ssub.s32 $0x0, s20;
	[sflag:s22] =	ssyncset.done $0x0  }
0xa0: {  	[sflag:s22] =	ssyncadd.s32 s4;
	_ =	sdelay $0x1  }
0xa1: {  	s23 =	simm.s32 $0x1B8B  }
0xa2: {  	_ =	swait.ge [sflag:s23], $0x1  }
0xa3: {  	[sflag:s23] =	ssyncset.done $0x0  }
0xa4: {  	s25 =	simm.s32 $0x1B8E;
	s24 =	sld [smem:$0x3FFE];
	[sflag:s23] =	ssyncadd.s32 $0xFFFFFFFF  }
0xa5: {  	s26 =	simm.s32 $execute0_lowered;
	[smem:$0x3FD2] =	sst s25  }
0xa6: {  	s5 =	sshll.u32 s26, $0x1;
	_ =	strace $0x8000004C;
	[dreg:$0x1] =	wrdreg $0xFFFFFFFF  }
0xa7: {  	s28 =	simm.s32 $_size_execute0_lowered;
	s3 =	sadd.s32 s3, s5;
	[dreg:$0x0] =	wrdreg $0x0  }
0xa8: {  	s5 =	sshll.u32 s28, $0x1;
	[dreg:$0x2] =	wrdreg s3  }
0xa9: {  	[dreg:$0x3] =	wrdreg s5  }
0xaa: {  	[dreg:$0x4] =	wrdreg $0xC0  }
0xab: {  	_ =	task [dreg:s7], $0x5FFFF  }
0xac: {  	[dreg:$0x1] =	wrdreg $0xFFFFFFFF  }
0xad: {  	[dreg:$0x0] =	wrdreg $0x60  }
0xae: {  	[dreg:$0x2] =	wrdreg s2  }
0xaf: {  	[dreg:$0x3] =	wrdreg s24  }
0xb0: {  	[dreg:$0x4] =	wrdreg $0x9  }
0xb1: {  	_ =	task.clear_ibuf [dreg:s7], $0x5FFFF;
	_ =	strace $0x9000004C  }
0xb2: {  	s29 =	simm.s32 $0x9;
	_ =	strace $0x8000004E  }
0xb3: {  	_ =	swait.ge [sflag:s29], $0x1  }
0xb4: {  	[sflag:s29] =	ssyncadd.s32 $0xFFFFFFFF  }
0xb5: {  	_ =	strace $0x9000004E  }
0xb6: {  	_ =	sfence  }
0xb7: {  	s30 =	sld [smem:$0x0];
	_ =	sdelay $0x2  }
0xb8: {  	s31 =	sshll.u32 s1, $0xD;
	s1 =	sshrl.u32 s1, $0x2  }
0xb9: {  	s3 =	sand.u32 $0x4000, s31;
	s1 =	sadd.s32 s1, s30  }
0xba: {  	s0 =	sor.u32 s3, s0;
	s1 =	sshll.u32 s1, $0x11  }
0xbb: {  	s0 =	sor.u32 s1, s0  }
0xbc: {  	s0 =	sadd.s32 $0x8F2B, s0  }
0xbd: {  	[sflag:s0] =	ssyncadd.remote.s32 $0x1  }
0xbe: {  	_ =	sfence.sel $0xFFFF  }
0xbf: {  	[dreg:$0x0] =	wrdreg $0xFFFFFFFF;
	(pc) =	sbr.abs _section_cstart, $3  }
0xc0: {  	[dreg:$0x1] =	wrdreg $0xFFFFFFFF  }
0xc1: {  	_ =	task.clear_ibuf [dreg:s7], $0x2FFFF;
	_ =	strace $0x9FFFFFFF  }
0xc2: {  	(tm) =	ssettm $0x7FFFFFFF  }
0xc3: {  	_ =	shalt  }
tec
execute0_lowered:
.L_overlay_start_1:
0x0: {  	(tag) =	ssettag $0x1  }
0x1: {  	s2 =	rddreg [dreg:$0x0]  }
0x2: {  	s5 =	rddreg [dreg:$0x1]  }
0x3: {  	s0 =	rddreg [dreg:$0x2];
	s1 =	stileid.u32  }
0x4: {  	s4 =	srdreg.scid;
	s3 =	simm.s32 $0x0;
	s7 =	smul.u32 $0x9400, s1  }
0x5: {  	s12 =	simm.s32 $0x1;
	s6 =	sand.u32 $0x1, s4;
	s9 =	smul.u32 $0x94000, s1  }
0x6: {  	s13 =	simm.s32 $0x0;
	[smem:$0x7FF] =	sst s3;
	s8 =	smul.u32 $0x4A00, s6  }
0x7: {  	s4 =	sadd.s32 $0x32A00, s5;
	s29 =	ssub.s32 $0x2, s6;
	s6 =	smul.u32 $0x4A000, s6  }
0x8: {  	_ =	strace $0x8000004D;
	s9 =	sadd.s32 s9, s5;
	s10 =	sshrl.u32 s29, $0x1  }
0x9: {  	s7 =	sadd.s32 s8, s7;
	s30 =	ssub.s32 s29, s10;
	s31 =	sadd.s32 s6, s9  }
0xa: {  	s10 =	simm.s32 $0x2;
	s7 =	sshrl.u32 s7, $0x3;
	s6 =	sadd.s32 $0x43E200, s31  }
0xb: {  	s8 =	sadd.s32 $0x1FF2A00, s31;
	s11 =	sadd.s32 s7, s5;
	s5 =	smax.u32 s30, $0x1  }
0xc: {  	s7 =	sadd.s32 $0x20200, s11;
	s9 =	sadd.s32 $0xDA00, s11;
	s11 =	simm.s32 $0x80  }
.LBB2_1:
0xd: {  	s14 =	sadd.s32 $0x0, s7  }
0xe: {  	[tilespmem:s3], [sflag:$0x2] =	stream.linear.gather [hbm4b:s14+s3], $0x80, $0x38;
	[tilespmem:$0x4080] =	vst v63  }
0xf: {  	_ =	swait.ge [sflag:s10], $0x80  }
0x10: {  	[sflag:s10] =	ssyncset.done $0x0  }
0x11: {  	[sflag:s10] =	ssyncadd.s32 $0xFFFFFF80  }
0x12: {  	[tilespmem:s11], [sflag:$0x1] =	stream.indirect.gather [hbm4b:s2+s11], $0x80, s3, s11, $0xb8;
	[tilespmem:$0x4080] =	vst v63  }
0x13: {  	_ =	swait.ge [sflag:s12], $0x4000  }
0x14: {  	[sflag:s12] =	ssyncset.done $0x0  }
0x15: {  	[sflag:s12] =	ssyncadd.s32 $0xFFFFC000  }
0x16: {  	[hbm4b:s6+s3] =	stream.linear.scatter [tilespmem:s11], [sflag:$0x2], $0x4000, $0x38;
	[tilespmem:$0x4080] =	vst v63  }
0x17: {  	s17 =	sadd.s32 $0x10, s7;
	_ =	swait.ge [sflag:s10], $0x4000  }
0x18: {  	s15 =	simm.s32 $0x20;
	s14 =	sadd.s32 $0x800, s6;
	[sflag:s10] =	ssyncset.done $0x0  }
.LBB2_2:
0x19: {  	s18 =	sadd.s32 s15, s7;
	s16 =	simm.s32 $0x0;
	[sflag:s10] =	ssyncadd.s32 $0xFFFFC000  }
0x1a: {  	[tilespmem:s16], [sflag:$0x2] =	stream.linear.gather [hbm4b:s17+s16], $0x80, $0x38;
	[tilespmem:$0x4080] =	vst v63  }
0x1b: {  	p0 =	sne.s32 s15, $0x930;
	s15 =	sadd.s32 $0x10, s15;
	_ =	swait.ge [sflag:s10], $0x80  }
0x1c: {  	s17 =	smov.u32 s18;
	[sflag:s10] =	ssyncset.done $0x0  }
0x1d: {  	[sflag:s10] =	ssyncadd.s32 $0xFFFFFF80  }
0x1e: {  	[tilespmem:s11], [sflag:$0x1] =	stream.indirect.gather [hbm4b:s2+s11], $0x80, s16, s11, $0xb8;
	[tilespmem:$0x4080] =	vst v63  }
0x1f: {  	_ =	swait.ge [sflag:s12], $0x4000  }
.Ltmp0:
0x20: {  	[sflag:s12] =	ssyncset.done $0x0;
	(pc) =	sbr.rel @p0 .LBB2_2-.Ltmp0, $4  }
0x21: {  	[sflag:s12] =	ssyncadd.s32 $0xFFFFC000  }
0x22: {  	[hbm4b:s14+s16] =	stream.linear.scatter [tilespmem:s11], [sflag:$0x2], $0x4000, $0x38;
	[tilespmem:$0x4080] =	vst v63  }
0x23: {  	_ =	swait.ge [sflag:s10], $0x4000  }
0x24: {  	s14 =	sadd.s32 $0x800, s14;
	[sflag:s10] =	ssyncset.done $0x0  }
0x25: {  	[sflag:s10] =	ssyncadd.s32 $0xFFFFC000  }
0x26: {  	[tilespmem:s16], [sflag:$0x2] =	stream.linear.gather [hbm4b:s17+s16], $0x80, $0x38;
	[tilespmem:$0x4080] =	vst v63  }
0x27: {  	_ =	swait.ge [sflag:s10], $0x80  }
0x28: {  	[sflag:s10] =	ssyncset.done $0x0  }
0x29: {  	[sflag:s10] =	ssyncadd.s32 $0xFFFFFF80  }
0x2a: {  	[tilespmem:s11], [sflag:$0x1] =	stream.indirect.gather [hbm4b:s2+s11], $0x80, s16, s11, $0xb8;
	[tilespmem:$0x4080] =	vst v63  }
0x2b: {  	_ =	swait.ge [sflag:s12], $0x4000  }
0x2c: {  	p1 =	por $0x1, $0x1;
	[sflag:s12] =	ssyncset.done $0x0  }
.Ltmp1:
0x2d: {  	[sflag:s12] =	ssyncadd.s32 $0xFFFFC000;
	(pc) =	sbr.rel @!p1 .LBB2_8-.Ltmp1, $4  }
0x2e: {  	[hbm4b:s14+s16] =	stream.linear.scatter [tilespmem:s11], [sflag:$0x2], $0x4000, $0x38;
	[tilespmem:$0x4080] =	vst v63  }
0x2f: {  	_ =	swait.ge [sflag:s10], $0x4000  }
0x30: {  	p0 =	por $0x0, $0x0;
	[sflag:s10] =	ssyncset.done $0x0  }
0x31: {  	s15 =	smov.u32 s8;
	s14 =	simm.s32 $0x10;
	[sflag:s10] =	ssyncadd.s32 $0xFFFFC000  }
0x32: {  	s15 =	sadd.s32 $0x0, s9  }
0x33: {  	[tilespmem:s3], [sflag:$0x2] =	stream.linear.gather [hbm4b:s15+s3], $0x80, $0x38;
	[tilespmem:$0x4080] =	vst v63  }
0x34: {  	_ =	swait.ge [sflag:s10], $0x80  }
0x35: {  	[sflag:s10] =	ssyncset.done $0x0  }
0x36: {  	[sflag:s10] =	ssyncadd.s32 $0xFFFFFF80  }
0x37: {  	[tilespmem:s11], [sflag:$0x1] =	stream.indirect.gather [hbm4b:s4+s11], $0x80, s3, s11, $0xb8;
	[tilespmem:$0x4080] =	vst v63  }
0x38: {  	p1 =	por $0x1, $0x1;
	_ =	swait.ge [sflag:s12], $0x4000  }
.Ltmp2:
0x39: {  	[sflag:s12] =	ssyncset.done $0x0;
	(pc) =	sbr.rel @!p1 .LBB2_5-.Ltmp2, $4  }
0x3a: {  	[sflag:s12] =	ssyncadd.s32 $0xFFFFC000  }
0x3b: {  	[hbm4b:s8+s3] =	stream.linear.scatter [tilespmem:s11], [sflag:$0x2], $0x4000, $0x38;
	[tilespmem:$0x4080] =	vst v63  }
0x3c: {  	s16 =	simm.s32 $0x20;
	_ =	swait.ge [sflag:s10], $0x4000  }
0x3d: {  	p0 =	por $0x1, $0x1;
	s15 =	sadd.s32 $0x800, s8;
	[sflag:s10] =	ssyncset.done $0x0  }
.LBB2_6:
0x3e: {  	s17 =	sadd.s32 s14, s9  }
0x3f: {  	[sflag:s10] =	ssyncadd.s32 $0xFFFFC000;
	s14 =	smov.u32 s16;
	s18 =	sadd.s32 $0x10, s16  }
0x40: {  	[tilespmem:s3], [sflag:$0x2] =	stream.linear.gather [hbm4b:s17+s3], $0x80, $0x38;
	[tilespmem:$0x4080] =	vst v63  }
0x41: {  	p1 =	sne.s32 s16, $0x930;
	_ =	swait.ge [sflag:s10], $0x80  }
0x42: {  	[sflag:s10] =	ssyncset.done $0x0  }
0x43: {  	[sflag:s10] =	ssyncadd.s32 $0xFFFFFF80  }
0x44: {  	[tilespmem:s11], [sflag:$0x1] =	stream.indirect.gather [hbm4b:s4+s11], $0x80, s3, s11, $0xb8;
	[tilespmem:$0x4080] =	vst v63  }
0x45: {  	_ =	swait.ge [sflag:s12], $0x4000  }
.Ltmp3:
0x46: {  	[sflag:s12] =	ssyncset.done $0x0;
	(pc) =	sbr.rel @p1 .LBB2_6-.Ltmp3, $4  }
0x47: {  	[sflag:s12] =	ssyncadd.s32 $0xFFFFC000  }
0x48: {  	[hbm4b:s15+s3] =	stream.linear.scatter [tilespmem:s11], [sflag:$0x2], $0x4000, $0x38;
	[tilespmem:$0x4080] =	vst v63  }
0x49: {  	_ =	swait.ge [sflag:s10], $0x4000  }
0x4a: {  	s16 =	smov.u32 s18;
	s15 =	sadd.s32 $0x800, s15;
	[sflag:s10] =	ssyncset.done $0x0  }
0x4b: {  	s16 =	smov.u32 s14  }
.LBB2_8:
0x4c: {  	s14 =	sadd.s32 s16, s9;
	[sflag:s10] =	ssyncadd.s32 @p0 $0xFFFFC000  }
0x4d: {  	[tilespmem:s3], [sflag:$0x2] =	stream.linear.gather [hbm4b:s14+s3], $0x80, $0x38;
	[tilespmem:$0x4080] =	vst v63  }
0x4e: {  	_ =	swait.ge [sflag:s10], $0x80  }
0x4f: {  	[sflag:s10] =	ssyncset.done $0x0  }
0x50: {  	[sflag:s10] =	ssyncadd.s32 $0xFFFFFF80  }
0x51: {  	[tilespmem:s11], [sflag:$0x1] =	stream.indirect.gather [hbm4b:s4+s11], $0x80, s3, s11, $0xb8;
	[tilespmem:$0x4080] =	vst v63  }
0x52: {  	_ =	swait.ge [sflag:s12], $0x4000  }
0x53: {  	s13 =	sadd.s32 $0x1, s13;
	[sflag:s12] =	ssyncset.done $0x0  }
0x54: {  	p0 =	sne.s32 s13, s5;
	[sflag:s12] =	ssyncadd.s32 $0xFFFFC000  }
0x55: {  	[hbm4b:s15+s3] =	stream.linear.scatter [tilespmem:s11], [sflag:$0x2], $0x4000, $0x38;
	[tilespmem:$0x4080] =	vst v63  }
.Ltmp4:
0x56: {  	_ = 	snop;
	(pc) =	sbr.rel @p0 .LBB2_1-.Ltmp4, $4  }
.Ltmp5:
0x57: {  	_ = 	snop;
	(pc) =	sbr.rel @!p0 .LBB2_9-.Ltmp5, $4  }
0x58: {  	_ =	swait.ge [sflag:s10], $0x4000  }
0x59: {  	[sflag:s10] =	ssyncset.done $0x0  }
0x5a: {  	[sflag:s10] =	ssyncadd.s32 $0xFFFFC000  }
0x5b: {  	_ = 	snop  }
.LBB2_5:
.Ltmp6:
0x5c: {  	(pc) =	sbr.rel .LBB2_8-.Ltmp6, $2  }
0x5d: {  	_ =	sdelay $0x2  }
0x5e: {  	s16 =	simm.s32 $0x10  }
.LBB2_9:
0x5f: {  	_ =	sfence.sel $0x180000  }
0x60: {  	[bflag:$0x0] =	sbarrier.arrive $0xFFFF  }
0x61: {  	p0 =	sne.s32 s1, $0x0;
	_ =	strace $0x9000004D  }
0x62: {  	s0 =	sadd.s32 @!p0 $0x100000, s0;
	[bflag:$0x2] =	sbarrier.arrive $0xFFFF  }
0x63: {  	[sflag:s0] =	ssyncadd.tile.s32 @!p0 $0x1;
	_ =	shalt  }
.Lfunc_end2:
_tile_overlayer_lowered:
.L_overlay_start_2:
0x64: {  	(tag) =	ssettag $0x2  }
0x65: {  	s0 =	rddreg [dreg:$0x0];
	s2 =	stileid.u32  }
0x66: {  	s1 =	rddreg [dreg:$0x1];
	p0 =	sne.s32 s2, $0x0  }
0x67: {  	s3 =	rddreg [dreg:$0x2];
	[bflag:$0x3] =	sbarrier.arrive $0xFFFF;
	s2 =	simm.s32 @!p0 $0x1C02  }
0x68: {  	[timem:s3], [sflag:s2] =	dma.local @!p0 [hbm:s0], s1  }
0x69: {  	s0 =	simm.s32 @!p0 $0x2  }
0x6a: {  	_ =	swait.ge @!p0 [sflag:s0], s1  }
0x6b: {  	s1 =	ssub.s32 @!p0 $0x0, s1;
	[sflag:s0] =	ssyncset.done @!p0 $0x0  }
0x6c: {  	[sflag:s0] =	ssyncadd.s32 @!p0 s1  }
0x6d: {  	[bflag:$0x3] =	sbarrier.arrive $0xFFFF  }
0x6e: {  	_ =	shalt  }

// kernel: kernel.29.cloned.1.call-start
scs
__scs_entry_jumppad:
0x0: {  	(pc) =	sbr.rel $0x88, $3  }
0x1: {  	(tag) =	ssettag $0x0;
	lr =	simm.s32 $0x1  }
0x2: {  	[smem:$0x3F54] =	sst lr;
	_ =	strace $0xD0000000  }
0x3: {  	_ = 	snop  }
0x4: {  	_ = 	snop  }
0x5: {  	_ = 	snop  }
0x6: {  	_ = 	snop  }
0x7: {  	_ = 	snop  }
__scs_overlays_trampoline_lowered:
0x8: {  	[smem:$0x3F63] =	sst s0  }
0x9: {  	[smem:$0x3F64] =	sst s1  }
0xa: {  	[smem:$0x3F65] =	sst s2  }
0xb: {  	[smem:$0x3F66] =	sst s3  }
0xc: {  	[smem:$0x3F67] =	sst s4  }
0xd: {  	[smem:$0x3F68] =	sst s5  }
0xe: {  	[smem:$0x3F69] =	sst s6  }
0xf: {  	[smem:$0x3F6A] =	sst s7  }
0x10: {  	[smem:$0x3F6B] =	sst s8  }
0x11: {  	[smem:$0x3F6C] =	sst s9;
	s0 =	simm.s32 @!p0 $0x0  }
0x12: {  	s1 =	sld [smem:$0x3F52];
	s0 =	simm.s32 @p0 $0x1  }
0x13: {  	[smem:$0x3F6D] =	sst s0;
	s0 =	simm.s32 @!p1 $0x0  }
0x14: {  	s2 =	sld [smem:$0x3F51];
	s0 =	simm.s32 @p1 $0x1  }
0x15: {  	[smem:$0x3F6E] =	sst s0;
	s0 =	simm.s32 @!p2 $0x0  }
0x16: {  	s3 =	sld [smem:$0x3FDB];
	s0 =	simm.s32 @p2 $0x1  }
0x17: {  	s4 =	simm.s32 $0x1BF5;
	[smem:$0x3F70] =	sst s0  }
0x18: {  	s0 =	sld [smem:$0x3F53];
	_ =	swait.ge [sflag:s4], $0x0  }
0x19: {  	s7 =	sld [smem:$0x3F54]  }
0x1a: {  	s8 =	sadd.s32 $0xFFFFE003, lr  }
0x1b: {  	s9 =	sadd.s32 $0xFFFFFEF7, lr;
	s5 =	simm.s32 $0xFFFFFFFF;
	p2 =	slt.u32 s8, $0xFFFFF086  }
0x1c: {  	p1 =	slt.u32 s9, $0xF7A;
	s5 =	simm.s32 @!p2 $0x0  }
0x1d: {  	s5 =	simm.s32 @p1 $0x1;
	p0 =	seq.s32 s7, s2  }
0x1e: {  	s7 =	smul.u32 @!p0 $0xF7A, s2;
	p2 =	seq.s32 @!p0 s5, $0x0  }
0x1f: {  	s9 =	smul.u32 $0xF7A, s1;
	s8 =	simm.s32 @!p0 $0x1BF5;
	p2 =	por !p2, p0  }
0x20: {  	[sflag:s8] =	ssyncset.s32 @!p0 $0xFFFFF086;
	s6 =	sadd.s32 @!p0 s3, s7;
	s7 =	simm.s32 @!p0 $0x108  }
0x21: {  	s3 =	sadd.s32 s3, s9;
	s6 =	sadd.s32 @!p0 $0x88, s6;
	s7 =	simm.s32 @p2 $0x1082  }
0x22: {  	[simem:s7], [sflag:s8] =	dma.local @!p0 [hbm:s6], $0xF7A  }
0x23: {  	s9 =	sor.u32 $0xD0000000, s2;
	s6 =	simm.s32 $0x108;
	_ =	swait.ge @!p0 [sflag:s8], $0x0  }
0x24: {  	s3 =	sadd.s32 $0x88, s3;
	s6 =	simm.s32 @!p1 $0x1082;
	[sflag:s4] =	ssyncset.s32 $0xFFFFF086  }
0x25: {  	[simem:s6], [sflag:s4] =	dma.local [hbm:s3], $0xF7A  }
0x26: {  	[smem:$0x3F54] =	sst s1;
	(tag) =	ssettag s2;
	_ =	strace s9  }
0x27: {  	s1 =	sld [smem:$0x3F64]  }
0x28: {  	s2 =	sld [smem:$0x3F65]  }
0x29: {  	s4 =	sld [smem:$0x3F67]  }
0x2a: {  	p0 =	seq.s32 s5, $0x0;
	s5 =	sld [smem:$0x3F68]  }
0x2b: {  	s6 =	sld [smem:$0x3F69]  }
0x2c: {  	s7 =	sld [smem:$0x3F6A]  }
0x2d: {  	s3 =	simm.s32 $0x108;
	s8 =	sld [smem:$0x3F6B]  }
0x2e: {  	s3 =	simm.s32 @!p0 $0x1082;
	s9 =	sld [smem:$0x3F6C]  }
0x2f: {  	lr =	sadd.s32 s0, s3;
	s0 =	sld [smem:$0x3F63]  }
0x30: {  	s3 =	sld [smem:$0x3F66]  }
0x31: {  	[smem:$0x3F6F] =	sst s10  }
0x32: {  	s10 =	sld [smem:$0x3F6D];
	_ =	sdelay $0x3  }
0x33: {  	p0 =	seq.s32 s10, $0x1;
	s10 =	sld [smem:$0x3F6F];
	_ =	sdelay $0x3  }
0x34: {  	[smem:$0x3F6F] =	sst s10  }
0x35: {  	s10 =	sld [smem:$0x3F6E];
	_ =	sdelay $0x3  }
0x36: {  	p1 =	seq.s32 s10, $0x1;
	s10 =	sld [smem:$0x3F6F];
	_ =	sdelay $0x3  }
0x37: {  	[smem:$0x3F6F] =	sst s10  }
0x38: {  	s10 =	sld [smem:$0x3F70]  }
0x39: {  	_ = 	snop;
	(pc) =	sbr.ind lr, $3  }
0x3a: {  	_ = 	snop  }
0x3b: {  	_ = 	snop  }
0x3c: {  	p2 =	seq.s32 s10, $0x1;
	s10 =	sld [smem:$0x3F6F]  }
0x3d: {  	_ =	shalt  }
0x3e: {  	_ =	shalt  }
0x3f: {  	_ =	shalt  }
0x40: {  	_ =	shalt  }
0x41: {  	_ =	shalt  }
0x42: {  	_ =	shalt  }
0x43: {  	_ =	shalt  }
0x44: {  	_ =	shalt  }
0x45: {  	_ =	shalt  }
0x46: {  	_ =	shalt  }
0x47: {  	_ =	shalt  }
0x48: {  	_ =	shalt  }
0x49: {  	_ =	shalt  }
0x4a: {  	_ =	shalt  }
0x4b: {  	_ =	shalt  }
0x4c: {  	_ =	shalt  }
0x4d: {  	_ =	shalt  }
0x4e: {  	_ =	shalt  }
0x4f: {  	_ =	shalt  }
0x50: {  	_ =	shalt  }
0x51: {  	_ =	shalt  }
0x52: {  	_ =	shalt  }
0x53: {  	_ =	shalt  }
0x54: {  	_ =	shalt  }
0x55: {  	_ =	shalt  }
0x56: {  	_ =	shalt  }
0x57: {  	_ =	shalt  }
0x58: {  	_ =	shalt  }
0x59: {  	_ =	shalt  }
0x5a: {  	_ =	shalt  }
0x5b: {  	_ =	shalt  }
0x5c: {  	_ =	shalt  }
0x5d: {  	_ =	shalt  }
0x5e: {  	_ =	shalt  }
0x5f: {  	_ =	shalt  }
0x60: {  	_ =	shalt  }
0x61: {  	_ =	shalt  }
0x62: {  	_ =	shalt  }
0x63: {  	_ =	shalt  }
0x64: {  	_ =	shalt  }
0x65: {  	_ =	shalt  }
0x66: {  	_ =	shalt  }
0x67: {  	_ =	shalt  }
0x68: {  	_ =	shalt  }
0x69: {  	_ =	shalt  }
0x6a: {  	_ =	shalt  }
0x6b: {  	_ =	shalt  }
0x6c: {  	_ =	shalt  }
0x6d: {  	_ =	shalt  }
0x6e: {  	_ =	shalt  }
0x6f: {  	_ =	shalt  }
0x70: {  	_ =	shalt  }
0x71: {  	_ =	shalt  }
0x72: {  	_ =	shalt  }
0x73: {  	_ =	shalt  }
0x74: {  	_ =	shalt  }
0x75: {  	_ =	shalt  }
0x76: {  	_ =	shalt  }
0x77: {  	_ =	shalt  }
0x78: {  	_ =	shalt  }
0x79: {  	_ =	shalt  }
0x7a: {  	_ =	shalt  }
0x7b: {  	_ =	shalt  }
0x7c: {  	_ =	shalt  }
0x7d: {  	_ =	shalt  }
0x7e: {  	_ =	shalt  }
0x7f: {  	_ =	shalt  }
0x80: {  	_ =	shalt  }
0x81: {  	_ =	shalt  }
0x82: {  	_ =	shalt  }
0x83: {  	_ =	shalt  }
0x84: {  	_ =	shalt  }
0x85: {  	_ =	shalt  }
0x86: {  	_ =	shalt  }
0x87: {  	_ =	shalt  }
.Lfunc_end0:
.L_simem_size_0:
called_computation.3_lowered:
.L_overlay_start_0:
0x88: {  	s2 =	sld [smem:$0x3FD9]  }
0x89: {  	s3 =	sld [smem:$0x3FFE];
	_ =	sdelay $0x1  }
0x8a: {  	s1 =	srdreg.scid  }
0x8b: {  	s0 =	sand.u32 $0x1, s1  }
0x8c: {  	s16 =	sshll.u32 s0, $0xA;
	s2 =	sadd.s32 s3, s2  }
0x8d: {  	s2 =	sadd.s32 s2, s16  }
0x8e: {  	[smem:$0x3F7B] =	sst s2  }
0x8f: {  	_ = 	snop  }
0x90: {  	(tm) =	ssettm $0x1  }
0x91: {  	s17 =	sld [smem:$0x3FFB];
	_ =	sdelay $0x3  }
0x92: {  	_ =	strace s17  }
0x93: {  	s2 =	sld [smem:$0x3FFC];
	_ =	sdelay $0x3  }
0x94: {  	_ =	strace s2  }
0x95: {  	s2 =	sld [smem:$0x3FFD];
	_ =	sdelay $0x3  }
0x96: {  	_ =	strace s2  }
0x97: {  	_ =	strace $0x8FFFFFFF  }
0x98: {  	s18 =	sld [smem:$0x3FDB];
	_ =	sdelay $0x1  }
0x99: {  	s19 =	simm.s32 $_scs_section_size  }
0x9a: {  	s4 =	simm.s32 $_size__tile_overlayer_lowered;
	s5 =	simm.s32 $_tile_overlayer_lowered  }
0x9b: {  	s22 =	simm.s32 $0x1BFF;
	s21 =	sshll.u32 s5, $0x1;
	s2 =	sadd.s32 s19, s18  }
0x9c: {  	s6 =	simm.s32 $0x0;
	s20 =	sshll.u32 s4, $0x1;
	s4 =	sadd.s32 s21, s2  }
0x9d: {  	[timem:s6], [sflag:s22] =	dma.local [hbm:s4], s20  }
0x9e: {  	_ =	swait.ge [sflag:s22], s20  }
0x9f: {  	s3 =	ssub.s32 $0x0, s20;
	[sflag:s22] =	ssyncset.done $0x0  }
0xa0: {  	[sflag:s22] =	ssyncadd.s32 s3;
	_ =	sdelay $0x1  }
0xa1: {  	s23 =	simm.s32 $0x1B8B  }
0xa2: {  	_ =	swait.ge [sflag:s23], $0x1  }
0xa3: {  	[sflag:s23] =	ssyncset.done $0x0  }
0xa4: {  	s25 =	simm.s32 $0x1B8E;
	s24 =	sld [smem:$0x3FFE];
	[sflag:s23] =	ssyncadd.s32 $0xFFFFFFFF  }
0xa5: {  	s26 =	simm.s32 $execute0_lowered;
	[smem:$0x3FD2] =	sst s25  }
0xa6: {  	s4 =	sshll.u32 s26, $0x1;
	_ =	strace $0x8000004F;
	[dreg:$0x1] =	wrdreg $0xFFFFFFFF  }
0xa7: {  	s28 =	simm.s32 $_size_execute0_lowered;
	s2 =	sadd.s32 s2, s4;
	[dreg:$0x0] =	wrdreg $0x0  }
0xa8: {  	s4 =	sshll.u32 s28, $0x1;
	[dreg:$0x2] =	wrdreg s2  }
0xa9: {  	[dreg:$0x3] =	wrdreg s4  }
0xaa: {  	[dreg:$0x4] =	wrdreg $0xC0  }
0xab: {  	_ =	task [dreg:s6], $0x5FFFF  }
0xac: {  	[dreg:$0x1] =	wrdreg $0xFFFFFFFF  }
0xad: {  	[dreg:$0x0] =	wrdreg $0x60  }
0xae: {  	[dreg:$0x2] =	wrdreg s24  }
0xaf: {  	[dreg:$0x3] =	wrdreg $0x40800  }
0xb0: {  	[dreg:$0x4] =	wrdreg $0x9  }
0xb1: {  	_ =	task.clear_ibuf [dreg:s6], $0x5FFFF;
	_ =	strace $0x9000004F  }
0xb2: {  	s29 =	simm.s32 $0x9;
	_ =	strace $0x80000051  }
0xb3: {  	_ =	swait.ge [sflag:s29], $0x1  }
0xb4: {  	[sflag:s29] =	ssyncadd.s32 $0xFFFFFFFF  }
0xb5: {  	_ =	strace $0x90000051  }
0xb6: {  	_ =	sfence  }
0xb7: {  	s30 =	sld [smem:$0x0];
	_ =	sdelay $0x2  }
0xb8: {  	s31 =	sshll.u32 s1, $0xD;
	s1 =	sshrl.u32 s1, $0x2  }
0xb9: {  	s3 =	sand.u32 $0x4000, s31;
	s1 =	sadd.s32 s1, s30  }
0xba: {  	s0 =	sor.u32 s3, s0;
	s1 =	sshll.u32 s1, $0x11  }
0xbb: {  	s0 =	sor.u32 s1, s0  }
0xbc: {  	s0 =	sadd.s32 $0x8F2B, s0  }
0xbd: {  	[sflag:s0] =	ssyncadd.remote.s32 $0x1  }
0xbe: {  	_ =	sfence.sel $0xFFFF  }
0xbf: {  	[dreg:$0x0] =	wrdreg $0xFFFFFFFF;
	(pc) =	sbr.abs _section_cstart, $3  }
0xc0: {  	[dreg:$0x1] =	wrdreg $0xFFFFFFFF  }
0xc1: {  	_ =	task.clear_ibuf [dreg:s6], $0x2FFFF;
	_ =	strace $0x9FFFFFFF  }
0xc2: {  	(tm) =	ssettm $0x7FFFFFFF  }
0xc3: {  	_ =	shalt  }
tec
execute0_lowered:
.L_overlay_start_1:
0x0: {  	(tag) =	ssettag $0x1  }
0x1: {  	s12 =	stileid.u32;
	s4 =	rddreg [dreg:$0x0]  }
0x2: {  	s0 =	srdreg.scid;
	s1 =	rddreg [dreg:$0x1];
	s2 =	simm.s32 $0x0  }
0x3: {  	s5 =	sand.u32 $0x1, s0;
	s3 =	smul.u32 $0x9400, s12;
	s0 =	rddreg [dreg:$0x2]  }
0x4: {  	[smem:$0x7FF] =	sst s2;
	s7 =	smul.u32 $0x94000, s12;
	s10 =	sshll.u32 s12, $0xE  }
0x5: {  	s11 =	sadd.s32 $0x3E200, s4;
	p0 =	sne.s32 s12, $0x0;
	s31 =	sshll.u32 s12, $0x6  }
0x6: {  	p1 =	sgt.u32 s12, $0x6;
	s6 =	smul.u32 $0x4A00, s5;
	_ =	strace $0x80000050  }
0x7: {  	s28 =	ssub.s32 $0x2, s5;
	s9 =	smul.u32 $0x5C000, s5;
	s13 =	sor.u32 $0x40000, s10  }
0x8: {  	s14 =	smul.u32 $0x4A000, s5;
	s15 =	sadd.s32 s10, s1;
	s12 =	sor.u32 $0x1C01, s31  }
0x9: {  	s7 =	sadd.s32 s7, s4;
	s29 =	sshrl.u32 s28, $0x1;
	s16 =	sadd.s32 s13, s1  }
0xa: {  	s3 =	sadd.s32 s6, s3;
	s6 =	ssub.s32 s28, s29;
	s30 =	sadd.s32 s10, s9  }
0xb: {  	s9 =	sadd.s32 s9, s13;
	s7 =	sadd.s32 s14, s7;
	s10 =	simm.s32 $0x1  }
0xc: {  	s13 =	sshrl.u32 s15, $0x3;
	s14 =	sshrl.u32 @!p1 s16, $0x3;
	s15 =	simm.s32 $0x0  }
0xd: {  	s3 =	sshrl.u32 s3, $0x3;
	s9 =	sshrl.u32 s9, $0x3;
	s6 =	smax.u32 s6, $0x1  }
0xe: {  	s7 =	sadd.s32 $0x2932A00, s7;
	s8 =	sadd.s32 s3, s4;
	s3 =	sadd.s32 $0x432A00, s4  }
0xf: {  	s4 =	sshrl.u32 s30, $0x3;
	s5 =	sadd.s32 s11, s9;
	s9 =	sshrl.u32 @!p0 s1, $0x3  }
0x10: {  	s4 =	sadd.s32 s11, s4;
	s8 =	sadd.s32 $0xDA00, s8;
	s11 =	simm.s32 $0x80  }
.LBB2_1:
0x11: {  	s16 =	simm.s32 @!p0 $0x1C01  }
0x12: {  	[spmem:s9], [sflag:s16] =	dma.local @!p0 [hbm:s3], $0xB800  }
0x13: {  	s16 =	simm.s32 @!p0 $0x1  }
0x14: {  	_ =	swait.ge @!p0 [sflag:s16], $0xB800  }
0x15: {  	[sflag:s16] =	ssyncset.done @!p0 $0x0  }
0x16: {  	[sflag:s16] =	ssyncadd.s32 @!p0 $0xFFFF4800  }
0x17: {  	s31 =	sadd.s32 $0x0, s8;
	[bflag:$0x0] =	sbarrier.arrive $0xFFFF  }
0x18: {  	[tilespmem:s2], [sflag:$0x1] =	stream.linear.gather [hbm4b:s31+s2], $0x80, $0x38;
	[tilespmem:$0x9C80] =	vst v63  }
0x19: {  	_ =	swait.ge [sflag:s10], $0x80  }
0x1a: {  	[sflag:s10] =	ssyncset.done $0x0  }
0x1b: {  	[sflag:s10] =	ssyncadd.s32 $0xFFFFFF80  }
0x1c: {  	[tilespmem:s11], [sflag:$0x1] =	stream.linear.gather [hbm4b:s7+s2], $0x4000, $0x38;
	[tilespmem:$0x9C80] =	vst v63  }
0x1d: {  	_ =	swait.ge [sflag:s10], $0x4000  }
0x1e: {  	[sflag:s10] =	ssyncset.done $0x0  }
0x1f: {  	[sflag:s10] =	ssyncadd.s32 $0xFFFFC000  }
0x20: {  	[spmem:s1] =	stream.indirect.scatter.add.f32 [tilespmem:s11], [sflag:$0x1], $0x80, s2, s11, $0xb8;
	[tilespmem:$0x9C80] =	vst v63  }
0x21: {  	s17 =	simm.s32 $0x10;
	_ =	swait.ge [sflag:s10], $0x4000  }
0x22: {  	s18 =	simm.s32 $0x20;
	s16 =	sadd.s32 $0x800, s7;
	[sflag:s10] =	ssyncset.done $0x0  }
.LBB2_2:
0x23: {  	s19 =	sadd.s32 s17, s8  }
0x24: {  	[sflag:s10] =	ssyncadd.s32 $0xFFFFC000;
	s17 =	smov.u32 s18;
	s20 =	sadd.s32 $0x10, s18  }
0x25: {  	[tilespmem:s2], [sflag:$0x1] =	stream.linear.gather [hbm4b:s19+s2], $0x80, $0x38;
	[tilespmem:$0x9C80] =	vst v63  }
0x26: {  	p2 =	sne.s32 s18, $0x930;
	_ =	swait.ge [sflag:s10], $0x80  }
0x27: {  	[sflag:s10] =	ssyncset.done $0x0  }
0x28: {  	[sflag:s10] =	ssyncadd.s32 $0xFFFFFF80  }
0x29: {  	[tilespmem:s11], [sflag:$0x1] =	stream.linear.gather [hbm4b:s16+s2], $0x4000, $0x38;
	[tilespmem:$0x9C80] =	vst v63  }
0x2a: {  	_ =	swait.ge [sflag:s10], $0x4000  }
.Ltmp0:
0x2b: {  	[sflag:s10] =	ssyncset.done $0x0;
	(pc) =	sbr.rel @p2 .LBB2_2-.Ltmp0, $4  }
0x2c: {  	[sflag:s10] =	ssyncadd.s32 $0xFFFFC000  }
0x2d: {  	[spmem:s1] =	stream.indirect.scatter.add.f32 [tilespmem:s11], [sflag:$0x1], $0x80, s2, s11, $0xb8;
	[tilespmem:$0x9C80] =	vst v63  }
0x2e: {  	_ =	swait.ge [sflag:s10], $0x4000  }
0x2f: {  	s18 =	smov.u32 s20;
	s16 =	sadd.s32 $0x800, s16;
	[sflag:s10] =	ssyncset.done $0x0  }
0x30: {  	s17 =	sadd.s32 s17, s8;
	[sflag:s10] =	ssyncadd.s32 $0xFFFFC000  }
0x31: {  	[tilespmem:s2], [sflag:$0x1] =	stream.linear.gather [hbm4b:s17+s2], $0x80, $0x38;
	[tilespmem:$0x9C80] =	vst v63  }
0x32: {  	_ =	swait.ge [sflag:s10], $0x80  }
0x33: {  	[sflag:s10] =	ssyncset.done $0x0  }
0x34: {  	[sflag:s10] =	ssyncadd.s32 $0xFFFFFF80  }
0x35: {  	[tilespmem:s11], [sflag:$0x1] =	stream.linear.gather [hbm4b:s16+s2], $0x4000, $0x38;
	[tilespmem:$0x9C80] =	vst v63  }
0x36: {  	_ =	swait.ge [sflag:s10], $0x4000  }
0x37: {  	[sflag:s10] =	ssyncset.done $0x0  }
0x38: {  	[sflag:s10] =	ssyncadd.s32 $0xFFFFC000  }
0x39: {  	[spmem:s1] =	stream.indirect.scatter.add.f32 [tilespmem:s11], [sflag:$0x1], $0x80, s2, s11, $0xb8;
	[tilespmem:$0x9C80] =	vst v63  }
0x3a: {  	_ =	swait.ge [sflag:s10], $0x4000  }
0x3b: {  	[sflag:s10] =	ssyncset.done $0x0  }
0x3c: {  	[sflag:s10] =	ssyncadd.s32 $0xFFFFC000  }
0x3d: {  	[bflag:$0x0] =	sbarrier.arrive $0xFFFF  }
0x3e: {  	[hbm:s4], [sflag:s12] =	dma.local [spmem:s13], $0x800  }
0x3f: {  	s15 =	sadd.s32 $0x1, s15;
	_ =	swait.ge [sflag:s10], $0x800  }
0x40: {  	p2 =	sne.s32 s15, s6;
	[sflag:s10] =	ssyncset.done $0x0  }
.Ltmp1:
0x41: {  	s16 =	simm.s32 @!p1 $0x1;
	[sflag:s10] =	ssyncadd.s32 $0xFFFFF800;
	(pc) =	sbr.rel @p2 .LBB2_1-.Ltmp1, $4  }
0x42: {  	[hbm:s5], [sflag:s12] =	dma.local @!p1 [spmem:s14], $0x800  }
0x43: {  	_ =	swait.ge @!p1 [sflag:s16], $0x800  }
0x44: {  	[sflag:s16] =	ssyncset.done @!p1 $0x0  }
0x45: {  	[sflag:s16] =	ssyncadd.s32 @!p1 $0xFFFFF800  }
0x46: {  	_ =	sfence.sel $0x180000  }
0x47: {  	[bflag:$0x0] =	sbarrier.arrive $0xFFFF  }
0x48: {  	_ =	strace $0x90000050  }
0x49: {  	s0 =	sadd.s32 @!p0 $0x100000, s0;
	[bflag:$0x2] =	sbarrier.arrive $0xFFFF  }
0x4a: {  	[sflag:s0] =	ssyncadd.tile.s32 @!p0 $0x1;
	_ =	shalt  }
.Lfunc_end2:
_tile_overlayer_lowered:
.L_overlay_start_2:
0x4b: {  	(tag) =	ssettag $0x2  }
0x4c: {  	s0 =	rddreg [dreg:$0x0];
	s2 =	stileid.u32  }
0x4d: {  	s1 =	rddreg [dreg:$0x1];
	p0 =	sne.s32 s2, $0x0  }
0x4e: {  	s3 =	rddreg [dreg:$0x2];
	[bflag:$0x3] =	sbarrier.arrive $0xFFFF;
	s2 =	simm.s32 @!p0 $0x1C01  }
0x4f: {  	[timem:s3], [sflag:s2] =	dma.local @!p0 [hbm:s0], s1  }
0x50: {  	s0 =	simm.s32 @!p0 $0x1  }
0x51: {  	_ =	swait.ge @!p0 [sflag:s0], s1  }
0x52: {  	s1 =	ssub.s32 @!p0 $0x0, s1;
	[sflag:s0] =	ssyncset.done @!p0 $0x0  }
0x53: {  	[sflag:s0] =	ssyncadd.s32 @!p0 s1  }
0x54: {  	[bflag:$0x3] =	sbarrier.arrive $0xFFFF  }
0x55: {  	_ =	shalt  }

// kernel: kernel.32.cloned.1.call-start
scs
__scs_entry_jumppad:
0x0: {  	(pc) =	sbr.rel $0x88, $3  }
0x1: {  	(tag) =	ssettag $0x0;
	lr =	simm.s32 $0x1  }
0x2: {  	[smem:$0x3F54] =	sst lr;
	_ =	strace $0xD0000000  }
0x3: {  	_ = 	snop  }
0x4: {  	_ = 	snop  }
0x5: {  	_ = 	snop  }
0x6: {  	_ = 	snop  }
0x7: {  	_ = 	snop  }
__scs_overlays_trampoline_lowered:
0x8: {  	[smem:$0x3F63] =	sst s0  }
0x9: {  	[smem:$0x3F64] =	sst s1  }
0xa: {  	[smem:$0x3F65] =	sst s2  }
0xb: {  	[smem:$0x3F66] =	sst s3  }
0xc: {  	[smem:$0x3F67] =	sst s4  }
0xd: {  	[smem:$0x3F68] =	sst s5  }
0xe: {  	[smem:$0x3F69] =	sst s6  }
0xf: {  	[smem:$0x3F6A] =	sst s7  }
0x10: {  	[smem:$0x3F6B] =	sst s8  }
0x11: {  	[smem:$0x3F6C] =	sst s9;
	s0 =	simm.s32 @!p0 $0x0  }
0x12: {  	s1 =	sld [smem:$0x3F52];
	s0 =	simm.s32 @p0 $0x1  }
0x13: {  	[smem:$0x3F6D] =	sst s0;
	s0 =	simm.s32 @!p1 $0x0  }
0x14: {  	s2 =	sld [smem:$0x3F51];
	s0 =	simm.s32 @p1 $0x1  }
0x15: {  	[smem:$0x3F6E] =	sst s0;
	s0 =	simm.s32 @!p2 $0x0  }
0x16: {  	s3 =	sld [smem:$0x3FDB];
	s0 =	simm.s32 @p2 $0x1  }
0x17: {  	s4 =	simm.s32 $0x1BF5;
	[smem:$0x3F70] =	sst s0  }
0x18: {  	s0 =	sld [smem:$0x3F53];
	_ =	swait.ge [sflag:s4], $0x0  }
0x19: {  	s7 =	sld [smem:$0x3F54]  }
0x1a: {  	s8 =	sadd.s32 $0xFFFFE003, lr  }
0x1b: {  	s9 =	sadd.s32 $0xFFFFFEF7, lr;
	s5 =	simm.s32 $0xFFFFFFFF;
	p2 =	slt.u32 s8, $0xFFFFF086  }
0x1c: {  	p1 =	slt.u32 s9, $0xF7A;
	s5 =	simm.s32 @!p2 $0x0  }
0x1d: {  	s5 =	simm.s32 @p1 $0x1;
	p0 =	seq.s32 s7, s2  }
0x1e: {  	s7 =	smul.u32 @!p0 $0xF7A, s2;
	p2 =	seq.s32 @!p0 s5, $0x0  }
0x1f: {  	s9 =	smul.u32 $0xF7A, s1;
	s8 =	simm.s32 @!p0 $0x1BF5;
	p2 =	por !p2, p0  }
0x20: {  	[sflag:s8] =	ssyncset.s32 @!p0 $0xFFFFF086;
	s6 =	sadd.s32 @!p0 s3, s7;
	s7 =	simm.s32 @!p0 $0x108  }
0x21: {  	s3 =	sadd.s32 s3, s9;
	s6 =	sadd.s32 @!p0 $0x88, s6;
	s7 =	simm.s32 @p2 $0x1082  }
0x22: {  	[simem:s7], [sflag:s8] =	dma.local @!p0 [hbm:s6], $0xF7A  }
0x23: {  	s9 =	sor.u32 $0xD0000000, s2;
	s6 =	simm.s32 $0x108;
	_ =	swait.ge @!p0 [sflag:s8], $0x0  }
0x24: {  	s3 =	sadd.s32 $0x88, s3;
	s6 =	simm.s32 @!p1 $0x1082;
	[sflag:s4] =	ssyncset.s32 $0xFFFFF086  }
0x25: {  	[simem:s6], [sflag:s4] =	dma.local [hbm:s3], $0xF7A  }
0x26: {  	[smem:$0x3F54] =	sst s1;
	(tag) =	ssettag s2;
	_ =	strace s9  }
0x27: {  	s1 =	sld [smem:$0x3F64]  }
0x28: {  	s2 =	sld [smem:$0x3F65]  }
0x29: {  	s4 =	sld [smem:$0x3F67]  }
0x2a: {  	p0 =	seq.s32 s5, $0x0;
	s5 =	sld [smem:$0x3F68]  }
0x2b: {  	s6 =	sld [smem:$0x3F69]  }
0x2c: {  	s7 =	sld [smem:$0x3F6A]  }
0x2d: {  	s3 =	simm.s32 $0x108;
	s8 =	sld [smem:$0x3F6B]  }
0x2e: {  	s3 =	simm.s32 @!p0 $0x1082;
	s9 =	sld [smem:$0x3F6C]  }
0x2f: {  	lr =	sadd.s32 s0, s3;
	s0 =	sld [smem:$0x3F63]  }
0x30: {  	s3 =	sld [smem:$0x3F66]  }
0x31: {  	[smem:$0x3F6F] =	sst s10  }
0x32: {  	s10 =	sld [smem:$0x3F6D];
	_ =	sdelay $0x3  }
0x33: {  	p0 =	seq.s32 s10, $0x1;
	s10 =	sld [smem:$0x3F6F];
	_ =	sdelay $0x3  }
0x34: {  	[smem:$0x3F6F] =	sst s10  }
0x35: {  	s10 =	sld [smem:$0x3F6E];
	_ =	sdelay $0x3  }
0x36: {  	p1 =	seq.s32 s10, $0x1;
	s10 =	sld [smem:$0x3F6F];
	_ =	sdelay $0x3  }
0x37: {  	[smem:$0x3F6F] =	sst s10  }
0x38: {  	s10 =	sld [smem:$0x3F70]  }
0x39: {  	_ = 	snop;
	(pc) =	sbr.ind lr, $3  }
0x3a: {  	_ = 	snop  }
0x3b: {  	_ = 	snop  }
0x3c: {  	p2 =	seq.s32 s10, $0x1;
	s10 =	sld [smem:$0x3F6F]  }
0x3d: {  	_ =	shalt  }
0x3e: {  	_ =	shalt  }
0x3f: {  	_ =	shalt  }
0x40: {  	_ =	shalt  }
0x41: {  	_ =	shalt  }
0x42: {  	_ =	shalt  }
0x43: {  	_ =	shalt  }
0x44: {  	_ =	shalt  }
0x45: {  	_ =	shalt  }
0x46: {  	_ =	shalt  }
0x47: {  	_ =	shalt  }
0x48: {  	_ =	shalt  }
0x49: {  	_ =	shalt  }
0x4a: {  	_ =	shalt  }
0x4b: {  	_ =	shalt  }
0x4c: {  	_ =	shalt  }
0x4d: {  	_ =	shalt  }
0x4e: {  	_ =	shalt  }
0x4f: {  	_ =	shalt  }
0x50: {  	_ =	shalt  }
0x51: {  	_ =	shalt  }
0x52: {  	_ =	shalt  }
0x53: {  	_ =	shalt  }
0x54: {  	_ =	shalt  }
0x55: {  	_ =	shalt  }
0x56: {  	_ =	shalt  }
0x57: {  	_ =	shalt  }
0x58: {  	_ =	shalt  }
0x59: {  	_ =	shalt  }
0x5a: {  	_ =	shalt  }
0x5b: {  	_ =	shalt  }
0x5c: {  	_ =	shalt  }
0x5d: {  	_ =	shalt  }
0x5e: {  	_ =	shalt  }
0x5f: {  	_ =	shalt  }
0x60: {  	_ =	shalt  }
0x61: {  	_ =	shalt  }
0x62: {  	_ =	shalt  }
0x63: {  	_ =	shalt  }
0x64: {  	_ =	shalt  }
0x65: {  	_ =	shalt  }
0x66: {  	_ =	shalt  }
0x67: {  	_ =	shalt  }
0x68: {  	_ =	shalt  }
0x69: {  	_ =	shalt  }
0x6a: {  	_ =	shalt  }
0x6b: {  	_ =	shalt  }
0x6c: {  	_ =	shalt  }
0x6d: {  	_ =	shalt  }
0x6e: {  	_ =	shalt  }
0x6f: {  	_ =	shalt  }
0x70: {  	_ =	shalt  }
0x71: {  	_ =	shalt  }
0x72: {  	_ =	shalt  }
0x73: {  	_ =	shalt  }
0x74: {  	_ =	shalt  }
0x75: {  	_ =	shalt  }
0x76: {  	_ =	shalt  }
0x77: {  	_ =	shalt  }
0x78: {  	_ =	shalt  }
0x79: {  	_ =	shalt  }
0x7a: {  	_ =	shalt  }
0x7b: {  	_ =	shalt  }
0x7c: {  	_ =	shalt  }
0x7d: {  	_ =	shalt  }
0x7e: {  	_ =	shalt  }
0x7f: {  	_ =	shalt  }
0x80: {  	_ =	shalt  }
0x81: {  	_ =	shalt  }
0x82: {  	_ =	shalt  }
0x83: {  	_ =	shalt  }
0x84: {  	_ =	shalt  }
0x85: {  	_ =	shalt  }
0x86: {  	_ =	shalt  }
0x87: {  	_ =	shalt  }
.Lfunc_end0:
.L_simem_size_0:
called_computation.4_lowered:
.L_overlay_start_0:
0x88: {  	s2 =	sld [smem:$0x3FD9]  }
0x89: {  	s3 =	sld [smem:$0x3FFE];
	_ =	sdelay $0x1  }
0x8a: {  	s1 =	srdreg.scid  }
0x8b: {  	s0 =	sand.u32 $0x1, s1  }
0x8c: {  	s16 =	sshll.u32 s0, $0xA;
	s2 =	sadd.s32 s3, s2  }
0x8d: {  	s2 =	sadd.s32 s2, s16  }
0x8e: {  	[smem:$0x3F7B] =	sst s2  }
0x8f: {  	_ = 	snop  }
0x90: {  	(tm) =	ssettm $0x1  }
0x91: {  	s17 =	sld [smem:$0x3FFB];
	_ =	sdelay $0x3  }
0x92: {  	_ =	strace s17  }
0x93: {  	s2 =	sld [smem:$0x3FFC];
	_ =	sdelay $0x3  }
0x94: {  	_ =	strace s2  }
0x95: {  	s2 =	sld [smem:$0x3FFD];
	_ =	sdelay $0x3  }
0x96: {  	_ =	strace s2  }
0x97: {  	_ =	strace $0x8FFFFFFF  }
0x98: {  	s18 =	sld [smem:$0x3FDB];
	_ =	sdelay $0x1  }
0x99: {  	s19 =	simm.s32 $_scs_section_size  }
0x9a: {  	s4 =	simm.s32 $_size__tile_overlayer_lowered;
	s5 =	simm.s32 $_tile_overlayer_lowered  }
0x9b: {  	s22 =	simm.s32 $0x1BFF;
	s21 =	sshll.u32 s5, $0x1;
	s2 =	sadd.s32 s19, s18  }
0x9c: {  	s6 =	simm.s32 $0x0;
	s20 =	sshll.u32 s4, $0x1;
	s4 =	sadd.s32 s21, s2  }
0x9d: {  	[timem:s6], [sflag:s22] =	dma.local [hbm:s4], s20  }
0x9e: {  	_ =	swait.ge [sflag:s22], s20  }
0x9f: {  	s3 =	ssub.s32 $0x0, s20;
	[sflag:s22] =	ssyncset.done $0x0  }
0xa0: {  	[sflag:s22] =	ssyncadd.s32 s3;
	_ =	sdelay $0x1  }
0xa1: {  	s23 =	simm.s32 $0x1B8B  }
0xa2: {  	_ =	swait.ge [sflag:s23], $0x1  }
0xa3: {  	[sflag:s23] =	ssyncset.done $0x0  }
0xa4: {  	s25 =	simm.s32 $0x1B8E;
	s24 =	sld [smem:$0x3FFE];
	[sflag:s23] =	ssyncadd.s32 $0xFFFFFFFF  }
0xa5: {  	s26 =	simm.s32 $execute0_lowered;
	[smem:$0x3FD2] =	sst s25  }
0xa6: {  	s4 =	sshll.u32 s26, $0x1;
	_ =	strace $0x80000052;
	[dreg:$0x1] =	wrdreg $0xFFFFFFFF  }
0xa7: {  	s28 =	simm.s32 $_size_execute0_lowered;
	s2 =	sadd.s32 s2, s4;
	[dreg:$0x0] =	wrdreg $0x0  }
0xa8: {  	s4 =	sshll.u32 s28, $0x1;
	[dreg:$0x2] =	wrdreg s2  }
0xa9: {  	[dreg:$0x3] =	wrdreg s4  }
0xaa: {  	[dreg:$0x4] =	wrdreg $0xC0  }
0xab: {  	_ =	task [dreg:s6], $0x5FFFF  }
0xac: {  	[dreg:$0x1] =	wrdreg $0xFFFFFFFF  }
0xad: {  	[dreg:$0x0] =	wrdreg $0x60  }
0xae: {  	[dreg:$0x2] =	wrdreg s24  }
0xaf: {  	[dreg:$0x3] =	wrdreg $0x9  }
0xb0: {  	_ =	task.clear_ibuf [dreg:s6], $0x4FFFF;
	_ =	strace $0x90000052  }
0xb1: {  	s29 =	simm.s32 $0x9;
	_ =	strace $0x80000054  }
0xb2: {  	_ =	swait.ge [sflag:s29], $0x1  }
0xb3: {  	[sflag:s29] =	ssyncadd.s32 $0xFFFFFFFF  }
0xb4: {  	_ =	strace $0x90000054  }
0xb5: {  	_ =	sfence  }
0xb6: {  	s30 =	sld [smem:$0x0];
	_ =	sdelay $0x2  }
0xb7: {  	s31 =	sshll.u32 s1, $0xD;
	s1 =	sshrl.u32 s1, $0x2  }
0xb8: {  	s3 =	sand.u32 $0x4000, s31;
	s1 =	sadd.s32 s1, s30  }
0xb9: {  	s0 =	sor.u32 s3, s0;
	s1 =	sshll.u32 s1, $0x11  }
0xba: {  	s0 =	sor.u32 s1, s0  }
0xbb: {  	s0 =	sadd.s32 $0x8F2B, s0  }
0xbc: {  	[sflag:s0] =	ssyncadd.remote.s32 $0x1  }
0xbd: {  	_ =	sfence.sel $0xFFFF  }
0xbe: {  	[dreg:$0x0] =	wrdreg $0xFFFFFFFF;
	(pc) =	sbr.abs _section_cstart, $3  }
0xbf: {  	[dreg:$0x1] =	wrdreg $0xFFFFFFFF  }
0xc0: {  	_ =	task.clear_ibuf [dreg:s6], $0x2FFFF;
	_ =	strace $0x9FFFFFFF  }
0xc1: {  	(tm) =	ssettm $0x7FFFFFFF  }
tec
execute0_lowered:
.L_overlay_start_1:
0x0: {  	(tag) =	ssettag $0x1  }
0x1: {  	s5 =	rddreg [dreg:$0x0]  }
0x2: {  	s0 =	rddreg [dreg:$0x1];
	s2 =	simm.s32 $0x0;
	s1 =	stileid.u32  }
0x3: {  	s3 =	srdreg.scid;
	s12 =	simm.s32 $0x1;
	s7 =	smul.u32 $0x9400, s1  }
0x4: {  	s13 =	simm.s32 $0x0;
	s6 =	sand.u32 $0x1, s3;
	s9 =	smul.u32 $0x94000, s1  }
0x5: {  	[smem:$0x7FF] =	sst s2;
	s3 =	sadd.s32 $0x43E200, s5;
	s8 =	smul.u32 $0x4A00, s6  }
0x6: {  	s4 =	sadd.s32 $0x32A00, s5;
	s29 =	ssub.s32 $0x2, s6;
	s6 =	smul.u32 $0x4A000, s6  }
0x7: {  	_ =	strace $0x80000053;
	s9 =	sadd.s32 s9, s5;
	s10 =	sshrl.u32 s29, $0x1  }
0x8: {  	s7 =	sadd.s32 s8, s7;
	s30 =	ssub.s32 s29, s10;
	s31 =	sadd.s32 s6, s9  }
0x9: {  	s10 =	simm.s32 $0x2;
	s7 =	sshrl.u32 s7, $0x3;
	s6 =	sadd.s32 $0x832A00, s31  }
0xa: {  	s8 =	sadd.s32 $0x1172A00, s31;
	s11 =	sadd.s32 s7, s5;
	s5 =	smax.u32 s30, $0x1  }
0xb: {  	s7 =	sadd.s32 $0x20200, s11;
	s9 =	sadd.s32 $0xDA00, s11;
	s11 =	simm.s32 $0x80  }
.LBB2_1:
0xc: {  	s14 =	sadd.s32 $0x0, s7  }
0xd: {  	[tilespmem:s2], [sflag:$0x2] =	stream.linear.gather [hbm4b:s14+s2], $0x80, $0x38;
	[tilespmem:$0x4080] =	vst v63  }
0xe: {  	_ =	swait.ge [sflag:s10], $0x80  }
0xf: {  	[sflag:s10] =	ssyncset.done $0x0  }
0x10: {  	[sflag:s10] =	ssyncadd.s32 $0xFFFFFF80  }
0x11: {  	[tilespmem:s11], [sflag:$0x1] =	stream.indirect.gather [hbm4b:s3+s11], $0x80, s2, s11, $0xb8;
	[tilespmem:$0x4080] =	vst v63  }
0x12: {  	_ =	swait.ge [sflag:s12], $0x4000  }
0x13: {  	[sflag:s12] =	ssyncset.done $0x0  }
0x14: {  	[sflag:s12] =	ssyncadd.s32 $0xFFFFC000  }
0x15: {  	[hbm4b:s6+s2] =	stream.linear.scatter [tilespmem:s11], [sflag:$0x2], $0x4000, $0x38;
	[tilespmem:$0x4080] =	vst v63  }
0x16: {  	s17 =	sadd.s32 $0x10, s7;
	_ =	swait.ge [sflag:s10], $0x4000  }
0x17: {  	s15 =	simm.s32 $0x20;
	s14 =	sadd.s32 $0x800, s6;
	[sflag:s10] =	ssyncset.done $0x0  }
.LBB2_2:
0x18: {  	s18 =	sadd.s32 s15, s7;
	s16 =	simm.s32 $0x0;
	[sflag:s10] =	ssyncadd.s32 $0xFFFFC000  }
0x19: {  	[tilespmem:s16], [sflag:$0x2] =	stream.linear.gather [hbm4b:s17+s16], $0x80, $0x38;
	[tilespmem:$0x4080] =	vst v63  }
0x1a: {  	p0 =	sne.s32 s15, $0x930;
	s15 =	sadd.s32 $0x10, s15;
	_ =	swait.ge [sflag:s10], $0x80  }
0x1b: {  	s17 =	smov.u32 s18;
	[sflag:s10] =	ssyncset.done $0x0  }
0x1c: {  	[sflag:s10] =	ssyncadd.s32 $0xFFFFFF80  }
0x1d: {  	[tilespmem:s11], [sflag:$0x1] =	stream.indirect.gather [hbm4b:s3+s11], $0x80, s16, s11, $0xb8;
	[tilespmem:$0x4080] =	vst v63  }
0x1e: {  	_ =	swait.ge [sflag:s12], $0x4000  }
.Ltmp0:
0x1f: {  	[sflag:s12] =	ssyncset.done $0x0;
	(pc) =	sbr.rel @p0 .LBB2_2-.Ltmp0, $4  }
0x20: {  	[sflag:s12] =	ssyncadd.s32 $0xFFFFC000  }
0x21: {  	[hbm4b:s14+s16] =	stream.linear.scatter [tilespmem:s11], [sflag:$0x2], $0x4000, $0x38;
	[tilespmem:$0x4080] =	vst v63  }
0x22: {  	_ =	swait.ge [sflag:s10], $0x4000  }
0x23: {  	s14 =	sadd.s32 $0x800, s14;
	[sflag:s10] =	ssyncset.done $0x0  }
0x24: {  	[sflag:s10] =	ssyncadd.s32 $0xFFFFC000  }
0x25: {  	[tilespmem:s16], [sflag:$0x2] =	stream.linear.gather [hbm4b:s17+s16], $0x80, $0x38;
	[tilespmem:$0x4080] =	vst v63  }
0x26: {  	_ =	swait.ge [sflag:s10], $0x80  }
0x27: {  	[sflag:s10] =	ssyncset.done $0x0  }
0x28: {  	[sflag:s10] =	ssyncadd.s32 $0xFFFFFF80  }
0x29: {  	[tilespmem:s11], [sflag:$0x1] =	stream.indirect.gather [hbm4b:s3+s11], $0x80, s16, s11, $0xb8;
	[tilespmem:$0x4080] =	vst v63  }
0x2a: {  	_ =	swait.ge [sflag:s12], $0x4000  }
0x2b: {  	p1 =	por $0x1, $0x1;
	[sflag:s12] =	ssyncset.done $0x0  }
.Ltmp1:
0x2c: {  	[sflag:s12] =	ssyncadd.s32 $0xFFFFC000;
	(pc) =	sbr.rel @!p1 .LBB2_8-.Ltmp1, $4  }
0x2d: {  	[hbm4b:s14+s16] =	stream.linear.scatter [tilespmem:s11], [sflag:$0x2], $0x4000, $0x38;
	[tilespmem:$0x4080] =	vst v63  }
0x2e: {  	_ =	swait.ge [sflag:s10], $0x4000  }
0x2f: {  	p0 =	por $0x0, $0x0;
	[sflag:s10] =	ssyncset.done $0x0  }
0x30: {  	s15 =	smov.u32 s8;
	s14 =	simm.s32 $0x10;
	[sflag:s10] =	ssyncadd.s32 $0xFFFFC000  }
0x31: {  	s15 =	sadd.s32 $0x0, s9  }
0x32: {  	[tilespmem:s2], [sflag:$0x2] =	stream.linear.gather [hbm4b:s15+s2], $0x80, $0x38;
	[tilespmem:$0x4080] =	vst v63  }
0x33: {  	_ =	swait.ge [sflag:s10], $0x80  }
0x34: {  	[sflag:s10] =	ssyncset.done $0x0  }
0x35: {  	[sflag:s10] =	ssyncadd.s32 $0xFFFFFF80  }
0x36: {  	[tilespmem:s11], [sflag:$0x1] =	stream.indirect.gather [hbm4b:s4+s11], $0x80, s2, s11, $0xb8;
	[tilespmem:$0x4080] =	vst v63  }
0x37: {  	p1 =	por $0x1, $0x1;
	_ =	swait.ge [sflag:s12], $0x4000  }
.Ltmp2:
0x38: {  	[sflag:s12] =	ssyncset.done $0x0;
	(pc) =	sbr.rel @!p1 .LBB2_5-.Ltmp2, $4  }
0x39: {  	[sflag:s12] =	ssyncadd.s32 $0xFFFFC000  }
0x3a: {  	[hbm4b:s8+s2] =	stream.linear.scatter [tilespmem:s11], [sflag:$0x2], $0x4000, $0x38;
	[tilespmem:$0x4080] =	vst v63  }
0x3b: {  	s16 =	simm.s32 $0x20;
	_ =	swait.ge [sflag:s10], $0x4000  }
0x3c: {  	p0 =	por $0x1, $0x1;
	s15 =	sadd.s32 $0x800, s8;
	[sflag:s10] =	ssyncset.done $0x0  }
.LBB2_6:
0x3d: {  	s17 =	sadd.s32 s14, s9  }
0x3e: {  	[sflag:s10] =	ssyncadd.s32 $0xFFFFC000;
	s14 =	smov.u32 s16;
	s18 =	sadd.s32 $0x10, s16  }
0x3f: {  	[tilespmem:s2], [sflag:$0x2] =	stream.linear.gather [hbm4b:s17+s2], $0x80, $0x38;
	[tilespmem:$0x4080] =	vst v63  }
0x40: {  	p1 =	sne.s32 s16, $0x930;
	_ =	swait.ge [sflag:s10], $0x80  }
0x41: {  	[sflag:s10] =	ssyncset.done $0x0  }
0x42: {  	[sflag:s10] =	ssyncadd.s32 $0xFFFFFF80  }
0x43: {  	[tilespmem:s11], [sflag:$0x1] =	stream.indirect.gather [hbm4b:s4+s11], $0x80, s2, s11, $0xb8;
	[tilespmem:$0x4080] =	vst v63  }
0x44: {  	_ =	swait.ge [sflag:s12], $0x4000  }
.Ltmp3:
0x45: {  	[sflag:s12] =	ssyncset.done $0x0;
	(pc) =	sbr.rel @p1 .LBB2_6-.Ltmp3, $4  }
0x46: {  	[sflag:s12] =	ssyncadd.s32 $0xFFFFC000  }
0x47: {  	[hbm4b:s15+s2] =	stream.linear.scatter [tilespmem:s11], [sflag:$0x2], $0x4000, $0x38;
	[tilespmem:$0x4080] =	vst v63  }
0x48: {  	_ =	swait.ge [sflag:s10], $0x4000  }
0x49: {  	s16 =	smov.u32 s18;
	s15 =	sadd.s32 $0x800, s15;
	[sflag:s10] =	ssyncset.done $0x0  }
0x4a: {  	s16 =	smov.u32 s14  }
.LBB2_8:
0x4b: {  	s14 =	sadd.s32 s16, s9;
	[sflag:s10] =	ssyncadd.s32 @p0 $0xFFFFC000  }
0x4c: {  	[tilespmem:s2], [sflag:$0x2] =	stream.linear.gather [hbm4b:s14+s2], $0x80, $0x38;
	[tilespmem:$0x4080] =	vst v63  }
0x4d: {  	_ =	swait.ge [sflag:s10], $0x80  }
0x4e: {  	[sflag:s10] =	ssyncset.done $0x0  }
0x4f: {  	[sflag:s10] =	ssyncadd.s32 $0xFFFFFF80  }
0x50: {  	[tilespmem:s11], [sflag:$0x1] =	stream.indirect.gather [hbm4b:s4+s11], $0x80, s2, s11, $0xb8;
	[tilespmem:$0x4080] =	vst v63  }
0x51: {  	_ =	swait.ge [sflag:s12], $0x4000  }
0x52: {  	s13 =	sadd.s32 $0x1, s13;
	[sflag:s12] =	ssyncset.done $0x0  }
0x53: {  	p0 =	sne.s32 s13, s5;
	[sflag:s12] =	ssyncadd.s32 $0xFFFFC000  }
0x54: {  	[hbm4b:s15+s2] =	stream.linear.scatter [tilespmem:s11], [sflag:$0x2], $0x4000, $0x38;
	[tilespmem:$0x4080] =	vst v63  }
.Ltmp4:
0x55: {  	_ = 	snop;
	(pc) =	sbr.rel @p0 .LBB2_1-.Ltmp4, $4  }
.Ltmp5:
0x56: {  	_ = 	snop;
	(pc) =	sbr.rel @!p0 .LBB2_9-.Ltmp5, $4  }
0x57: {  	_ =	swait.ge [sflag:s10], $0x4000  }
0x58: {  	[sflag:s10] =	ssyncset.done $0x0  }
0x59: {  	[sflag:s10] =	ssyncadd.s32 $0xFFFFC000  }
0x5a: {  	_ = 	snop  }
.LBB2_5:
.Ltmp6:
0x5b: {  	(pc) =	sbr.rel .LBB2_8-.Ltmp6, $2  }
0x5c: {  	_ =	sdelay $0x2  }
0x5d: {  	s16 =	simm.s32 $0x10  }
.LBB2_9:
0x5e: {  	_ =	sfence.sel $0x180000  }
0x5f: {  	[bflag:$0x0] =	sbarrier.arrive $0xFFFF  }
0x60: {  	p0 =	sne.s32 s1, $0x0;
	_ =	strace $0x90000053  }
0x61: {  	s0 =	sadd.s32 @!p0 $0x100000, s0;
	[bflag:$0x2] =	sbarrier.arrive $0xFFFF  }
0x62: {  	[sflag:s0] =	ssyncadd.tile.s32 @!p0 $0x1;
	_ =	shalt  }
.Lfunc_end2:
_tile_overlayer_lowered:
.L_overlay_start_2:
0x63: {  	(tag) =	ssettag $0x2  }
0x64: {  	s0 =	rddreg [dreg:$0x0];
	s2 =	stileid.u32  }
0x65: {  	s1 =	rddreg [dreg:$0x1];
	p0 =	sne.s32 s2, $0x0  }
0x66: {  	s3 =	rddreg [dreg:$0x2];
	[bflag:$0x3] =	sbarrier.arrive $0xFFFF;
	s2 =	simm.s32 @!p0 $0x1C02  }
0x67: {  	[timem:s3], [sflag:s2] =	dma.local @!p0 [hbm:s0], s1  }
0x68: {  	s0 =	simm.s32 @!p0 $0x2  }
0x69: {  	_ =	swait.ge @!p0 [sflag:s0], s1  }
0x6a: {  	s1 =	ssub.s32 @!p0 $0x0, s1;
	[sflag:s0] =	ssyncset.done @!p0 $0x0  }
0x6b: {  	[sflag:s0] =	ssyncadd.s32 @!p0 s1  }
0x6c: {  	[bflag:$0x3] =	sbarrier.arrive $0xFFFF  }
0x6d: {  	_ =	shalt  }

// kernel: kernel.35.cloned.1.call-start
scs
__scs_entry_jumppad:
0x0: {  	(pc) =	sbr.rel $0x88, $3  }
0x1: {  	(tag) =	ssettag $0x0;
	lr =	simm.s32 $0x1  }
0x2: {  	[smem:$0x3F54] =	sst lr;
	_ =	strace $0xD0000000  }
0x3: {  	_ = 	snop  }
0x4: {  	_ = 	snop  }
0x5: {  	_ = 	snop  }
0x6: {  	_ = 	snop  }
0x7: {  	_ = 	snop  }
__scs_overlays_trampoline_lowered:
0x8: {  	[smem:$0x3F63] =	sst s0  }
0x9: {  	[smem:$0x3F64] =	sst s1  }
0xa: {  	[smem:$0x3F65] =	sst s2  }
0xb: {  	[smem:$0x3F66] =	sst s3  }
0xc: {  	[smem:$0x3F67] =	sst s4  }
0xd: {  	[smem:$0x3F68] =	sst s5  }
0xe: {  	[smem:$0x3F69] =	sst s6  }
0xf: {  	[smem:$0x3F6A] =	sst s7  }
0x10: {  	[smem:$0x3F6B] =	sst s8  }
0x11: {  	[smem:$0x3F6C] =	sst s9;
	s0 =	simm.s32 @!p0 $0x0  }
0x12: {  	s1 =	sld [smem:$0x3F52];
	s0 =	simm.s32 @p0 $0x1  }
0x13: {  	[smem:$0x3F6D] =	sst s0;
	s0 =	simm.s32 @!p1 $0x0  }
0x14: {  	s2 =	sld [smem:$0x3F51];
	s0 =	simm.s32 @p1 $0x1  }
0x15: {  	[smem:$0x3F6E] =	sst s0;
	s0 =	simm.s32 @!p2 $0x0  }
0x16: {  	s3 =	sld [smem:$0x3FDB];
	s0 =	simm.s32 @p2 $0x1  }
0x17: {  	s4 =	simm.s32 $0x1BF5;
	[smem:$0x3F70] =	sst s0  }
0x18: {  	s0 =	sld [smem:$0x3F53];
	_ =	swait.ge [sflag:s4], $0x0  }
0x19: {  	s7 =	sld [smem:$0x3F54]  }
0x1a: {  	s8 =	sadd.s32 $0xFFFFE003, lr  }
0x1b: {  	s9 =	sadd.s32 $0xFFFFFEF7, lr;
	s5 =	simm.s32 $0xFFFFFFFF;
	p2 =	slt.u32 s8, $0xFFFFF086  }
0x1c: {  	p1 =	slt.u32 s9, $0xF7A;
	s5 =	simm.s32 @!p2 $0x0  }
0x1d: {  	s5 =	simm.s32 @p1 $0x1;
	p0 =	seq.s32 s7, s2  }
0x1e: {  	s7 =	smul.u32 @!p0 $0xF7A, s2;
	p2 =	seq.s32 @!p0 s5, $0x0  }
0x1f: {  	s9 =	smul.u32 $0xF7A, s1;
	s8 =	simm.s32 @!p0 $0x1BF5;
	p2 =	por !p2, p0  }
0x20: {  	[sflag:s8] =	ssyncset.s32 @!p0 $0xFFFFF086;
	s6 =	sadd.s32 @!p0 s3, s7;
	s7 =	simm.s32 @!p0 $0x108  }
0x21: {  	s3 =	sadd.s32 s3, s9;
	s6 =	sadd.s32 @!p0 $0x88, s6;
	s7 =	simm.s32 @p2 $0x1082  }
0x22: {  	[simem:s7], [sflag:s8] =	dma.local @!p0 [hbm:s6], $0xF7A  }
0x23: {  	s9 =	sor.u32 $0xD0000000, s2;
	s6 =	simm.s32 $0x108;
	_ =	swait.ge @!p0 [sflag:s8], $0x0  }
0x24: {  	s3 =	sadd.s32 $0x88, s3;
	s6 =	simm.s32 @!p1 $0x1082;
	[sflag:s4] =	ssyncset.s32 $0xFFFFF086  }
0x25: {  	[simem:s6], [sflag:s4] =	dma.local [hbm:s3], $0xF7A  }
0x26: {  	[smem:$0x3F54] =	sst s1;
	(tag) =	ssettag s2;
	_ =	strace s9  }
0x27: {  	s1 =	sld [smem:$0x3F64]  }
0x28: {  	s2 =	sld [smem:$0x3F65]  }
0x29: {  	s4 =	sld [smem:$0x3F67]  }
0x2a: {  	p0 =	seq.s32 s5, $0x0;
	s5 =	sld [smem:$0x3F68]  }
0x2b: {  	s6 =	sld [smem:$0x3F69]  }
0x2c: {  	s7 =	sld [smem:$0x3F6A]  }
0x2d: {  	s3 =	simm.s32 $0x108;
	s8 =	sld [smem:$0x3F6B]  }
0x2e: {  	s3 =	simm.s32 @!p0 $0x1082;
	s9 =	sld [smem:$0x3F6C]  }
0x2f: {  	lr =	sadd.s32 s0, s3;
	s0 =	sld [smem:$0x3F63]  }
0x30: {  	s3 =	sld [smem:$0x3F66]  }
0x31: {  	[smem:$0x3F6F] =	sst s10  }
0x32: {  	s10 =	sld [smem:$0x3F6D];
	_ =	sdelay $0x3  }
0x33: {  	p0 =	seq.s32 s10, $0x1;
	s10 =	sld [smem:$0x3F6F];
	_ =	sdelay $0x3  }
0x34: {  	[smem:$0x3F6F] =	sst s10  }
0x35: {  	s10 =	sld [smem:$0x3F6E];
	_ =	sdelay $0x3  }
0x36: {  	p1 =	seq.s32 s10, $0x1;
	s10 =	sld [smem:$0x3F6F];
	_ =	sdelay $0x3  }
0x37: {  	[smem:$0x3F6F] =	sst s10  }
0x38: {  	s10 =	sld [smem:$0x3F70]  }
0x39: {  	_ = 	snop;
	(pc) =	sbr.ind lr, $3  }
0x3a: {  	_ = 	snop  }
0x3b: {  	_ = 	snop  }
0x3c: {  	p2 =	seq.s32 s10, $0x1;
	s10 =	sld [smem:$0x3F6F]  }
0x3d: {  	_ =	shalt  }
0x3e: {  	_ =	shalt  }
0x3f: {  	_ =	shalt  }
0x40: {  	_ =	shalt  }
0x41: {  	_ =	shalt  }
0x42: {  	_ =	shalt  }
0x43: {  	_ =	shalt  }
0x44: {  	_ =	shalt  }
0x45: {  	_ =	shalt  }
0x46: {  	_ =	shalt  }
0x47: {  	_ =	shalt  }
0x48: {  	_ =	shalt  }
0x49: {  	_ =	shalt  }
0x4a: {  	_ =	shalt  }
0x4b: {  	_ =	shalt  }
0x4c: {  	_ =	shalt  }
0x4d: {  	_ =	shalt  }
0x4e: {  	_ =	shalt  }
0x4f: {  	_ =	shalt  }
0x50: {  	_ =	shalt  }
0x51: {  	_ =	shalt  }
0x52: {  	_ =	shalt  }
0x53: {  	_ =	shalt  }
0x54: {  	_ =	shalt  }
0x55: {  	_ =	shalt  }
0x56: {  	_ =	shalt  }
0x57: {  	_ =	shalt  }
0x58: {  	_ =	shalt  }
0x59: {  	_ =	shalt  }
0x5a: {  	_ =	shalt  }
0x5b: {  	_ =	shalt  }
0x5c: {  	_ =	shalt  }
0x5d: {  	_ =	shalt  }
0x5e: {  	_ =	shalt  }
0x5f: {  	_ =	shalt  }
0x60: {  	_ =	shalt  }
0x61: {  	_ =	shalt  }
0x62: {  	_ =	shalt  }
0x63: {  	_ =	shalt  }
0x64: {  	_ =	shalt  }
0x65: {  	_ =	shalt  }
0x66: {  	_ =	shalt  }
0x67: {  	_ =	shalt  }
0x68: {  	_ =	shalt  }
0x69: {  	_ =	shalt  }
0x6a: {  	_ =	shalt  }
0x6b: {  	_ =	shalt  }
0x6c: {  	_ =	shalt  }
0x6d: {  	_ =	shalt  }
0x6e: {  	_ =	shalt  }
0x6f: {  	_ =	shalt  }
0x70: {  	_ =	shalt  }
0x71: {  	_ =	shalt  }
0x72: {  	_ =	shalt  }
0x73: {  	_ =	shalt  }
0x74: {  	_ =	shalt  }
0x75: {  	_ =	shalt  }
0x76: {  	_ =	shalt  }
0x77: {  	_ =	shalt  }
0x78: {  	_ =	shalt  }
0x79: {  	_ =	shalt  }
0x7a: {  	_ =	shalt  }
0x7b: {  	_ =	shalt  }
0x7c: {  	_ =	shalt  }
0x7d: {  	_ =	shalt  }
0x7e: {  	_ =	shalt  }
0x7f: {  	_ =	shalt  }
0x80: {  	_ =	shalt  }
0x81: {  	_ =	shalt  }
0x82: {  	_ =	shalt  }
0x83: {  	_ =	shalt  }
0x84: {  	_ =	shalt  }
0x85: {  	_ =	shalt  }
0x86: {  	_ =	shalt  }
0x87: {  	_ =	shalt  }
.Lfunc_end0:
.L_simem_size_0:
called_computation.5_lowered:
.L_overlay_start_0:
0x88: {  	s2 =	sld [smem:$0x3FD9]  }
0x89: {  	s3 =	sld [smem:$0x3FFE];
	_ =	sdelay $0x1  }
0x8a: {  	s1 =	srdreg.scid  }
0x8b: {  	s0 =	sand.u32 $0x1, s1  }
0x8c: {  	s17 =	sshll.u32 s0, $0xA;
	s2 =	sadd.s32 s3, s2  }
0x8d: {  	s2 =	sadd.s32 s2, s17  }
0x8e: {  	[smem:$0x3F7B] =	sst s2  }
0x8f: {  	_ = 	snop  }
0x90: {  	s2 =	sld [smem:$0x3FD0];
	(tm) =	ssettm $0x1  }
0x91: {  	s18 =	sld [smem:$0x3FFB];
	_ =	sdelay $0x3  }
0x92: {  	_ =	strace s18  }
0x93: {  	s3 =	sld [smem:$0x3FFC];
	_ =	sdelay $0x3  }
0x94: {  	_ =	strace s3  }
0x95: {  	s3 =	sld [smem:$0x3FFD];
	_ =	sdelay $0x3  }
0x96: {  	_ =	strace s3  }
0x97: {  	_ =	strace $0x8FFFFFFF  }
0x98: {  	s19 =	sld [smem:$0x3FDB];
	_ =	sdelay $0x1  }
0x99: {  	s4 =	simm.s32 $_scs_section_size  }
0x9a: {  	s5 =	simm.s32 $_size__tile_overlayer_lowered;
	s6 =	simm.s32 $_tile_overlayer_lowered  }
0x9b: {  	s22 =	simm.s32 $0x1BFF;
	s21 =	sshll.u32 s6, $0x1;
	s3 =	sadd.s32 s4, s19  }
0x9c: {  	s7 =	simm.s32 $0x0;
	s20 =	sshll.u32 s5, $0x1;
	s5 =	sadd.s32 s21, s3  }
0x9d: {  	[timem:s7], [sflag:s22] =	dma.local [hbm:s5], s20  }
0x9e: {  	_ =	swait.ge [sflag:s22], s20  }
0x9f: {  	s4 =	ssub.s32 $0x0, s20;
	[sflag:s22] =	ssyncset.done $0x0  }
0xa0: {  	[sflag:s22] =	ssyncadd.s32 s4;
	_ =	sdelay $0x1  }
0xa1: {  	s23 =	simm.s32 $0x1B8B  }
0xa2: {  	_ =	swait.ge [sflag:s23], $0x1  }
0xa3: {  	[sflag:s23] =	ssyncset.done $0x0  }
0xa4: {  	s25 =	simm.s32 $0x1B8E;
	s24 =	sld [smem:$0x3FFE];
	[sflag:s23] =	ssyncadd.s32 $0xFFFFFFFF  }
0xa5: {  	s26 =	simm.s32 $execute0_lowered;
	[smem:$0x3FD2] =	sst s25  }
0xa6: {  	s5 =	sshll.u32 s26, $0x1;
	_ =	strace $0x80000055;
	[dreg:$0x1] =	wrdreg $0xFFFFFFFF  }
0xa7: {  	s28 =	simm.s32 $_size_execute0_lowered;
	s3 =	sadd.s32 s3, s5;
	[dreg:$0x0] =	wrdreg $0x0  }
0xa8: {  	s5 =	sshll.u32 s28, $0x1;
	[dreg:$0x2] =	wrdreg s3  }
0xa9: {  	[dreg:$0x3] =	wrdreg s5  }
0xaa: {  	[dreg:$0x4] =	wrdreg $0xC0  }
0xab: {  	_ =	task [dreg:s7], $0x5FFFF  }
0xac: {  	[dreg:$0x1] =	wrdreg $0xFFFFFFFF  }
0xad: {  	[dreg:$0x0] =	wrdreg $0x60  }
0xae: {  	[dreg:$0x2] =	wrdreg s24  }
0xaf: {  	[dreg:$0x3] =	wrdreg s2  }
0xb0: {  	[dreg:$0x4] =	wrdreg $0x40800  }
0xb1: {  	[dreg:$0x5] =	wrdreg $0x9  }
0xb2: {  	_ =	task.clear_ibuf [dreg:s7], $0x6FFFF;
	_ =	strace $0x90000055  }
0xb3: {  	s29 =	simm.s32 $0x9;
	_ =	strace $0x80000057  }
0xb4: {  	_ =	swait.ge [sflag:s29], $0x1  }
0xb5: {  	[sflag:s29] =	ssyncadd.s32 $0xFFFFFFFF  }
0xb6: {  	_ =	strace $0x90000057  }
0xb7: {  	_ =	sfence  }
0xb8: {  	s30 =	sld [smem:$0x0];
	_ =	sdelay $0x2  }
0xb9: {  	s31 =	sshll.u32 s1, $0xD;
	s1 =	sshrl.u32 s1, $0x2  }
0xba: {  	s3 =	sand.u32 $0x4000, s31;
	s1 =	sadd.s32 s1, s30  }
0xbb: {  	s0 =	sor.u32 s3, s0;
	s1 =	sshll.u32 s1, $0x11  }
0xbc: {  	s0 =	sor.u32 s1, s0  }
0xbd: {  	s0 =	sadd.s32 $0x8F2B, s0  }
0xbe: {  	[sflag:s0] =	ssyncadd.remote.s32 $0x1  }
0xbf: {  	_ =	sfence.sel $0xFFFF  }
0xc0: {  	[dreg:$0x0] =	wrdreg $0xFFFFFFFF;
	(pc) =	sbr.abs _section_cstart, $3  }
0xc1: {  	[dreg:$0x1] =	wrdreg $0xFFFFFFFF  }
0xc2: {  	_ =	task.clear_ibuf [dreg:s7], $0x2FFFF;
	_ =	strace $0x9FFFFFFF  }
0xc3: {  	(tm) =	ssettm $0x7FFFFFFF  }
tec
execute0_lowered:
.L_overlay_start_1:
0x0: {  	(tag) =	ssettag $0x1  }
0x1: {  	s3 =	rddreg [dreg:$0x0]  }
0x2: {  	s12 =	stileid.u32;
	s5 =	rddreg [dreg:$0x1]  }
0x3: {  	s0 =	srdreg.scid;
	s1 =	rddreg [dreg:$0x2];
	s2 =	simm.s32 $0x0  }
0x4: {  	s4 =	sand.u32 $0x1, s0;
	s6 =	smul.u32 $0x9400, s12;
	s0 =	rddreg [dreg:$0x3]  }
0x5: {  	s8 =	smul.u32 $0x94000, s12;
	[smem:$0x7FF] =	sst s2  }
0x6: {  	s10 =	sshll.u32 s12, $0xE;
	p0 =	sne.s32 s12, $0x0;
	s31 =	sshll.u32 s12, $0x6  }
0x7: {  	p1 =	sgt.u32 s12, $0x6;
	s7 =	smul.u32 $0x4A00, s4;
	_ =	strace $0x80000056  }
0x8: {  	s29 =	ssub.s32 $0x2, s4;
	s9 =	smul.u32 $0x5C000, s4;
	s13 =	sor.u32 $0x40000, s10  }
0x9: {  	s14 =	smul.u32 $0x4A000, s4;
	s15 =	sadd.s32 s10, s1;
	s12 =	sor.u32 $0x1C01, s31  }
0xa: {  	s26 =	sadd.s32 s8, s3;
	s11 =	sshrl.u32 s29, $0x1;
	s16 =	sadd.s32 s13, s1  }
0xb: {  	s6 =	sadd.s32 s7, s6;
	s30 =	sadd.s32 s10, s9;
	s9 =	sadd.s32 s9, s13  }
0xc: {  	s7 =	sadd.s32 s14, s26;
	s10 =	simm.s32 $0x1;
	s13 =	sshrl.u32 s15, $0x3  }
0xd: {  	s14 =	sshrl.u32 @!p1 s16, $0x3;
	s15 =	simm.s32 $0x0;
	s6 =	sshrl.u32 s6, $0x3  }
0xe: {  	s9 =	sshrl.u32 s9, $0x3;
	s7 =	sadd.s32 $0x1AB2A00, s7;
	s28 =	sadd.s32 s6, s3  }
0xf: {  	s3 =	sadd.s32 $0x432A00, s3;
	s6 =	ssub.s32 s29, s11;
	s11 =	sshrl.u32 s30, $0x3  }
0x10: {  	s4 =	sadd.s32 s5, s11;
	s5 =	sadd.s32 s5, s9;
	s6 =	smax.u32 s6, $0x1  }
0x11: {  	s8 =	sadd.s32 $0xDA00, s28;
	s9 =	sshrl.u32 @!p0 s1, $0x3;
	s11 =	simm.s32 $0x80  }
.LBB2_1:
0x12: {  	s16 =	simm.s32 @!p0 $0x1C01  }
0x13: {  	[spmem:s9], [sflag:s16] =	dma.local @!p0 [hbm:s3], $0xB800  }
0x14: {  	s16 =	simm.s32 @!p0 $0x1  }
0x15: {  	_ =	swait.ge @!p0 [sflag:s16], $0xB800  }
0x16: {  	[sflag:s16] =	ssyncset.done @!p0 $0x0  }
0x17: {  	[sflag:s16] =	ssyncadd.s32 @!p0 $0xFFFF4800  }
0x18: {  	s31 =	sadd.s32 $0x0, s8;
	[bflag:$0x0] =	sbarrier.arrive $0xFFFF  }
0x19: {  	[tilespmem:s2], [sflag:$0x1] =	stream.linear.gather [hbm4b:s31+s2], $0x80, $0x38;
	[tilespmem:$0x9C80] =	vst v63  }
0x1a: {  	_ =	swait.ge [sflag:s10], $0x80  }
0x1b: {  	[sflag:s10] =	ssyncset.done $0x0  }
0x1c: {  	[sflag:s10] =	ssyncadd.s32 $0xFFFFFF80  }
0x1d: {  	[tilespmem:s11], [sflag:$0x1] =	stream.linear.gather [hbm4b:s7+s2], $0x4000, $0x38;
	[tilespmem:$0x9C80] =	vst v63  }
0x1e: {  	_ =	swait.ge [sflag:s10], $0x4000  }
0x1f: {  	[sflag:s10] =	ssyncset.done $0x0  }
0x20: {  	[sflag:s10] =	ssyncadd.s32 $0xFFFFC000  }
0x21: {  	[spmem:s1] =	stream.indirect.scatter.add.f32 [tilespmem:s11], [sflag:$0x1], $0x80, s2, s11, $0xb8;
	[tilespmem:$0x9C80] =	vst v63  }
0x22: {  	s17 =	simm.s32 $0x10;
	_ =	swait.ge [sflag:s10], $0x4000  }
0x23: {  	s18 =	simm.s32 $0x20;
	s16 =	sadd.s32 $0x800, s7;
	[sflag:s10] =	ssyncset.done $0x0  }
.LBB2_2:
0x24: {  	s19 =	sadd.s32 s17, s8  }
0x25: {  	[sflag:s10] =	ssyncadd.s32 $0xFFFFC000;
	s17 =	smov.u32 s18;
	s20 =	sadd.s32 $0x10, s18  }
0x26: {  	[tilespmem:s2], [sflag:$0x1] =	stream.linear.gather [hbm4b:s19+s2], $0x80, $0x38;
	[tilespmem:$0x9C80] =	vst v63  }
0x27: {  	p2 =	sne.s32 s18, $0x930;
	_ =	swait.ge [sflag:s10], $0x80  }
0x28: {  	[sflag:s10] =	ssyncset.done $0x0  }
0x29: {  	[sflag:s10] =	ssyncadd.s32 $0xFFFFFF80  }
0x2a: {  	[tilespmem:s11], [sflag:$0x1] =	stream.linear.gather [hbm4b:s16+s2], $0x4000, $0x38;
	[tilespmem:$0x9C80] =	vst v63  }
0x2b: {  	_ =	swait.ge [sflag:s10], $0x4000  }
.Ltmp0:
0x2c: {  	[sflag:s10] =	ssyncset.done $0x0;
	(pc) =	sbr.rel @p2 .LBB2_2-.Ltmp0, $4  }
0x2d: {  	[sflag:s10] =	ssyncadd.s32 $0xFFFFC000  }
0x2e: {  	[spmem:s1] =	stream.indirect.scatter.add.f32 [tilespmem:s11], [sflag:$0x1], $0x80, s2, s11, $0xb8;
	[tilespmem:$0x9C80] =	vst v63  }
0x2f: {  	_ =	swait.ge [sflag:s10], $0x4000  }
0x30: {  	s18 =	smov.u32 s20;
	s16 =	sadd.s32 $0x800, s16;
	[sflag:s10] =	ssyncset.done $0x0  }
0x31: {  	s17 =	sadd.s32 s17, s8;
	[sflag:s10] =	ssyncadd.s32 $0xFFFFC000  }
0x32: {  	[tilespmem:s2], [sflag:$0x1] =	stream.linear.gather [hbm4b:s17+s2], $0x80, $0x38;
	[tilespmem:$0x9C80] =	vst v63  }
0x33: {  	_ =	swait.ge [sflag:s10], $0x80  }
0x34: {  	[sflag:s10] =	ssyncset.done $0x0  }
0x35: {  	[sflag:s10] =	ssyncadd.s32 $0xFFFFFF80  }
0x36: {  	[tilespmem:s11], [sflag:$0x1] =	stream.linear.gather [hbm4b:s16+s2], $0x4000, $0x38;
	[tilespmem:$0x9C80] =	vst v63  }
0x37: {  	_ =	swait.ge [sflag:s10], $0x4000  }
0x38: {  	[sflag:s10] =	ssyncset.done $0x0  }
0x39: {  	[sflag:s10] =	ssyncadd.s32 $0xFFFFC000  }
0x3a: {  	[spmem:s1] =	stream.indirect.scatter.add.f32 [tilespmem:s11], [sflag:$0x1], $0x80, s2, s11, $0xb8;
	[tilespmem:$0x9C80] =	vst v63  }
0x3b: {  	_ =	swait.ge [sflag:s10], $0x4000  }
0x3c: {  	[sflag:s10] =	ssyncset.done $0x0  }
0x3d: {  	[sflag:s10] =	ssyncadd.s32 $0xFFFFC000  }
0x3e: {  	[bflag:$0x0] =	sbarrier.arrive $0xFFFF  }
0x3f: {  	[hbm:s4], [sflag:s12] =	dma.local [spmem:s13], $0x800  }
0x40: {  	s15 =	sadd.s32 $0x1, s15;
	_ =	swait.ge [sflag:s10], $0x800  }
0x41: {  	p2 =	sne.s32 s15, s6;
	[sflag:s10] =	ssyncset.done $0x0  }
.Ltmp1:
0x42: {  	s16 =	simm.s32 @!p1 $0x1;
	[sflag:s10] =	ssyncadd.s32 $0xFFFFF800;
	(pc) =	sbr.rel @p2 .LBB2_1-.Ltmp1, $4  }
0x43: {  	[hbm:s5], [sflag:s12] =	dma.local @!p1 [spmem:s14], $0x800  }
0x44: {  	_ =	swait.ge @!p1 [sflag:s16], $0x800  }
0x45: {  	[sflag:s16] =	ssyncset.done @!p1 $0x0  }
0x46: {  	[sflag:s16] =	ssyncadd.s32 @!p1 $0xFFFFF800  }
0x47: {  	_ =	sfence.sel $0x180000  }
0x48: {  	[bflag:$0x0] =	sbarrier.arrive $0xFFFF  }
0x49: {  	_ =	strace $0x90000056  }
0x4a: {  	s0 =	sadd.s32 @!p0 $0x100000, s0;
	[bflag:$0x2] =	sbarrier.arrive $0xFFFF  }
0x4b: {  	[sflag:s0] =	ssyncadd.tile.s32 @!p0 $0x1;
	_ =	shalt  }
.Lfunc_end2:
_tile_overlayer_lowered:
.L_overlay_start_2:
0x4c: {  	(tag) =	ssettag $0x2  }
0x4d: {  	s0 =	rddreg [dreg:$0x0];
	s2 =	stileid.u32  }
0x4e: {  	s1 =	rddreg [dreg:$0x1];
	p0 =	sne.s32 s2, $0x0  }
0x4f: {  	s3 =	rddreg [dreg:$0x2];
	[bflag:$0x3] =	sbarrier.arrive $0xFFFF;
	s2 =	simm.s32 @!p0 $0x1C01  }
0x50: {  	[timem:s3], [sflag:s2] =	dma.local @!p0 [hbm:s0], s1  }
0x51: {  	s0 =	simm.s32 @!p0 $0x1  }
0x52: {  	_ =	swait.ge @!p0 [sflag:s0], s1  }
0x53: {  	s1 =	ssub.s32 @!p0 $0x0, s1;
	[sflag:s0] =	ssyncset.done @!p0 $0x0  }
0x54: {  	[sflag:s0] =	ssyncadd.s32 @!p0 s1  }
0x55: {  	[bflag:$0x3] =	sbarrier.arrive $0xFFFF  }
0x56: {  	_ =	shalt  }

</sc_bundles>
